<compile_context>
chip_gen: v7x
topology: tpu7x:2x2x1
jax: 0.10.2.dev20260603
libtpu: 0.0.44.dev20260713+nightly
codegen_flags: <defaults>
</compile_context>

<pallas_src>
import functools
import math

import jax
import jax.numpy as jnp
from jax import lax
from jax.experimental import pallas as pl
from jax.experimental.pallas import tpu as pltpu
from jax.experimental.pallas import tpu_sc as plsc

N = 50000
E = 800000
IN = 13
H = 128
C = 10
G = 64

NC = 2
NS = 16
FCH = 4
FW = H // FCH

R = 2000
NBLK = N // R
NP = 50048
ST = NP // NS
K = 400
J = 5
NBPT = E // (J * K * NS)
ET = E // NS
ETD = E // (NC * NS)
KD = 1000
BNS = float(1.0 / math.sqrt(1.0 + 1e-5))



def _src4_body(s_ref, o_ref):
    v = s_ref[...]
    for p in range(FCH):
        o_ref[p] = v * 4 + p


def _make_src4(src):
    return pl.pallas_call(
        _src4_body,
        out_shape=jax.ShapeDtypeStruct((FCH, E // 128, 128), jnp.int32),
    )(src.reshape(E // 128, 128)).reshape(FCH * E)


def _a1_body(x_ref, w_ref, ca_ref, cb_ref, hs_ref, dinv_ref):
    cnt = ca_ref[0, :, :1] + cb_ref[0, :, :1]
    dinv = lax.rsqrt(1.0 + cnt)
    dinv_ref[...] = dinv
    y = jnp.dot(x_ref[...], w_ref[...], preferred_element_type=jnp.float32)
    hs_ref[...] = y * dinv


def _a1(x, w1, cnt2):
    return pl.pallas_call(
        _a1_body,
        grid=(NBLK,),
        in_specs=[
            pl.BlockSpec((R, IN), lambda i: (i, 0)),
            pl.BlockSpec((IN, H), lambda i: (0, 0)),
            pl.BlockSpec((1, R, 16), lambda i: (0, i, 0)),
            pl.BlockSpec((1, R, 16), lambda i: (1, i, 0)),
        ],
        out_specs=[
            pl.BlockSpec((R, H), lambda i: (i, 0)),
            pl.BlockSpec((R, 1), lambda i: (i, 0)),
        ],
        out_shape=[
            jax.ShapeDtypeStruct((N, H), jnp.float32),
            jax.ShapeDtypeStruct((N, 1), jnp.float32),
        ],
    )(x, w1, cnt2, cnt2)


def _a_body(h_ref, w_ref, dinv_ref, hs_ref):
    y = jnp.dot(h_ref[...], w_ref[...], preferred_element_type=jnp.float32)
    hs_ref[...] = y * dinv_ref[...]


def _a(h, w, dinv):
    return pl.pallas_call(
        _a_body,
        grid=(NBLK,),
        in_specs=[
            pl.BlockSpec((R, H), lambda i: (i, 0)),
            pl.BlockSpec((H, H), lambda i: (0, 0)),
            pl.BlockSpec((R, 1), lambda i: (i, 0)),
        ],
        out_specs=pl.BlockSpec((R, H), lambda i: (i, 0)),
        out_shape=jax.ShapeDtypeStruct((N, H), jnp.float32),
    )(h, w, dinv)


def _b_body(t_ref, hs_ref, dinv_ref, b_ref, g_ref, be_ref, out_ref):
    v = dinv_ref[...] * (t_ref[...] + hs_ref[...]) + b_ref[...]
    v = v * (g_ref[...] * BNS) + be_ref[...]
    out_ref[...] = jnp.maximum(v, 0.0)


def _b(t, hs, dinv, b, g, be):
    return pl.pallas_call(
        _b_body,
        grid=(NBLK,),
        in_specs=[
            pl.BlockSpec((R, H), lambda i: (i, 0)),
            pl.BlockSpec((R, H), lambda i: (i, 0)),
            pl.BlockSpec((R, 1), lambda i: (i, 0)),
            pl.BlockSpec((1, H), lambda i: (0, 0)),
            pl.BlockSpec((1, H), lambda i: (0, 0)),
            pl.BlockSpec((1, H), lambda i: (0, 0)),
        ],
        out_specs=pl.BlockSpec((R, H), lambda i: (i, 0)),
        out_shape=jax.ShapeDtypeStruct((N, H), jnp.float32),
    )(t, hs, dinv, b, g, be)


def _b3_body(t_ref, hs_ref, dinv_ref, b_ref, g_ref, be_ref, bat_ref,
             sums_ref, cnt_ref, acc, cacc):
    i = pl.program_id(0)

    @pl.when(i == 0)
    def _():
        acc[...] = jnp.zeros_like(acc)
        cacc[...] = jnp.zeros_like(cacc)

    v = dinv_ref[...] * (t_ref[...] + hs_ref[...]) + b_ref[...]
    v = v * (g_ref[...] * BNS) + be_ref[...]
    h = jnp.maximum(v, 0.0)

    oh = (bat_ref[...] == lax.broadcasted_iota(jnp.int32, (R, G), 1))
    oh = oh.astype(jnp.float32)
    acc[...] += lax.dot_general(oh, h, (((0,), (0,)), ((), ())),
                                preferred_element_type=jnp.float32)
    cacc[...] += lax.dot_general(oh, jnp.ones((R, 1), jnp.float32),
                                 (((0,), (0,)), ((), ())),
                                 preferred_element_type=jnp.float32)

    @pl.when(i == NBLK - 1)
    def _():
        sums_ref[...] = acc[...]
        cnt_ref[...] = cacc[...]


def _b3(t, hs, dinv, b, g, be, batch):
    return pl.pallas_call(
        _b3_body,
        grid=(NBLK,),
        in_specs=[
            pl.BlockSpec((R, H), lambda i: (i, 0)),
            pl.BlockSpec((R, H), lambda i: (i, 0)),
            pl.BlockSpec((R, 1), lambda i: (i, 0)),
            pl.BlockSpec((1, H), lambda i: (0, 0)),
            pl.BlockSpec((1, H), lambda i: (0, 0)),
            pl.BlockSpec((1, H), lambda i: (0, 0)),
            pl.BlockSpec((R, 1), lambda i: (i, 0)),
        ],
        out_specs=[
            pl.BlockSpec((G, H), lambda i: (0, 0)),
            pl.BlockSpec((G, 1), lambda i: (0, 0)),
        ],
        out_shape=[
            jax.ShapeDtypeStruct((G, H), jnp.float32),
            jax.ShapeDtypeStruct((G, 1), jnp.float32),
        ],
        scratch_shapes=[
            pltpu.VMEM((G, H), jnp.float32),
            pltpu.VMEM((G, 1), jnp.float32),
        ],
    )(t, hs, dinv, b, g, be, batch)


def _c_body(s_ref, c_ref, w1_ref, b1_ref, w2_ref, b2_ref, o_ref):
    pooled = s_ref[...] / jnp.maximum(c_ref[...], 1.0)
    z = jnp.dot(pooled, w1_ref[...], preferred_element_type=jnp.float32)
    z = jnp.maximum(z + b1_ref[...], 0.0)
    o_ref[...] = jnp.dot(z, w2_ref[...],
                         preferred_element_type=jnp.float32) + b2_ref[...]


def _c(sums, cnt, fc1W, fc1b, fc2W, fc2b):
    return pl.pallas_call(
        _c_body,
        out_shape=jax.ShapeDtypeStruct((G, C), jnp.float32),
    )(sums, cnt, fc1W, fc1b, fc2W, fc2b)



def _mesh():
    return plsc.VectorSubcoreMesh(core_axis_name="c", subcore_axis_name="s",
                                  num_cores=NC, num_subcores=NS)


def _deg_kernel(ei_hbm, ones_hbm, zeros_hbm, cnt_hbm, dstb, onesb, acc):
    cid = lax.axis_index("c")
    sid = lax.axis_index("s")
    lo = sid * ST
    pltpu.sync_copy(zeros_hbm, acc.at[pl.ds(lo, ST)])
    pltpu.sync_copy(ones_hbm, onesb)
    plsc.subcore_barrier()

    base = (cid * NS + sid) * ETD

    def body(ci, _):
        off = base + ci * KD
        pltpu.sync_copy(ei_hbm.at[1, pl.ds(off, KD)], dstb)
        pltpu.sync_copy(onesb, acc.at[dstb], add=True)
        return 0

    lax.fori_loop(0, ETD // KD, body, 0, unroll=False)
    plsc.subcore_barrier()
    pltpu.sync_copy(acc.at[pl.ds(lo, ST)], cnt_hbm.at[cid, pl.ds(lo, ST)])


def _degrees(ei, ones_c, zeros16_c):
    f = functools.partial(
        pl.kernel,
        out_type=jax.ShapeDtypeStruct((NC, NP, 16), jnp.float32),
        mesh=_mesh(),
        scratch_types=[
            pltpu.VMEM((KD,), jnp.int32),
            pltpu.VMEM((KD, 16), jnp.float32),
            pltpu.VMEM_SHARED((NP, 16), jnp.float32),
        ],
        compiler_params=pltpu.CompilerParams(use_tc_tiling_on_sc=False),
    )(_deg_kernel)
    return f(ei, ones_c, zeros16_c)


def _prop_kernel(src4_hbm, ei_hbm, hs_hbm, zeros_hbm, t_hbm,
                 idxb, dstb, rows0, rows1, acc, gsem, ssem):
    cid = lax.axis_index("c")
    sid = lax.axis_index("s")
    lo = sid * ST
    rows = (rows0, rows1)

    def pass_body(q, _):
        p = cid * NC + q
        pltpu.sync_copy(zeros_hbm, acc.at[pl.ds(lo, ST)])
        plsc.subcore_barrier()

        def body(b, _):
            off = sid * ET + b * (J * K)
            pltpu.sync_copy(src4_hbm.at[pl.ds(p * E + off, J * K)], idxb)
            pltpu.sync_copy(ei_hbm.at[1, pl.ds(off, J * K)], dstb)

            gd = [None, None]
            sd = [None, None]
            gd[0] = pltpu.async_copy(
                hs_hbm.at[idxb.at[pl.ds(0, K)]], rows[0], gsem)
            for j in range(J):
                pj = j % 2
                nj = (j + 1) % 2
                if j + 1 < J:
                    if sd[nj] is not None:
                        sd[nj].wait()
                    gd[nj] = pltpu.async_copy(
                        hs_hbm.at[idxb.at[pl.ds((j + 1) * K, K)]],
                        rows[nj], gsem)
                gd[pj].wait()
                sd[pj] = pltpu.async_copy(
                    rows[pj], acc.at[dstb.at[pl.ds(j * K, K)]],
                    ssem, add=True)
            sd[(J - 1) % 2].wait()
            if J > 1:
                sd[J % 2].wait()
            return 0

        lax.fori_loop(0, NBPT, body, 0, unroll=False)
        plsc.subcore_barrier()
        pltpu.sync_copy(acc.at[pl.ds(lo, ST)],
                        t_hbm.at[pl.ds(lo, ST), pl.ds(p * FW, FW)])
        plsc.subcore_barrier()
        return 0

    lax.fori_loop(0, NC, pass_body, 0, unroll=False)


def _propagate(src4, ei, hs, zeros32_c):
    f = functools.partial(
        pl.kernel,
        out_type=jax.ShapeDtypeStruct((NP, H), jnp.float32),
        mesh=_mesh(),
        scratch_types=[
            pltpu.VMEM((J * K,), jnp.int32),
            pltpu.VMEM((J * K,), jnp.int32),
            pltpu.VMEM((K, FW), jnp.float32),
            pltpu.VMEM((K, FW), jnp.float32),
            pltpu.VMEM_SHARED((NP, FW), jnp.float32),
            pltpu.SemaphoreType.DMA,
            pltpu.SemaphoreType.DMA,
        ],
        compiler_params=pltpu.CompilerParams(use_tc_tiling_on_sc=False),
    )(_prop_kernel)
    return f(src4, ei, hs.reshape(FCH * N, FW), zeros32_c)



def kernel(x, edge_index, batch, W1, b1, W2, b2, W3, b3,
           g1, be1, g2, be2, g3, be3, fc1W, fc1b, fc2W, fc2b):
    ones_c = jnp.ones((KD, 16), jnp.float32)
    zeros16_c = jnp.zeros((ST, 16), jnp.float32)
    zeros32_c = jnp.zeros((ST, FW), jnp.float32)

    src4 = _make_src4(edge_index[0])
    cnt2 = _degrees(edge_index, ones_c, zeros16_c)

    hs1, dinv = _a1(x, W1, cnt2)
    t1 = _propagate(src4, edge_index, hs1, zeros32_c)
    h1 = _b(t1, hs1, dinv,
            b1.reshape(1, H), g1.reshape(1, H), be1.reshape(1, H))

    hs2 = _a(h1, W2, dinv)
    t2 = _propagate(src4, edge_index, hs2, zeros32_c)
    h2 = _b(t2, hs2, dinv,
            b2.reshape(1, H), g2.reshape(1, H), be2.reshape(1, H))

    hs3 = _a(h2, W3, dinv)
    t3 = _propagate(src4, edge_index, hs3, zeros32_c)
    sums, cnt = _b3(t3, hs3, dinv,
                    b3.reshape(1, H), g3.reshape(1, H), be3.reshape(1, H),
                    batch.reshape(N, 1))

    return _c(sums, cnt, fc1W, fc1b.reshape(1, H // 2),
              fc2W, fc2b.reshape(1, C))

# --- scband reference (transcript-rebuilt; emitter-appended) ---
"""Pipeline reference for scband-multi-label-vuln-gnn-70626442215629 (READ-ONLY COPY).

The authoritative reference and input builder live on the scoring server;
editing this copy changes nothing except your own understanding.
"""

import jax, jax.numpy as jnp
import numpy as np

N = 50000
E = 800000
IN = 13
H = 128
C = 10
G = 64


def setup_inputs(seed: int = 0) -> dict:
    key = jax.random.key(seed)
    ks = jax.random.split(key, 24)
    inp = {}
    inp["x"] = jax.random.normal(ks[0], (N, IN), dtype=jnp.float32)
    inp["edge_index"] = jax.random.randint(ks[1], (2, E), 0, N, dtype=jnp.int32)
    inp["batch"] = jnp.sort(jax.random.randint(ks[2], (N,), 0, G, dtype=jnp.int32))
    # GCN layer weights (Glorot-ish scale)
    inp["W1"] = jax.random.normal(ks[3], (IN, H), dtype=jnp.float32) * 0.1
    inp["b1"] = jnp.zeros((H,), dtype=jnp.float32)
    inp["W2"] = jax.random.normal(ks[4], (H, H), dtype=jnp.float32) * 0.05
    inp["b2"] = jnp.zeros((H,), dtype=jnp.float32)
    inp["W3"] = jax.random.normal(ks[5], (H, H), dtype=jnp.float32) * 0.05
    inp["b3"] = jnp.zeros((H,), dtype=jnp.float32)
    # BatchNorm affine params (eval mode: running_mean=0, running_var=1)
    inp["g1"] = jnp.ones((H,), dtype=jnp.float32)
    inp["be1"] = jnp.zeros((H,), dtype=jnp.float32)
    inp["g2"] = jnp.ones((H,), dtype=jnp.float32)
    inp["be2"] = jnp.zeros((H,), dtype=jnp.float32)
    inp["g3"] = jnp.ones((H,), dtype=jnp.float32)
    inp["be3"] = jnp.zeros((H,), dtype=jnp.float32)
    # classifier
    inp["fc1W"] = jax.random.normal(ks[6], (H, H // 2), dtype=jnp.float32) * 0.05
    inp["fc1b"] = jnp.zeros((H // 2,), dtype=jnp.float32)
    inp["fc2W"] = jax.random.normal(ks[7], (H // 2, C), dtype=jnp.float32) * 0.05
    inp["fc2b"] = jnp.zeros((C,), dtype=jnp.float32)
    return inp


def _gcn_conv(x, edge_index, W, b):
    src = edge_index[0]
    dst = edge_index[1]
    loop = jnp.arange(N, dtype=src.dtype)
    src = jnp.concatenate([src, loop])
    dst = jnp.concatenate([dst, loop])
    deg = jnp.zeros((N,), dtype=jnp.float32).at[dst].add(1.0)
    dinv = jax.lax.rsqrt(jnp.maximum(deg, 1.0))
    norm = dinv[src] * dinv[dst]
    h = x @ W
    msg = h[src] * norm[:, None]
    out = jnp.zeros((N, W.shape[1]), dtype=jnp.float32).at[dst].add(msg)
    return out + b


def _bn_eval(x, gamma, beta, eps=1e-5):
    # running_mean=0, running_var=1 (eval mode buffers)
    return x / jnp.sqrt(1.0 + eps) * gamma + beta


def reference(x, edge_index, batch, W1, b1, W2, b2, W3, b3, g1, be1, g2, be2, g3, be3, fc1W, fc1b, fc2W, fc2b):
    h = jax.nn.relu(_bn_eval(_gcn_conv(x, edge_index, W1, b1), g1, be1))
    h = jax.nn.relu(_bn_eval(_gcn_conv(h, edge_index, W2, b2), g2, be2))
    h = jax.nn.relu(_bn_eval(_gcn_conv(h, edge_index, W3, b3), g3, be3))
    # global mean pool
    sums = jax.ops.segment_sum(h, batch, num_segments=G)
    cnt = jax.ops.segment_sum(jnp.ones((N, 1), dtype=jnp.float32), batch, num_segments=G)
    pooled = sums / jnp.maximum(cnt, 1.0)
    z = jax.nn.relu(pooled @ fc1W + fc1b)
    logits = z @ fc2W + fc2b
    return logits

if __name__ == "__main__":
    import jax
    _d = setup_inputs()
    print(jax.jit(kernel)(*tuple(_d.values())))

</pallas_src>

<mosaic_0001>
#map = affine_map<(d0, d1) -> (0, 0)>
#map1 = affine_map<(d0, d1) -> (0, 0, 0)>
module attributes {stable_mosaic.version = 14 : i64} {
  func.func @_deg_kernel(%arg0: i32, %arg1: i32, %arg2: memref<2x800000xi32, #tpu.memory_space<hbm>>, %arg3: memref<1000x16xf32, #tpu.memory_space<hbm>>, %arg4: memref<3128x16xf32, #tpu.memory_space<hbm>>, %arg5: memref<2x50048x16xf32, #tpu.memory_space<hbm>>, %arg6: memref<1000xi32, #tpu.memory_space<vmem>>, %arg7: memref<1000x16xf32, #tpu.memory_space<vmem>>, %arg8: memref<50048x16xf32, #tpu.memory_space<vmem_shared>>) attributes {dimension_semantics = [#tpu.dimension_semantics<core_parallel>, #tpu.dimension_semantics<subcore_parallel>], iteration_bounds = array<i64: 2, 16>, scalar_prefetch = 0 : i64, scratch_operands = 3 : i64, tpu.core_type = #tpu.core_type<sc_vector_subcore>, window_params = [{transform_indices = #map}, {transform_indices = #map}, {transform_indices = #map}, {transform_indices = #map1}]} {
    %mul3A = arith.constant 3128 : i32
    %mul3A_0 = arith.muli %arg1, %mul3A : i32
    "tpu.region"() ({
      %run_scoped3A = tpu.sem_alloc : memref<!tpu.dma_semaphore, #tpu.memory_space<semaphore_mem>>
      %dma_start3A = arith.constant 0 : i32
      %dma_start3A_12 = tpu.memref_slice %arg8[%mul3A_0, %dma_start3A] : memref<50048x16xf32, #tpu.memory_space<vmem_shared>> -> memref<3128x16xf32, #tpu.memory_space<vmem_shared>>
      tpu.enqueue_dma source(%arg4 : memref<3128x16xf32, #tpu.memory_space<hbm>>) target(%dma_start3A_12 : memref<3128x16xf32, #tpu.memory_space<vmem_shared>>) target_semaphore(%run_scoped3A : memref<!tpu.dma_semaphore, #tpu.memory_space<semaphore_mem>>)
      %dma_wait3A = arith.constant 0 : i32
      %dma_wait3A_13 = tpu.memref_slice %arg8[%mul3A_0, %dma_wait3A] : memref<50048x16xf32, #tpu.memory_space<vmem_shared>> -> memref<3128x16xf32, #tpu.memory_space<vmem_shared>>
      tpu.wait_dma2 semaphore(%run_scoped3A : memref<!tpu.dma_semaphore, #tpu.memory_space<semaphore_mem>>) src(%arg4 : memref<3128x16xf32, #tpu.memory_space<hbm>>) dst(%dma_wait3A_13 : memref<3128x16xf32, #tpu.memory_space<vmem_shared>>)
      tpu.yield
    }) : () -> ()
    "tpu.region"() ({
      %run_scoped3A = tpu.sem_alloc : memref<!tpu.dma_semaphore, #tpu.memory_space<semaphore_mem>>
      tpu.enqueue_dma source(%arg3 : memref<1000x16xf32, #tpu.memory_space<hbm>>) target(%arg7 : memref<1000x16xf32, #tpu.memory_space<vmem>>) target_semaphore(%run_scoped3A : memref<!tpu.dma_semaphore, #tpu.memory_space<semaphore_mem>>)
      tpu.wait_dma2 semaphore(%run_scoped3A : memref<!tpu.dma_semaphore, #tpu.memory_space<semaphore_mem>>) src(%arg3 : memref<1000x16xf32, #tpu.memory_space<hbm>>) dst(%arg7 : memref<1000x16xf32, #tpu.memory_space<vmem>>)
      tpu.yield
    }) : () -> ()
    %barrier3A = arith.constant 0 : index
    tpu.barrier barrier_id(%barrier3A)
    %mul3A_1 = arith.constant 16 : i32
    %mul3A_2 = arith.muli %arg0, %mul3A_1 : i32
    %add3A = arith.addi %mul3A_2, %arg1 : i32
    %mul3A_3 = arith.constant 25000 : i32
    %mul3A_4 = arith.muli %add3A, %mul3A_3 : i32
    %scan3A = arith.constant 0 : i32
    %scan3A_5 = arith.constant 0 : i32
    %scan3A_6 = arith.constant 25 : i32
    %scan3A_7 = arith.addi %scan3A_5, %scan3A_6 : i32
    %scan3A_8 = arith.constant 1 : i32
    %scan3A_9 = scf.for %scan3A_12 = %scan3A_5 to %scan3A_7 step %scan3A_8 iter_args(%scan3A_13 = %scan3A) -> (i32)  : i32 {
      %mul3A_14 = arith.constant 1000 : i32
      %mul3A_15 = arith.muli %scan3A_12, %mul3A_14 : i32
      %add3A_16 = arith.addi %mul3A_4, %mul3A_15 : i32
      %run_scoped3A = arith.constant 1 : i32
      "tpu.region"() ({
        %run_scoped3A_18 = tpu.sem_alloc : memref<!tpu.dma_semaphore, #tpu.memory_space<semaphore_mem>>
        %dma_start3A = tpu.memref_slice %arg2[%run_scoped3A, %add3A_16] : memref<2x800000xi32, #tpu.memory_space<hbm>> -> memref<1x1000xi32, #tpu.memory_space<hbm>>
        %dma_start3A_19 = tpu.memref_squeeze %dma_start3A : memref<1x1000xi32, #tpu.memory_space<hbm>> -> memref<1000xi32, #tpu.memory_space<hbm>>
        %dma_start3A_20 = tpu.memref_slice %arg2[%run_scoped3A, %add3A_16] : memref<2x800000xi32, #tpu.memory_space<hbm>> -> memref<1x1000xi32, #tpu.memory_space<hbm>>
        %dma_start3A_21 = tpu.memref_squeeze %dma_start3A_20 : memref<1x1000xi32, #tpu.memory_space<hbm>> -> memref<1000xi32, #tpu.memory_space<hbm>>
        tpu.enqueue_dma source(%dma_start3A_21 : memref<1000xi32, #tpu.memory_space<hbm>>) target(%arg6 : memref<1000xi32, #tpu.memory_space<vmem>>) target_semaphore(%run_scoped3A_18 : memref<!tpu.dma_semaphore, #tpu.memory_space<semaphore_mem>>)
        %dma_wait3A = tpu.memref_slice %arg2[%run_scoped3A, %add3A_16] : memref<2x800000xi32, #tpu.memory_space<hbm>> -> memref<1x1000xi32, #tpu.memory_space<hbm>>
        %dma_wait3A_22 = tpu.memref_squeeze %dma_wait3A : memref<1x1000xi32, #tpu.memory_space<hbm>> -> memref<1000xi32, #tpu.memory_space<hbm>>
        %dma_wait3A_23 = tpu.memref_slice %arg2[%run_scoped3A, %add3A_16] : memref<2x800000xi32, #tpu.memory_space<hbm>> -> memref<1x1000xi32, #tpu.memory_space<hbm>>
        %dma_wait3A_24 = tpu.memref_squeeze %dma_wait3A_23 : memref<1x1000xi32, #tpu.memory_space<hbm>> -> memref<1000xi32, #tpu.memory_space<hbm>>
        tpu.wait_dma2 semaphore(%run_scoped3A_18 : memref<!tpu.dma_semaphore, #tpu.memory_space<semaphore_mem>>) src(%dma_wait3A_24 : memref<1000xi32, #tpu.memory_space<hbm>>) dst(%arg6 : memref<1000xi32, #tpu.memory_space<vmem>>)
        tpu.yield
      }) : () -> ()
      "tpu.region"() ({
        %run_scoped3A_18 = tpu.sem_alloc : memref<!tpu.dma_semaphore, #tpu.memory_space<semaphore_mem>>
        %dma_start3A = arith.constant 0 : i32
        %dma_start3A_19 = arith.constant 0 : i32
        %dma_start3A_20 = tpu.memref_slice %arg8[%dma_start3A, %dma_start3A_19] : memref<50048x16xf32, #tpu.memory_space<vmem_shared>> -> memref<50048x16xf32, #tpu.memory_space<vmem_shared>>
        tpu.enqueue_indirect_dma source(%arg7 : memref<1000x16xf32, #tpu.memory_space<vmem>>) target(%dma_start3A_20 : memref<50048x16xf32, #tpu.memory_space<vmem_shared>>) offsets(%arg6 : memref<1000xi32, #tpu.memory_space<vmem>>) semaphore(%run_scoped3A_18 : memref<!tpu.dma_semaphore, #tpu.memory_space<semaphore_mem>>) {add = true}
        %dma_wait3A = arith.constant 0 : i32
        %dma_wait3A_21 = arith.constant 0 : i32
        %dma_wait3A_22 = tpu.memref_slice %arg8[%dma_wait3A, %dma_wait3A_21] : memref<50048x16xf32, #tpu.memory_space<vmem_shared>> -> memref<50048x16xf32, #tpu.memory_space<vmem_shared>>
        tpu.wait_indirect_dma semaphore(%run_scoped3A_18 : memref<!tpu.dma_semaphore, #tpu.memory_space<semaphore_mem>>) src(%arg7 : memref<1000x16xf32, #tpu.memory_space<vmem>>) dst(%dma_wait3A_22 : memref<50048x16xf32, #tpu.memory_space<vmem_shared>>)
        tpu.yield
      }) : () -> ()
      %scan3A_17 = arith.constant 0 : i32
      scf.yield %scan3A_17 : i32
    }
    %scan3A_10 = arith.constant 25 : i32
    %barrier3A_11 = arith.constant 0 : index
    tpu.barrier barrier_id(%barrier3A_11)
    "tpu.region"() ({
      %run_scoped3A = tpu.sem_alloc : memref<!tpu.dma_semaphore, #tpu.memory_space<semaphore_mem>>
      %dma_start3A = arith.constant 0 : i32
      %dma_start3A_12 = tpu.memref_slice %arg5[%arg0, %mul3A_0, %dma_start3A] : memref<2x50048x16xf32, #tpu.memory_space<hbm>> -> memref<1x3128x16xf32, #tpu.memory_space<hbm>>
      %dma_start3A_13 = tpu.memref_squeeze %dma_start3A_12 : memref<1x3128x16xf32, #tpu.memory_space<hbm>> -> memref<3128x16xf32, #tpu.memory_space<hbm>>
      %dma_start3A_14 = arith.constant 0 : i32
      %dma_start3A_15 = tpu.memref_slice %arg8[%mul3A_0, %dma_start3A_14] : memref<50048x16xf32, #tpu.memory_space<vmem_shared>> -> memref<3128x16xf32, #tpu.memory_space<vmem_shared>>
      tpu.enqueue_dma source(%dma_start3A_15 : memref<3128x16xf32, #tpu.memory_space<vmem_shared>>) target(%dma_start3A_13 : memref<3128x16xf32, #tpu.memory_space<hbm>>) target_semaphore(%run_scoped3A : memref<!tpu.dma_semaphore, #tpu.memory_space<semaphore_mem>>)
      %dma_wait3A = arith.constant 0 : i32
      %dma_wait3A_16 = tpu.memref_slice %arg5[%arg0, %mul3A_0, %dma_wait3A] : memref<2x50048x16xf32, #tpu.memory_space<hbm>> -> memref<1x3128x16xf32, #tpu.memory_space<hbm>>
      %dma_wait3A_17 = tpu.memref_squeeze %dma_wait3A_16 : memref<1x3128x16xf32, #tpu.memory_space<hbm>> -> memref<3128x16xf32, #tpu.memory_space<hbm>>
      %dma_wait3A_18 = arith.constant 0 : i32
      %dma_wait3A_19 = tpu.memref_slice %arg8[%mul3A_0, %dma_wait3A_18] : memref<50048x16xf32, #tpu.memory_space<vmem_shared>> -> memref<3128x16xf32, #tpu.memory_space<vmem_shared>>
      tpu.wait_dma2 semaphore(%run_scoped3A : memref<!tpu.dma_semaphore, #tpu.memory_space<semaphore_mem>>) src(%dma_wait3A_19 : memref<3128x16xf32, #tpu.memory_space<vmem_shared>>) dst(%dma_wait3A_17 : memref<3128x16xf32, #tpu.memory_space<hbm>>)
      tpu.yield
    }) : () -> ()
    return
  }
}

#map = affine_map<(d0, d1) -> (0)>
#map1 = affine_map<(d0, d1) -> (0, 0)>
module attributes {stable_mosaic.version = 14 : i64} {
  func.func @_prop_kernel(%arg0: i32, %arg1: i32, %arg2: memref<3200000xi32, #tpu.memory_space<hbm>>, %arg3: memref<2x800000xi32, #tpu.memory_space<hbm>>, %arg4: memref<200000x32xf32, #tpu.memory_space<hbm>>, %arg5: memref<3128x32xf32, #tpu.memory_space<hbm>>, %arg6: memref<50048x128xf32, #tpu.memory_space<hbm>>, %arg7: memref<2000xi32, #tpu.memory_space<vmem>>, %arg8: memref<2000xi32, #tpu.memory_space<vmem>>, %arg9: memref<400x32xf32, #tpu.memory_space<vmem>>, %arg10: memref<400x32xf32, #tpu.memory_space<vmem>>, %arg11: memref<50048x32xf32, #tpu.memory_space<vmem_shared>>, %arg12: memref<!tpu.dma_semaphore, #tpu.memory_space<semaphore_mem>>, %arg13: memref<!tpu.dma_semaphore, #tpu.memory_space<semaphore_mem>>) attributes {dimension_semantics = [#tpu.dimension_semantics<core_parallel>, #tpu.dimension_semantics<subcore_parallel>], iteration_bounds = array<i64: 2, 16>, scalar_prefetch = 0 : i64, scratch_operands = 7 : i64, tpu.core_type = #tpu.core_type<sc_vector_subcore>, window_params = [{transform_indices = #map}, {transform_indices = #map1}, {transform_indices = #map1}, {transform_indices = #map1}, {transform_indices = #map1}]} {
    %mul3A = arith.constant 3128 : i32
    %mul3A_0 = arith.muli %arg1, %mul3A : i32
    %scan3A = arith.constant 0 : i32
    %scan3A_1 = arith.constant 0 : i32
    %scan3A_2 = arith.constant 2 : i32
    %scan3A_3 = arith.addi %scan3A_1, %scan3A_2 : i32
    %scan3A_4 = arith.constant 1 : i32
    %scan3A_5 = scf.for %scan3A_7 = %scan3A_1 to %scan3A_3 step %scan3A_4 iter_args(%scan3A_8 = %scan3A) -> (i32)  : i32 {
      %mul3A_9 = arith.constant 2 : i32
      %mul3A_10 = arith.muli %arg0, %mul3A_9 : i32
      %add3A = arith.addi %mul3A_10, %scan3A_7 : i32
      "tpu.region"() ({
        %run_scoped3A = tpu.sem_alloc : memref<!tpu.dma_semaphore, #tpu.memory_space<semaphore_mem>>
        %dma_start3A = arith.constant 0 : i32
        %dma_start3A_23 = tpu.memref_slice %arg11[%mul3A_0, %dma_start3A] : memref<50048x32xf32, #tpu.memory_space<vmem_shared>> -> memref<3128x32xf32, #tpu.memory_space<vmem_shared>>
        tpu.enqueue_dma source(%arg5 : memref<3128x32xf32, #tpu.memory_space<hbm>>) target(%dma_start3A_23 : memref<3128x32xf32, #tpu.memory_space<vmem_shared>>) target_semaphore(%run_scoped3A : memref<!tpu.dma_semaphore, #tpu.memory_space<semaphore_mem>>)
        %dma_wait3A = arith.constant 0 : i32
        %dma_wait3A_24 = tpu.memref_slice %arg11[%mul3A_0, %dma_wait3A] : memref<50048x32xf32, #tpu.memory_space<vmem_shared>> -> memref<3128x32xf32, #tpu.memory_space<vmem_shared>>
        tpu.wait_dma2 semaphore(%run_scoped3A : memref<!tpu.dma_semaphore, #tpu.memory_space<semaphore_mem>>) src(%arg5 : memref<3128x32xf32, #tpu.memory_space<hbm>>) dst(%dma_wait3A_24 : memref<3128x32xf32, #tpu.memory_space<vmem_shared>>)
        tpu.yield
      }) : () -> ()
      %barrier3A = arith.constant 0 : index
      tpu.barrier barrier_id(%barrier3A)
      %scan3A_11 = arith.constant 0 : i32
      %scan3A_12 = arith.constant 0 : i32
      %scan3A_13 = arith.constant 25 : i32
      %scan3A_14 = arith.addi %scan3A_12, %scan3A_13 : i32
      %scan3A_15 = arith.constant 1 : i32
      %scan3A_16 = scf.for %scan3A_23 = %scan3A_12 to %scan3A_14 step %scan3A_15 iter_args(%scan3A_24 = %scan3A_11) -> (i32)  : i32 {
        %mul3A_25 = arith.constant 50000 : i32
        %mul3A_26 = arith.muli %arg1, %mul3A_25 : i32
        %mul3A_27 = arith.constant 2000 : i32
        %mul3A_28 = arith.muli %scan3A_23, %mul3A_27 : i32
        %add3A_29 = arith.addi %mul3A_26, %mul3A_28 : i32
        %mul3A_30 = arith.constant 800000 : i32
        %mul3A_31 = arith.muli %add3A, %mul3A_30 : i32
        %add3A_32 = arith.addi %mul3A_31, %add3A_29 : i32
        "tpu.region"() ({
          %run_scoped3A_132 = tpu.sem_alloc : memref<!tpu.dma_semaphore, #tpu.memory_space<semaphore_mem>>
          %dma_start3A_133 = tpu.memref_slice %arg2[%add3A_32] : memref<3200000xi32, #tpu.memory_space<hbm>> -> memref<2000xi32, #tpu.memory_space<hbm>>
          %dma_start3A_134 = tpu.memref_slice %arg2[%add3A_32] : memref<3200000xi32, #tpu.memory_space<hbm>> -> memref<2000xi32, #tpu.memory_space<hbm>>
          tpu.enqueue_dma source(%dma_start3A_134 : memref<2000xi32, #tpu.memory_space<hbm>>) target(%arg7 : memref<2000xi32, #tpu.memory_space<vmem>>) target_semaphore(%run_scoped3A_132 : memref<!tpu.dma_semaphore, #tpu.memory_space<semaphore_mem>>)
          %dma_wait3A_135 = tpu.memref_slice %arg2[%add3A_32] : memref<3200000xi32, #tpu.memory_space<hbm>> -> memref<2000xi32, #tpu.memory_space<hbm>>
          %dma_wait3A_136 = tpu.memref_slice %arg2[%add3A_32] : memref<3200000xi32, #tpu.memory_space<hbm>> -> memref<2000xi32, #tpu.memory_space<hbm>>
          tpu.wait_dma2 semaphore(%run_scoped3A_132 : memref<!tpu.dma_semaphore, #tpu.memory_space<semaphore_mem>>) src(%dma_wait3A_136 : memref<2000xi32, #tpu.memory_space<hbm>>) dst(%arg7 : memref<2000xi32, #tpu.memory_space<vmem>>)
          tpu.yield
        }) : () -> ()
        %run_scoped3A = arith.constant 1 : i32
        "tpu.region"() ({
          %run_scoped3A_132 = tpu.sem_alloc : memref<!tpu.dma_semaphore, #tpu.memory_space<semaphore_mem>>
          %dma_start3A_133 = tpu.memref_slice %arg3[%run_scoped3A, %add3A_29] : memref<2x800000xi32, #tpu.memory_space<hbm>> -> memref<1x2000xi32, #tpu.memory_space<hbm>>
          %dma_start3A_134 = tpu.memref_squeeze %dma_start3A_133 : memref<1x2000xi32, #tpu.memory_space<hbm>> -> memref<2000xi32, #tpu.memory_space<hbm>>
          %dma_start3A_135 = tpu.memref_slice %arg3[%run_scoped3A, %add3A_29] : memref<2x800000xi32, #tpu.memory_space<hbm>> -> memref<1x2000xi32, #tpu.memory_space<hbm>>
          %dma_start3A_136 = tpu.memref_squeeze %dma_start3A_135 : memref<1x2000xi32, #tpu.memory_space<hbm>> -> memref<2000xi32, #tpu.memory_space<hbm>>
          tpu.enqueue_dma source(%dma_start3A_136 : memref<2000xi32, #tpu.memory_space<hbm>>) target(%arg8 : memref<2000xi32, #tpu.memory_space<vmem>>) target_semaphore(%run_scoped3A_132 : memref<!tpu.dma_semaphore, #tpu.memory_space<semaphore_mem>>)
          %dma_wait3A_137 = tpu.memref_slice %arg3[%run_scoped3A, %add3A_29] : memref<2x800000xi32, #tpu.memory_space<hbm>> -> memref<1x2000xi32, #tpu.memory_space<hbm>>
          %dma_wait3A_138 = tpu.memref_squeeze %dma_wait3A_137 : memref<1x2000xi32, #tpu.memory_space<hbm>> -> memref<2000xi32, #tpu.memory_space<hbm>>
          %dma_wait3A_139 = tpu.memref_slice %arg3[%run_scoped3A, %add3A_29] : memref<2x800000xi32, #tpu.memory_space<hbm>> -> memref<1x2000xi32, #tpu.memory_space<hbm>>
          %dma_wait3A_140 = tpu.memref_squeeze %dma_wait3A_139 : memref<1x2000xi32, #tpu.memory_space<hbm>> -> memref<2000xi32, #tpu.memory_space<hbm>>
          tpu.wait_dma2 semaphore(%run_scoped3A_132 : memref<!tpu.dma_semaphore, #tpu.memory_space<semaphore_mem>>) src(%dma_wait3A_140 : memref<2000xi32, #tpu.memory_space<hbm>>) dst(%arg8 : memref<2000xi32, #tpu.memory_space<vmem>>)
          tpu.yield
        }) : () -> ()
        %dma_start3A = arith.constant 0 : i32
        %dma_start3A_33 = tpu.memref_slice %arg7[%dma_start3A] : memref<2000xi32, #tpu.memory_space<vmem>> -> memref<400xi32, #tpu.memory_space<vmem>>
        %dma_start3A_34 = arith.constant 0 : i32
        %dma_start3A_35 = arith.constant 0 : i32
        %dma_start3A_36 = tpu.memref_slice %arg4[%dma_start3A_34, %dma_start3A_35] : memref<200000x32xf32, #tpu.memory_space<hbm>> -> memref<200000x32xf32, #tpu.memory_space<hbm>>
        tpu.enqueue_indirect_dma source(%dma_start3A_36 : memref<200000x32xf32, #tpu.memory_space<hbm>>) target(%arg9 : memref<400x32xf32, #tpu.memory_space<vmem>>) offsets(%dma_start3A_33 : memref<400xi32, #tpu.memory_space<vmem>>) semaphore(%arg12 : memref<!tpu.dma_semaphore, #tpu.memory_space<semaphore_mem>>)
        %dma_start3A_37 = arith.constant 400 : i32
        %dma_start3A_38 = tpu.memref_slice %arg7[%dma_start3A_37] : memref<2000xi32, #tpu.memory_space<vmem>> -> memref<400xi32, #tpu.memory_space<vmem>>
        %dma_start3A_39 = arith.constant 0 : i32
        %dma_start3A_40 = arith.constant 0 : i32
        %dma_start3A_41 = tpu.memref_slice %arg4[%dma_start3A_39, %dma_start3A_40] : memref<200000x32xf32, #tpu.memory_space<hbm>> -> memref<200000x32xf32, #tpu.memory_space<hbm>>
        tpu.enqueue_indirect_dma source(%dma_start3A_41 : memref<200000x32xf32, #tpu.memory_space<hbm>>) target(%arg10 : memref<400x32xf32, #tpu.memory_space<vmem>>) offsets(%dma_start3A_38 : memref<400xi32, #tpu.memory_space<vmem>>) semaphore(%arg12 : memref<!tpu.dma_semaphore, #tpu.memory_space<semaphore_mem>>)
        %dma_wait3A = arith.constant 0 : i32
        %dma_wait3A_42 = tpu.memref_slice %arg7[%dma_wait3A] : memref<2000xi32, #tpu.memory_space<vmem>> -> memref<400xi32, #tpu.memory_space<vmem>>
        %dma_wait3A_43 = arith.constant 0 : i32
        %dma_wait3A_44 = arith.constant 0 : i32
        %dma_wait3A_45 = tpu.memref_slice %arg4[%dma_wait3A_43, %dma_wait3A_44] : memref<200000x32xf32, #tpu.memory_space<hbm>> -> memref<200000x32xf32, #tpu.memory_space<hbm>>
        tpu.wait_indirect_dma semaphore(%arg12 : memref<!tpu.dma_semaphore, #tpu.memory_space<semaphore_mem>>) src(%dma_wait3A_45 : memref<200000x32xf32, #tpu.memory_space<hbm>>) dst(%arg9 : memref<400x32xf32, #tpu.memory_space<vmem>>)
        %dma_start3A_46 = arith.constant 0 : i32
        %dma_start3A_47 = tpu.memref_slice %arg8[%dma_start3A_46] : memref<2000xi32, #tpu.memory_space<vmem>> -> memref<400xi32, #tpu.memory_space<vmem>>
        %dma_start3A_48 = arith.constant 0 : i32
        %dma_start3A_49 = arith.constant 0 : i32
        %dma_start3A_50 = tpu.memref_slice %arg11[%dma_start3A_48, %dma_start3A_49] : memref<50048x32xf32, #tpu.memory_space<vmem_shared>> -> memref<50048x32xf32, #tpu.memory_space<vmem_shared>>
        tpu.enqueue_indirect_dma source(%arg9 : memref<400x32xf32, #tpu.memory_space<vmem>>) target(%dma_start3A_50 : memref<50048x32xf32, #tpu.memory_space<vmem_shared>>) offsets(%dma_start3A_47 : memref<400xi32, #tpu.memory_space<vmem>>) semaphore(%arg13 : memref<!tpu.dma_semaphore, #tpu.memory_space<semaphore_mem>>) {add = true}
        %dma_wait3A_51 = arith.constant 0 : i32
        %dma_wait3A_52 = tpu.memref_slice %arg8[%dma_wait3A_51] : memref<2000xi32, #tpu.memory_space<vmem>> -> memref<400xi32, #tpu.memory_space<vmem>>
        %dma_wait3A_53 = arith.constant 0 : i32
        %dma_wait3A_54 = arith.constant 0 : i32
        %dma_wait3A_55 = tpu.memref_slice %arg11[%dma_wait3A_53, %dma_wait3A_54] : memref<50048x32xf32, #tpu.memory_space<vmem_shared>> -> memref<50048x32xf32, #tpu.memory_space<vmem_shared>>
        tpu.wait_indirect_dma semaphore(%arg13 : memref<!tpu.dma_semaphore, #tpu.memory_space<semaphore_mem>>) src(%arg9 : memref<400x32xf32, #tpu.memory_space<vmem>>) dst(%dma_wait3A_55 : memref<50048x32xf32, #tpu.memory_space<vmem_shared>>)
        %dma_start3A_56 = arith.constant 800 : i32
        %dma_start3A_57 = tpu.memref_slice %arg7[%dma_start3A_56] : memref<2000xi32, #tpu.memory_space<vmem>> -> memref<400xi32, #tpu.memory_space<vmem>>
        %dma_start3A_58 = arith.constant 0 : i32
        %dma_start3A_59 = arith.constant 0 : i32
        %dma_start3A_60 = tpu.memref_slice %arg4[%dma_start3A_58, %dma_start3A_59] : memref<200000x32xf32, #tpu.memory_space<hbm>> -> memref<200000x32xf32, #tpu.memory_space<hbm>>
        tpu.enqueue_indirect_dma source(%dma_start3A_60 : memref<200000x32xf32, #tpu.memory_space<hbm>>) target(%arg9 : memref<400x32xf32, #tpu.memory_space<vmem>>) offsets(%dma_start3A_57 : memref<400xi32, #tpu.memory_space<vmem>>) semaphore(%arg12 : memref<!tpu.dma_semaphore, #tpu.memory_space<semaphore_mem>>)
        %dma_wait3A_61 = arith.constant 400 : i32
        %dma_wait3A_62 = tpu.memref_slice %arg7[%dma_wait3A_61] : memref<2000xi32, #tpu.memory_space<vmem>> -> memref<400xi32, #tpu.memory_space<vmem>>
        %dma_wait3A_63 = arith.constant 0 : i32
        %dma_wait3A_64 = arith.constant 0 : i32
        %dma_wait3A_65 = tpu.memref_slice %arg4[%dma_wait3A_63, %dma_wait3A_64] : memref<200000x32xf32, #tpu.memory_space<hbm>> -> memref<200000x32xf32, #tpu.memory_space<hbm>>
        tpu.wait_indirect_dma semaphore(%arg12 : memref<!tpu.dma_semaphore, #tpu.memory_space<semaphore_mem>>) src(%dma_wait3A_65 : memref<200000x32xf32, #tpu.memory_space<hbm>>) dst(%arg10 : memref<400x32xf32, #tpu.memory_space<vmem>>)
        %dma_start3A_66 = arith.constant 400 : i32
        %dma_start3A_67 = tpu.memref_slice %arg8[%dma_start3A_66] : memref<2000xi32, #tpu.memory_space<vmem>> -> memref<400xi32, #tpu.memory_space<vmem>>
        %dma_start3A_68 = arith.constant 0 : i32
        %dma_start3A_69 = arith.constant 0 : i32
        %dma_start3A_70 = tpu.memref_slice %arg11[%dma_start3A_68, %dma_start3A_69] : memref<50048x32xf32, #tpu.memory_space<vmem_shared>> -> memref<50048x32xf32, #tpu.memory_space<vmem_shared>>
        tpu.enqueue_indirect_dma source(%arg10 : memref<400x32xf32, #tpu.memory_space<vmem>>) target(%dma_start3A_70 : memref<50048x32xf32, #tpu.memory_space<vmem_shared>>) offsets(%dma_start3A_67 : memref<400xi32, #tpu.memory_space<vmem>>) semaphore(%arg13 : memref<!tpu.dma_semaphore, #tpu.memory_space<semaphore_mem>>) {add = true}
        %dma_wait3A_71 = arith.constant 400 : i32
        %dma_wait3A_72 = tpu.memref_slice %arg8[%dma_wait3A_71] : memref<2000xi32, #tpu.memory_space<vmem>> -> memref<400xi32, #tpu.memory_space<vmem>>
        %dma_wait3A_73 = arith.constant 0 : i32
        %dma_wait3A_74 = arith.constant 0 : i32
        %dma_wait3A_75 = tpu.memref_slice %arg11[%dma_wait3A_73, %dma_wait3A_74] : memref<50048x32xf32, #tpu.memory_space<vmem_shared>> -> memref<50048x32xf32, #tpu.memory_space<vmem_shared>>
        tpu.wait_indirect_dma semaphore(%arg13 : memref<!tpu.dma_semaphore, #tpu.memory_space<semaphore_mem>>) src(%arg10 : memref<400x32xf32, #tpu.memory_space<vmem>>) dst(%dma_wait3A_75 : memref<50048x32xf32, #tpu.memory_space<vmem_shared>>)
        %dma_start3A_76 = arith.constant 1200 : i32
        %dma_start3A_77 = tpu.memref_slice %arg7[%dma_start3A_76] : memref<2000xi32, #tpu.memory_space<vmem>> -> memref<400xi32, #tpu.memory_space<vmem>>
        %dma_start3A_78 = arith.constant 0 : i32
        %dma_start3A_79 = arith.constant 0 : i32
        %dma_start3A_80 = tpu.memref_slice %arg4[%dma_start3A_78, %dma_start3A_79] : memref<200000x32xf32, #tpu.memory_space<hbm>> -> memref<200000x32xf32, #tpu.memory_space<hbm>>
        tpu.enqueue_indirect_dma source(%dma_start3A_80 : memref<200000x32xf32, #tpu.memory_space<hbm>>) target(%arg10 : memref<400x32xf32, #tpu.memory_space<vmem>>) offsets(%dma_start3A_77 : memref<400xi32, #tpu.memory_space<vmem>>) semaphore(%arg12 : memref<!tpu.dma_semaphore, #tpu.memory_space<semaphore_mem>>)
        %dma_wait3A_81 = arith.constant 800 : i32
        %dma_wait3A_82 = tpu.memref_slice %arg7[%dma_wait3A_81] : memref<2000xi32, #tpu.memory_space<vmem>> -> memref<400xi32, #tpu.memory_space<vmem>>
        %dma_wait3A_83 = arith.constant 0 : i32
        %dma_wait3A_84 = arith.constant 0 : i32
        %dma_wait3A_85 = tpu.memref_slice %arg4[%dma_wait3A_83, %dma_wait3A_84] : memref<200000x32xf32, #tpu.memory_space<hbm>> -> memref<200000x32xf32, #tpu.memory_space<hbm>>
        tpu.wait_indirect_dma semaphore(%arg12 : memref<!tpu.dma_semaphore, #tpu.memory_space<semaphore_mem>>) src(%dma_wait3A_85 : memref<200000x32xf32, #tpu.memory_space<hbm>>) dst(%arg9 : memref<400x32xf32, #tpu.memory_space<vmem>>)
        %dma_start3A_86 = arith.constant 800 : i32
        %dma_start3A_87 = tpu.memref_slice %arg8[%dma_start3A_86] : memref<2000xi32, #tpu.memory_space<vmem>> -> memref<400xi32, #tpu.memory_space<vmem>>
        %dma_start3A_88 = arith.constant 0 : i32
        %dma_start3A_89 = arith.constant 0 : i32
        %dma_start3A_90 = tpu.memref_slice %arg11[%dma_start3A_88, %dma_start3A_89] : memref<50048x32xf32, #tpu.memory_space<vmem_shared>> -> memref<50048x32xf32, #tpu.memory_space<vmem_shared>>
        tpu.enqueue_indirect_dma source(%arg9 : memref<400x32xf32, #tpu.memory_space<vmem>>) target(%dma_start3A_90 : memref<50048x32xf32, #tpu.memory_space<vmem_shared>>) offsets(%dma_start3A_87 : memref<400xi32, #tpu.memory_space<vmem>>) semaphore(%arg13 : memref<!tpu.dma_semaphore, #tpu.memory_space<semaphore_mem>>) {add = true}
        %dma_wait3A_91 = arith.constant 800 : i32
        %dma_wait3A_92 = tpu.memref_slice %arg8[%dma_wait3A_91] : memref<2000xi32, #tpu.memory_space<vmem>> -> memref<400xi32, #tpu.memory_space<vmem>>
        %dma_wait3A_93 = arith.constant 0 : i32
        %dma_wait3A_94 = arith.constant 0 : i32
        %dma_wait3A_95 = tpu.memref_slice %arg11[%dma_wait3A_93, %dma_wait3A_94] : memref<50048x32xf32, #tpu.memory_space<vmem_shared>> -> memref<50048x32xf32, #tpu.memory_space<vmem_shared>>
        tpu.wait_indirect_dma semaphore(%arg13 : memref<!tpu.dma_semaphore, #tpu.memory_space<semaphore_mem>>) src(%arg9 : memref<400x32xf32, #tpu.memory_space<vmem>>) dst(%dma_wait3A_95 : memref<50048x32xf32, #tpu.memory_space<vmem_shared>>)
        %dma_start3A_96 = arith.constant 1600 : i32
        %dma_start3A_97 = tpu.memref_slice %arg7[%dma_start3A_96] : memref<2000xi32, #tpu.memory_space<vmem>> -> memref<400xi32, #tpu.memory_space<vmem>>
        %dma_start3A_98 = arith.constant 0 : i32
        %dma_start3A_99 = arith.constant 0 : i32
        %dma_start3A_100 = tpu.memref_slice %arg4[%dma_start3A_98, %dma_start3A_99] : memref<200000x32xf32, #tpu.memory_space<hbm>> -> memref<200000x32xf32, #tpu.memory_space<hbm>>
        tpu.enqueue_indirect_dma source(%dma_start3A_100 : memref<200000x32xf32, #tpu.memory_space<hbm>>) target(%arg9 : memref<400x32xf32, #tpu.memory_space<vmem>>) offsets(%dma_start3A_97 : memref<400xi32, #tpu.memory_space<vmem>>) semaphore(%arg12 : memref<!tpu.dma_semaphore, #tpu.memory_space<semaphore_mem>>)
        %dma_wait3A_101 = arith.constant 1200 : i32
        %dma_wait3A_102 = tpu.memref_slice %arg7[%dma_wait3A_101] : memref<2000xi32, #tpu.memory_space<vmem>> -> memref<400xi32, #tpu.memory_space<vmem>>
        %dma_wait3A_103 = arith.constant 0 : i32
        %dma_wait3A_104 = arith.constant 0 : i32
        %dma_wait3A_105 = tpu.memref_slice %arg4[%dma_wait3A_103, %dma_wait3A_104] : memref<200000x32xf32, #tpu.memory_space<hbm>> -> memref<200000x32xf32, #tpu.memory_space<hbm>>
        tpu.wait_indirect_dma semaphore(%arg12 : memref<!tpu.dma_semaphore, #tpu.memory_space<semaphore_mem>>) src(%dma_wait3A_105 : memref<200000x32xf32, #tpu.memory_space<hbm>>) dst(%arg10 : memref<400x32xf32, #tpu.memory_space<vmem>>)
        %dma_start3A_106 = arith.constant 1200 : i32
        %dma_start3A_107 = tpu.memref_slice %arg8[%dma_start3A_106] : memref<2000xi32, #tpu.memory_space<vmem>> -> memref<400xi32, #tpu.memory_space<vmem>>
        %dma_start3A_108 = arith.constant 0 : i32
        %dma_start3A_109 = arith.constant 0 : i32
        %dma_start3A_110 = tpu.memref_slice %arg11[%dma_start3A_108, %dma_start3A_109] : memref<50048x32xf32, #tpu.memory_space<vmem_shared>> -> memref<50048x32xf32, #tpu.memory_space<vmem_shared>>
        tpu.enqueue_indirect_dma source(%arg10 : memref<400x32xf32, #tpu.memory_space<vmem>>) target(%dma_start3A_110 : memref<50048x32xf32, #tpu.memory_space<vmem_shared>>) offsets(%dma_start3A_107 : memref<400xi32, #tpu.memory_space<vmem>>) semaphore(%arg13 : memref<!tpu.dma_semaphore, #tpu.memory_space<semaphore_mem>>) {add = true}
        %dma_wait3A_111 = arith.constant 1600 : i32
        %dma_wait3A_112 = tpu.memref_slice %arg7[%dma_wait3A_111] : memref<2000xi32, #tpu.memory_space<vmem>> -> memref<400xi32, #tpu.memory_space<vmem>>
        %dma_wait3A_113 = arith.constant 0 : i32
        %dma_wait3A_114 = arith.constant 0 : i32
        %dma_wait3A_115 = tpu.memref_slice %arg4[%dma_wait3A_113, %dma_wait3A_114] : memref<200000x32xf32, #tpu.memory_space<hbm>> -> memref<200000x32xf32, #tpu.memory_space<hbm>>
        tpu.wait_indirect_dma semaphore(%arg12 : memref<!tpu.dma_semaphore, #tpu.memory_space<semaphore_mem>>) src(%dma_wait3A_115 : memref<200000x32xf32, #tpu.memory_space<hbm>>) dst(%arg9 : memref<400x32xf32, #tpu.memory_space<vmem>>)
        %dma_start3A_116 = arith.constant 1600 : i32
        %dma_start3A_117 = tpu.memref_slice %arg8[%dma_start3A_116] : memref<2000xi32, #tpu.memory_space<vmem>> -> memref<400xi32, #tpu.memory_space<vmem>>
        %dma_start3A_118 = arith.constant 0 : i32
        %dma_start3A_119 = arith.constant 0 : i32
        %dma_start3A_120 = tpu.memref_slice %arg11[%dma_start3A_118, %dma_start3A_119] : memref<50048x32xf32, #tpu.memory_space<vmem_shared>> -> memref<50048x32xf32, #tpu.memory_space<vmem_shared>>
        tpu.enqueue_indirect_dma source(%arg9 : memref<400x32xf32, #tpu.memory_space<vmem>>) target(%dma_start3A_120 : memref<50048x32xf32, #tpu.memory_space<vmem_shared>>) offsets(%dma_start3A_117 : memref<400xi32, #tpu.memory_space<vmem>>) semaphore(%arg13 : memref<!tpu.dma_semaphore, #tpu.memory_space<semaphore_mem>>) {add = true}
        %dma_wait3A_121 = arith.constant 1600 : i32
        %dma_wait3A_122 = tpu.memref_slice %arg8[%dma_wait3A_121] : memref<2000xi32, #tpu.memory_space<vmem>> -> memref<400xi32, #tpu.memory_space<vmem>>
        %dma_wait3A_123 = arith.constant 0 : i32
        %dma_wait3A_124 = arith.constant 0 : i32
        %dma_wait3A_125 = tpu.memref_slice %arg11[%dma_wait3A_123, %dma_wait3A_124] : memref<50048x32xf32, #tpu.memory_space<vmem_shared>> -> memref<50048x32xf32, #tpu.memory_space<vmem_shared>>
        tpu.wait_indirect_dma semaphore(%arg13 : memref<!tpu.dma_semaphore, #tpu.memory_space<semaphore_mem>>) src(%arg9 : memref<400x32xf32, #tpu.memory_space<vmem>>) dst(%dma_wait3A_125 : memref<50048x32xf32, #tpu.memory_space<vmem_shared>>)
        %dma_wait3A_126 = arith.constant 1200 : i32
        %dma_wait3A_127 = tpu.memref_slice %arg8[%dma_wait3A_126] : memref<2000xi32, #tpu.memory_space<vmem>> -> memref<400xi32, #tpu.memory_space<vmem>>
        %dma_wait3A_128 = arith.constant 0 : i32
        %dma_wait3A_129 = arith.constant 0 : i32
        %dma_wait3A_130 = tpu.memref_slice %arg11[%dma_wait3A_128, %dma_wait3A_129] : memref<50048x32xf32, #tpu.memory_space<vmem_shared>> -> memref<50048x32xf32, #tpu.memory_space<vmem_shared>>
        tpu.wait_indirect_dma semaphore(%arg13 : memref<!tpu.dma_semaphore, #tpu.memory_space<semaphore_mem>>) src(%arg10 : memref<400x32xf32, #tpu.memory_space<vmem>>) dst(%dma_wait3A_130 : memref<50048x32xf32, #tpu.memory_space<vmem_shared>>)
        %scan3A_131 = arith.constant 0 : i32
        scf.yield %scan3A_131 : i32
      }
      %scan3A_17 = arith.constant 25 : i32
      %barrier3A_18 = arith.constant 0 : index
      tpu.barrier barrier_id(%barrier3A_18)
      %mul3A_19 = arith.constant 32 : i32
      %mul3A_20 = arith.muli %add3A, %mul3A_19 : i32
      "tpu.region"() ({
        %run_scoped3A = tpu.sem_alloc : memref<!tpu.dma_semaphore, #tpu.memory_space<semaphore_mem>>
        %dma_start3A = tpu.memref_slice %arg6[%mul3A_0, %mul3A_20] : memref<50048x128xf32, #tpu.memory_space<hbm>> -> memref<3128x32xf32, #tpu.memory_space<hbm>>
        %dma_start3A_23 = arith.constant 0 : i32
        %dma_start3A_24 = tpu.memref_slice %arg11[%mul3A_0, %dma_start3A_23] : memref<50048x32xf32, #tpu.memory_space<vmem_shared>> -> memref<3128x32xf32, #tpu.memory_space<vmem_shared>>
        tpu.enqueue_dma source(%dma_start3A_24 : memref<3128x32xf32, #tpu.memory_space<vmem_shared>>) target(%dma_start3A : memref<3128x32xf32, #tpu.memory_space<hbm>>) target_semaphore(%run_scoped3A : memref<!tpu.dma_semaphore, #tpu.memory_space<semaphore_mem>>)
        %dma_wait3A = tpu.memref_slice %arg6[%mul3A_0, %mul3A_20] : memref<50048x128xf32, #tpu.memory_space<hbm>> -> memref<3128x32xf32, #tpu.memory_space<hbm>>
        %dma_wait3A_25 = arith.constant 0 : i32
        %dma_wait3A_26 = tpu.memref_slice %arg11[%mul3A_0, %dma_wait3A_25] : memref<50048x32xf32, #tpu.memory_space<vmem_shared>> -> memref<3128x32xf32, #tpu.memory_space<vmem_shared>>
        tpu.wait_dma2 semaphore(%run_scoped3A : memref<!tpu.dma_semaphore, #tpu.memory_space<semaphore_mem>>) src(%dma_wait3A_26 : memref<3128x32xf32, #tpu.memory_space<vmem_shared>>) dst(%dma_wait3A : memref<3128x32xf32, #tpu.memory_space<hbm>>)
        tpu.yield
      }) : () -> ()
      %barrier3A_21 = arith.constant 0 : index
      tpu.barrier barrier_id(%barrier3A_21)
      %scan3A_22 = arith.constant 0 : i32
      scf.yield %scan3A_22 : i32
    }
    %scan3A_6 = arith.constant 2 : i32
    return
  }
}

#map = affine_map<(d0, d1) -> (0)>
#map1 = affine_map<(d0, d1) -> (0, 0)>
module attributes {stable_mosaic.version = 14 : i64} {
  func.func @_prop_kernel(%arg0: i32, %arg1: i32, %arg2: memref<3200000xi32, #tpu.memory_space<hbm>>, %arg3: memref<2x800000xi32, #tpu.memory_space<hbm>>, %arg4: memref<200000x32xf32, #tpu.memory_space<hbm>>, %arg5: memref<3128x32xf32, #tpu.memory_space<hbm>>, %arg6: memref<50048x128xf32, #tpu.memory_space<hbm>>, %arg7: memref<2000xi32, #tpu.memory_space<vmem>>, %arg8: memref<2000xi32, #tpu.memory_space<vmem>>, %arg9: memref<400x32xf32, #tpu.memory_space<vmem>>, %arg10: memref<400x32xf32, #tpu.memory_space<vmem>>, %arg11: memref<50048x32xf32, #tpu.memory_space<vmem_shared>>, %arg12: memref<!tpu.dma_semaphore, #tpu.memory_space<semaphore_mem>>, %arg13: memref<!tpu.dma_semaphore, #tpu.memory_space<semaphore_mem>>) attributes {dimension_semantics = [#tpu.dimension_semantics<core_parallel>, #tpu.dimension_semantics<subcore_parallel>], iteration_bounds = array<i64: 2, 16>, scalar_prefetch = 0 : i64, scratch_operands = 7 : i64, tpu.core_type = #tpu.core_type<sc_vector_subcore>, window_params = [{transform_indices = #map}, {transform_indices = #map1}, {transform_indices = #map1}, {transform_indices = #map1}, {transform_indices = #map1}]} {
    %mul3A = arith.constant 3128 : i32
    %mul3A_0 = arith.muli %arg1, %mul3A : i32
    %scan3A = arith.constant 0 : i32
    %scan3A_1 = arith.constant 0 : i32
    %scan3A_2 = arith.constant 2 : i32
    %scan3A_3 = arith.addi %scan3A_1, %scan3A_2 : i32
    %scan3A_4 = arith.constant 1 : i32
    %scan3A_5 = scf.for %scan3A_7 = %scan3A_1 to %scan3A_3 step %scan3A_4 iter_args(%scan3A_8 = %scan3A) -> (i32)  : i32 {
      %mul3A_9 = arith.constant 2 : i32
      %mul3A_10 = arith.muli %arg0, %mul3A_9 : i32
      %add3A = arith.addi %mul3A_10, %scan3A_7 : i32
      "tpu.region"() ({
        %run_scoped3A = tpu.sem_alloc : memref<!tpu.dma_semaphore, #tpu.memory_space<semaphore_mem>>
        %dma_start3A = arith.constant 0 : i32
        %dma_start3A_23 = tpu.memref_slice %arg11[%mul3A_0, %dma_start3A] : memref<50048x32xf32, #tpu.memory_space<vmem_shared>> -> memref<3128x32xf32, #tpu.memory_space<vmem_shared>>
        tpu.enqueue_dma source(%arg5 : memref<3128x32xf32, #tpu.memory_space<hbm>>) target(%dma_start3A_23 : memref<3128x32xf32, #tpu.memory_space<vmem_shared>>) target_semaphore(%run_scoped3A : memref<!tpu.dma_semaphore, #tpu.memory_space<semaphore_mem>>)
        %dma_wait3A = arith.constant 0 : i32
        %dma_wait3A_24 = tpu.memref_slice %arg11[%mul3A_0, %dma_wait3A] : memref<50048x32xf32, #tpu.memory_space<vmem_shared>> -> memref<3128x32xf32, #tpu.memory_space<vmem_shared>>
        tpu.wait_dma2 semaphore(%run_scoped3A : memref<!tpu.dma_semaphore, #tpu.memory_space<semaphore_mem>>) src(%arg5 : memref<3128x32xf32, #tpu.memory_space<hbm>>) dst(%dma_wait3A_24 : memref<3128x32xf32, #tpu.memory_space<vmem_shared>>)
        tpu.yield
      }) : () -> ()
      %barrier3A = arith.constant 0 : index
      tpu.barrier barrier_id(%barrier3A)
      %scan3A_11 = arith.constant 0 : i32
      %scan3A_12 = arith.constant 0 : i32
      %scan3A_13 = arith.constant 25 : i32
      %scan3A_14 = arith.addi %scan3A_12, %scan3A_13 : i32
      %scan3A_15 = arith.constant 1 : i32
      %scan3A_16 = scf.for %scan3A_23 = %scan3A_12 to %scan3A_14 step %scan3A_15 iter_args(%scan3A_24 = %scan3A_11) -> (i32)  : i32 {
        %mul3A_25 = arith.constant 50000 : i32
        %mul3A_26 = arith.muli %arg1, %mul3A_25 : i32
        %mul3A_27 = arith.constant 2000 : i32
        %mul3A_28 = arith.muli %scan3A_23, %mul3A_27 : i32
        %add3A_29 = arith.addi %mul3A_26, %mul3A_28 : i32
        %mul3A_30 = arith.constant 800000 : i32
        %mul3A_31 = arith.muli %add3A, %mul3A_30 : i32
        %add3A_32 = arith.addi %mul3A_31, %add3A_29 : i32
        "tpu.region"() ({
          %run_scoped3A_132 = tpu.sem_alloc : memref<!tpu.dma_semaphore, #tpu.memory_space<semaphore_mem>>
          %dma_start3A_133 = tpu.memref_slice %arg2[%add3A_32] : memref<3200000xi32, #tpu.memory_space<hbm>> -> memref<2000xi32, #tpu.memory_space<hbm>>
          %dma_start3A_134 = tpu.memref_slice %arg2[%add3A_32] : memref<3200000xi32, #tpu.memory_space<hbm>> -> memref<2000xi32, #tpu.memory_space<hbm>>
          tpu.enqueue_dma source(%dma_start3A_134 : memref<2000xi32, #tpu.memory_space<hbm>>) target(%arg7 : memref<2000xi32, #tpu.memory_space<vmem>>) target_semaphore(%run_scoped3A_132 : memref<!tpu.dma_semaphore, #tpu.memory_space<semaphore_mem>>)
          %dma_wait3A_135 = tpu.memref_slice %arg2[%add3A_32] : memref<3200000xi32, #tpu.memory_space<hbm>> -> memref<2000xi32, #tpu.memory_space<hbm>>
          %dma_wait3A_136 = tpu.memref_slice %arg2[%add3A_32] : memref<3200000xi32, #tpu.memory_space<hbm>> -> memref<2000xi32, #tpu.memory_space<hbm>>
          tpu.wait_dma2 semaphore(%run_scoped3A_132 : memref<!tpu.dma_semaphore, #tpu.memory_space<semaphore_mem>>) src(%dma_wait3A_136 : memref<2000xi32, #tpu.memory_space<hbm>>) dst(%arg7 : memref<2000xi32, #tpu.memory_space<vmem>>)
          tpu.yield
        }) : () -> ()
        %run_scoped3A = arith.constant 1 : i32
        "tpu.region"() ({
          %run_scoped3A_132 = tpu.sem_alloc : memref<!tpu.dma_semaphore, #tpu.memory_space<semaphore_mem>>
          %dma_start3A_133 = tpu.memref_slice %arg3[%run_scoped3A, %add3A_29] : memref<2x800000xi32, #tpu.memory_space<hbm>> -> memref<1x2000xi32, #tpu.memory_space<hbm>>
          %dma_start3A_134 = tpu.memref_squeeze %dma_start3A_133 : memref<1x2000xi32, #tpu.memory_space<hbm>> -> memref<2000xi32, #tpu.memory_space<hbm>>
          %dma_start3A_135 = tpu.memref_slice %arg3[%run_scoped3A, %add3A_29] : memref<2x800000xi32, #tpu.memory_space<hbm>> -> memref<1x2000xi32, #tpu.memory_space<hbm>>
          %dma_start3A_136 = tpu.memref_squeeze %dma_start3A_135 : memref<1x2000xi32, #tpu.memory_space<hbm>> -> memref<2000xi32, #tpu.memory_space<hbm>>
          tpu.enqueue_dma source(%dma_start3A_136 : memref<2000xi32, #tpu.memory_space<hbm>>) target(%arg8 : memref<2000xi32, #tpu.memory_space<vmem>>) target_semaphore(%run_scoped3A_132 : memref<!tpu.dma_semaphore, #tpu.memory_space<semaphore_mem>>)
          %dma_wait3A_137 = tpu.memref_slice %arg3[%run_scoped3A, %add3A_29] : memref<2x800000xi32, #tpu.memory_space<hbm>> -> memref<1x2000xi32, #tpu.memory_space<hbm>>
          %dma_wait3A_138 = tpu.memref_squeeze %dma_wait3A_137 : memref<1x2000xi32, #tpu.memory_space<hbm>> -> memref<2000xi32, #tpu.memory_space<hbm>>
          %dma_wait3A_139 = tpu.memref_slice %arg3[%run_scoped3A, %add3A_29] : memref<2x800000xi32, #tpu.memory_space<hbm>> -> memref<1x2000xi32, #tpu.memory_space<hbm>>
          %dma_wait3A_140 = tpu.memref_squeeze %dma_wait3A_139 : memref<1x2000xi32, #tpu.memory_space<hbm>> -> memref<2000xi32, #tpu.memory_space<hbm>>
          tpu.wait_dma2 semaphore(%run_scoped3A_132 : memref<!tpu.dma_semaphore, #tpu.memory_space<semaphore_mem>>) src(%dma_wait3A_140 : memref<2000xi32, #tpu.memory_space<hbm>>) dst(%arg8 : memref<2000xi32, #tpu.memory_space<vmem>>)
          tpu.yield
        }) : () -> ()
        %dma_start3A = arith.constant 0 : i32
        %dma_start3A_33 = tpu.memref_slice %arg7[%dma_start3A] : memref<2000xi32, #tpu.memory_space<vmem>> -> memref<400xi32, #tpu.memory_space<vmem>>
        %dma_start3A_34 = arith.constant 0 : i32
        %dma_start3A_35 = arith.constant 0 : i32
        %dma_start3A_36 = tpu.memref_slice %arg4[%dma_start3A_34, %dma_start3A_35] : memref<200000x32xf32, #tpu.memory_space<hbm>> -> memref<200000x32xf32, #tpu.memory_space<hbm>>
        tpu.enqueue_indirect_dma source(%dma_start3A_36 : memref<200000x32xf32, #tpu.memory_space<hbm>>) target(%arg9 : memref<400x32xf32, #tpu.memory_space<vmem>>) offsets(%dma_start3A_33 : memref<400xi32, #tpu.memory_space<vmem>>) semaphore(%arg12 : memref<!tpu.dma_semaphore, #tpu.memory_space<semaphore_mem>>)
        %dma_start3A_37 = arith.constant 400 : i32
        %dma_start3A_38 = tpu.memref_slice %arg7[%dma_start3A_37] : memref<2000xi32, #tpu.memory_space<vmem>> -> memref<400xi32, #tpu.memory_space<vmem>>
        %dma_start3A_39 = arith.constant 0 : i32
        %dma_start3A_40 = arith.constant 0 : i32
        %dma_start3A_41 = tpu.memref_slice %arg4[%dma_start3A_39, %dma_start3A_40] : memref<200000x32xf32, #tpu.memory_space<hbm>> -> memref<200000x32xf32, #tpu.memory_space<hbm>>
        tpu.enqueue_indirect_dma source(%dma_start3A_41 : memref<200000x32xf32, #tpu.memory_space<hbm>>) target(%arg10 : memref<400x32xf32, #tpu.memory_space<vmem>>) offsets(%dma_start3A_38 : memref<400xi32, #tpu.memory_space<vmem>>) semaphore(%arg12 : memref<!tpu.dma_semaphore, #tpu.memory_space<semaphore_mem>>)
        %dma_wait3A = arith.constant 0 : i32
        %dma_wait3A_42 = tpu.memref_slice %arg7[%dma_wait3A] : memref<2000xi32, #tpu.memory_space<vmem>> -> memref<400xi32, #tpu.memory_space<vmem>>
        %dma_wait3A_43 = arith.constant 0 : i32
        %dma_wait3A_44 = arith.constant 0 : i32
        %dma_wait3A_45 = tpu.memref_slice %arg4[%dma_wait3A_43, %dma_wait3A_44] : memref<200000x32xf32, #tpu.memory_space<hbm>> -> memref<200000x32xf32, #tpu.memory_space<hbm>>
        tpu.wait_indirect_dma semaphore(%arg12 : memref<!tpu.dma_semaphore, #tpu.memory_space<semaphore_mem>>) src(%dma_wait3A_45 : memref<200000x32xf32, #tpu.memory_space<hbm>>) dst(%arg9 : memref<400x32xf32, #tpu.memory_space<vmem>>)
        %dma_start3A_46 = arith.constant 0 : i32
        %dma_start3A_47 = tpu.memref_slice %arg8[%dma_start3A_46] : memref<2000xi32, #tpu.memory_space<vmem>> -> memref<400xi32, #tpu.memory_space<vmem>>
        %dma_start3A_48 = arith.constant 0 : i32
        %dma_start3A_49 = arith.constant 0 : i32
        %dma_start3A_50 = tpu.memref_slice %arg11[%dma_start3A_48, %dma_start3A_49] : memref<50048x32xf32, #tpu.memory_space<vmem_shared>> -> memref<50048x32xf32, #tpu.memory_space<vmem_shared>>
        tpu.enqueue_indirect_dma source(%arg9 : memref<400x32xf32, #tpu.memory_space<vmem>>) target(%dma_start3A_50 : memref<50048x32xf32, #tpu.memory_space<vmem_shared>>) offsets(%dma_start3A_47 : memref<400xi32, #tpu.memory_space<vmem>>) semaphore(%arg13 : memref<!tpu.dma_semaphore, #tpu.memory_space<semaphore_mem>>) {add = true}
        %dma_wait3A_51 = arith.constant 0 : i32
        %dma_wait3A_52 = tpu.memref_slice %arg8[%dma_wait3A_51] : memref<2000xi32, #tpu.memory_space<vmem>> -> memref<400xi32, #tpu.memory_space<vmem>>
        %dma_wait3A_53 = arith.constant 0 : i32
        %dma_wait3A_54 = arith.constant 0 : i32
        %dma_wait3A_55 = tpu.memref_slice %arg11[%dma_wait3A_53, %dma_wait3A_54] : memref<50048x32xf32, #tpu.memory_space<vmem_shared>> -> memref<50048x32xf32, #tpu.memory_space<vmem_shared>>
        tpu.wait_indirect_dma semaphore(%arg13 : memref<!tpu.dma_semaphore, #tpu.memory_space<semaphore_mem>>) src(%arg9 : memref<400x32xf32, #tpu.memory_space<vmem>>) dst(%dma_wait3A_55 : memref<50048x32xf32, #tpu.memory_space<vmem_shared>>)
        %dma_start3A_56 = arith.constant 800 : i32
        %dma_start3A_57 = tpu.memref_slice %arg7[%dma_start3A_56] : memref<2000xi32, #tpu.memory_space<vmem>> -> memref<400xi32, #tpu.memory_space<vmem>>
        %dma_start3A_58 = arith.constant 0 : i32
        %dma_start3A_59 = arith.constant 0 : i32
        %dma_start3A_60 = tpu.memref_slice %arg4[%dma_start3A_58, %dma_start3A_59] : memref<200000x32xf32, #tpu.memory_space<hbm>> -> memref<200000x32xf32, #tpu.memory_space<hbm>>
        tpu.enqueue_indirect_dma source(%dma_start3A_60 : memref<200000x32xf32, #tpu.memory_space<hbm>>) target(%arg9 : memref<400x32xf32, #tpu.memory_space<vmem>>) offsets(%dma_start3A_57 : memref<400xi32, #tpu.memory_space<vmem>>) semaphore(%arg12 : memref<!tpu.dma_semaphore, #tpu.memory_space<semaphore_mem>>)
        %dma_wait3A_61 = arith.constant 400 : i32
        %dma_wait3A_62 = tpu.memref_slice %arg7[%dma_wait3A_61] : memref<2000xi32, #tpu.memory_space<vmem>> -> memref<400xi32, #tpu.memory_space<vmem>>
        %dma_wait3A_63 = arith.constant 0 : i32
        %dma_wait3A_64 = arith.constant 0 : i32
        %dma_wait3A_65 = tpu.memref_slice %arg4[%dma_wait3A_63, %dma_wait3A_64] : memref<200000x32xf32, #tpu.memory_space<hbm>> -> memref<200000x32xf32, #tpu.memory_space<hbm>>
        tpu.wait_indirect_dma semaphore(%arg12 : memref<!tpu.dma_semaphore, #tpu.memory_space<semaphore_mem>>) src(%dma_wait3A_65 : memref<200000x32xf32, #tpu.memory_space<hbm>>) dst(%arg10 : memref<400x32xf32, #tpu.memory_space<vmem>>)
        %dma_start3A_66 = arith.constant 400 : i32
        %dma_start3A_67 = tpu.memref_slice %arg8[%dma_start3A_66] : memref<2000xi32, #tpu.memory_space<vmem>> -> memref<400xi32, #tpu.memory_space<vmem>>
        %dma_start3A_68 = arith.constant 0 : i32
        %dma_start3A_69 = arith.constant 0 : i32
        %dma_start3A_70 = tpu.memref_slice %arg11[%dma_start3A_68, %dma_start3A_69] : memref<50048x32xf32, #tpu.memory_space<vmem_shared>> -> memref<50048x32xf32, #tpu.memory_space<vmem_shared>>
        tpu.enqueue_indirect_dma source(%arg10 : memref<400x32xf32, #tpu.memory_space<vmem>>) target(%dma_start3A_70 : memref<50048x32xf32, #tpu.memory_space<vmem_shared>>) offsets(%dma_start3A_67 : memref<400xi32, #tpu.memory_space<vmem>>) semaphore(%arg13 : memref<!tpu.dma_semaphore, #tpu.memory_space<semaphore_mem>>) {add = true}
        %dma_wait3A_71 = arith.constant 400 : i32
        %dma_wait3A_72 = tpu.memref_slice %arg8[%dma_wait3A_71] : memref<2000xi32, #tpu.memory_space<vmem>> -> memref<400xi32, #tpu.memory_space<vmem>>
        %dma_wait3A_73 = arith.constant 0 : i32
        %dma_wait3A_74 = arith.constant 0 : i32
        %dma_wait3A_75 = tpu.memref_slice %arg11[%dma_wait3A_73, %dma_wait3A_74] : memref<50048x32xf32, #tpu.memory_space<vmem_shared>> -> memref<50048x32xf32, #tpu.memory_space<vmem_shared>>
        tpu.wait_indirect_dma semaphore(%arg13 : memref<!tpu.dma_semaphore, #tpu.memory_space<semaphore_mem>>) src(%arg10 : memref<400x32xf32, #tpu.memory_space<vmem>>) dst(%dma_wait3A_75 : memref<50048x32xf32, #tpu.memory_space<vmem_shared>>)
        %dma_start3A_76 = arith.constant 1200 : i32
        %dma_start3A_77 = tpu.memref_slice %arg7[%dma_start3A_76] : memref<2000xi32, #tpu.memory_space<vmem>> -> memref<400xi32, #tpu.memory_space<vmem>>
        %dma_start3A_78 = arith.constant 0 : i32
        %dma_start3A_79 = arith.constant 0 : i32
        %dma_start3A_80 = tpu.memref_slice %arg4[%dma_start3A_78, %dma_start3A_79] : memref<200000x32xf32, #tpu.memory_space<hbm>> -> memref<200000x32xf32, #tpu.memory_space<hbm>>
        tpu.enqueue_indirect_dma source(%dma_start3A_80 : memref<200000x32xf32, #tpu.memory_space<hbm>>) target(%arg10 : memref<400x32xf32, #tpu.memory_space<vmem>>) offsets(%dma_start3A_77 : memref<400xi32, #tpu.memory_space<vmem>>) semaphore(%arg12 : memref<!tpu.dma_semaphore, #tpu.memory_space<semaphore_mem>>)
        %dma_wait3A_81 = arith.constant 800 : i32
        %dma_wait3A_82 = tpu.memref_slice %arg7[%dma_wait3A_81] : memref<2000xi32, #tpu.memory_space<vmem>> -> memref<400xi32, #tpu.memory_space<vmem>>
        %dma_wait3A_83 = arith.constant 0 : i32
        %dma_wait3A_84 = arith.constant 0 : i32
        %dma_wait3A_85 = tpu.memref_slice %arg4[%dma_wait3A_83, %dma_wait3A_84] : memref<200000x32xf32, #tpu.memory_space<hbm>> -> memref<200000x32xf32, #tpu.memory_space<hbm>>
        tpu.wait_indirect_dma semaphore(%arg12 : memref<!tpu.dma_semaphore, #tpu.memory_space<semaphore_mem>>) src(%dma_wait3A_85 : memref<200000x32xf32, #tpu.memory_space<hbm>>) dst(%arg9 : memref<400x32xf32, #tpu.memory_space<vmem>>)
        %dma_start3A_86 = arith.constant 800 : i32
        %dma_start3A_87 = tpu.memref_slice %arg8[%dma_start3A_86] : memref<2000xi32, #tpu.memory_space<vmem>> -> memref<400xi32, #tpu.memory_space<vmem>>
        %dma_start3A_88 = arith.constant 0 : i32
        %dma_start3A_89 = arith.constant 0 : i32
        %dma_start3A_90 = tpu.memref_slice %arg11[%dma_start3A_88, %dma_start3A_89] : memref<50048x32xf32, #tpu.memory_space<vmem_shared>> -> memref<50048x32xf32, #tpu.memory_space<vmem_shared>>
        tpu.enqueue_indirect_dma source(%arg9 : memref<400x32xf32, #tpu.memory_space<vmem>>) target(%dma_start3A_90 : memref<50048x32xf32, #tpu.memory_space<vmem_shared>>) offsets(%dma_start3A_87 : memref<400xi32, #tpu.memory_space<vmem>>) semaphore(%arg13 : memref<!tpu.dma_semaphore, #tpu.memory_space<semaphore_mem>>) {add = true}
        %dma_wait3A_91 = arith.constant 800 : i32
        %dma_wait3A_92 = tpu.memref_slice %arg8[%dma_wait3A_91] : memref<2000xi32, #tpu.memory_space<vmem>> -> memref<400xi32, #tpu.memory_space<vmem>>
        %dma_wait3A_93 = arith.constant 0 : i32
        %dma_wait3A_94 = arith.constant 0 : i32
        %dma_wait3A_95 = tpu.memref_slice %arg11[%dma_wait3A_93, %dma_wait3A_94] : memref<50048x32xf32, #tpu.memory_space<vmem_shared>> -> memref<50048x32xf32, #tpu.memory_space<vmem_shared>>
        tpu.wait_indirect_dma semaphore(%arg13 : memref<!tpu.dma_semaphore, #tpu.memory_space<semaphore_mem>>) src(%arg9 : memref<400x32xf32, #tpu.memory_space<vmem>>) dst(%dma_wait3A_95 : memref<50048x32xf32, #tpu.memory_space<vmem_shared>>)
        %dma_start3A_96 = arith.constant 1600 : i32
        %dma_start3A_97 = tpu.memref_slice %arg7[%dma_start3A_96] : memref<2000xi32, #tpu.memory_space<vmem>> -> memref<400xi32, #tpu.memory_space<vmem>>
        %dma_start3A_98 = arith.constant 0 : i32
        %dma_start3A_99 = arith.constant 0 : i32
        %dma_start3A_100 = tpu.memref_slice %arg4[%dma_start3A_98, %dma_start3A_99] : memref<200000x32xf32, #tpu.memory_space<hbm>> -> memref<200000x32xf32, #tpu.memory_space<hbm>>
        tpu.enqueue_indirect_dma source(%dma_start3A_100 : memref<200000x32xf32, #tpu.memory_space<hbm>>) target(%arg9 : memref<400x32xf32, #tpu.memory_space<vmem>>) offsets(%dma_start3A_97 : memref<400xi32, #tpu.memory_space<vmem>>) semaphore(%arg12 : memref<!tpu.dma_semaphore, #tpu.memory_space<semaphore_mem>>)
        %dma_wait3A_101 = arith.constant 1200 : i32
        %dma_wait3A_102 = tpu.memref_slice %arg7[%dma_wait3A_101] : memref<2000xi32, #tpu.memory_space<vmem>> -> memref<400xi32, #tpu.memory_space<vmem>>
        %dma_wait3A_103 = arith.constant 0 : i32
        %dma_wait3A_104 = arith.constant 0 : i32
        %dma_wait3A_105 = tpu.memref_slice %arg4[%dma_wait3A_103, %dma_wait3A_104] : memref<200000x32xf32, #tpu.memory_space<hbm>> -> memref<200000x32xf32, #tpu.memory_space<hbm>>
        tpu.wait_indirect_dma semaphore(%arg12 : memref<!tpu.dma_semaphore, #tpu.memory_space<semaphore_mem>>) src(%dma_wait3A_105 : memref<200000x32xf32, #tpu.memory_space<hbm>>) dst(%arg10 : memref<400x32xf32, #tpu.memory_space<vmem>>)
        %dma_start3A_106 = arith.constant 1200 : i32
        %dma_start3A_107 = tpu.memref_slice %arg8[%dma_start3A_106] : memref<2000xi32, #tpu.memory_space<vmem>> -> memref<400xi32, #tpu.memory_space<vmem>>
        %dma_start3A_108 = arith.constant 0 : i32
        %dma_start3A_109 = arith.constant 0 : i32
        %dma_start3A_110 = tpu.memref_slice %arg11[%dma_start3A_108, %dma_start3A_109] : memref<50048x32xf32, #tpu.memory_space<vmem_shared>> -> memref<50048x32xf32, #tpu.memory_space<vmem_shared>>
        tpu.enqueue_indirect_dma source(%arg10 : memref<400x32xf32, #tpu.memory_space<vmem>>) target(%dma_start3A_110 : memref<50048x32xf32, #tpu.memory_space<vmem_shared>>) offsets(%dma_start3A_107 : memref<400xi32, #tpu.memory_space<vmem>>) semaphore(%arg13 : memref<!tpu.dma_semaphore, #tpu.memory_space<semaphore_mem>>) {add = true}
        %dma_wait3A_111 = arith.constant 1600 : i32
        %dma_wait3A_112 = tpu.memref_slice %arg7[%dma_wait3A_111] : memref<2000xi32, #tpu.memory_space<vmem>> -> memref<400xi32, #tpu.memory_space<vmem>>
        %dma_wait3A_113 = arith.constant 0 : i32
        %dma_wait3A_114 = arith.constant 0 : i32
        %dma_wait3A_115 = tpu.memref_slice %arg4[%dma_wait3A_113, %dma_wait3A_114] : memref<200000x32xf32, #tpu.memory_space<hbm>> -> memref<200000x32xf32, #tpu.memory_space<hbm>>
        tpu.wait_indirect_dma semaphore(%arg12 : memref<!tpu.dma_semaphore, #tpu.memory_space<semaphore_mem>>) src(%dma_wait3A_115 : memref<200000x32xf32, #tpu.memory_space<hbm>>) dst(%arg9 : memref<400x32xf32, #tpu.memory_space<vmem>>)
        %dma_start3A_116 = arith.constant 1600 : i32
        %dma_start3A_117 = tpu.memref_slice %arg8[%dma_start3A_116] : memref<2000xi32, #tpu.memory_space<vmem>> -> memref<400xi32, #tpu.memory_space<vmem>>
        %dma_start3A_118 = arith.constant 0 : i32
        %dma_start3A_119 = arith.constant 0 : i32
        %dma_start3A_120 = tpu.memref_slice %arg11[%dma_start3A_118, %dma_start3A_119] : memref<50048x32xf32, #tpu.memory_space<vmem_shared>> -> memref<50048x32xf32, #tpu.memory_space<vmem_shared>>
        tpu.enqueue_indirect_dma source(%arg9 : memref<400x32xf32, #tpu.memory_space<vmem>>) target(%dma_start3A_120 : memref<50048x32xf32, #tpu.memory_space<vmem_shared>>) offsets(%dma_start3A_117 : memref<400xi32, #tpu.memory_space<vmem>>) semaphore(%arg13 : memref<!tpu.dma_semaphore, #tpu.memory_space<semaphore_mem>>) {add = true}
        %dma_wait3A_121 = arith.constant 1600 : i32
        %dma_wait3A_122 = tpu.memref_slice %arg8[%dma_wait3A_121] : memref<2000xi32, #tpu.memory_space<vmem>> -> memref<400xi32, #tpu.memory_space<vmem>>
        %dma_wait3A_123 = arith.constant 0 : i32
        %dma_wait3A_124 = arith.constant 0 : i32
        %dma_wait3A_125 = tpu.memref_slice %arg11[%dma_wait3A_123, %dma_wait3A_124] : memref<50048x32xf32, #tpu.memory_space<vmem_shared>> -> memref<50048x32xf32, #tpu.memory_space<vmem_shared>>
        tpu.wait_indirect_dma semaphore(%arg13 : memref<!tpu.dma_semaphore, #tpu.memory_space<semaphore_mem>>) src(%arg9 : memref<400x32xf32, #tpu.memory_space<vmem>>) dst(%dma_wait3A_125 : memref<50048x32xf32, #tpu.memory_space<vmem_shared>>)
        %dma_wait3A_126 = arith.constant 1200 : i32
        %dma_wait3A_127 = tpu.memref_slice %arg8[%dma_wait3A_126] : memref<2000xi32, #tpu.memory_space<vmem>> -> memref<400xi32, #tpu.memory_space<vmem>>
        %dma_wait3A_128 = arith.constant 0 : i32
        %dma_wait3A_129 = arith.constant 0 : i32
        %dma_wait3A_130 = tpu.memref_slice %arg11[%dma_wait3A_128, %dma_wait3A_129] : memref<50048x32xf32, #tpu.memory_space<vmem_shared>> -> memref<50048x32xf32, #tpu.memory_space<vmem_shared>>
        tpu.wait_indirect_dma semaphore(%arg13 : memref<!tpu.dma_semaphore, #tpu.memory_space<semaphore_mem>>) src(%arg10 : memref<400x32xf32, #tpu.memory_space<vmem>>) dst(%dma_wait3A_130 : memref<50048x32xf32, #tpu.memory_space<vmem_shared>>)
        %scan3A_131 = arith.constant 0 : i32
        scf.yield %scan3A_131 : i32
      }
      %scan3A_17 = arith.constant 25 : i32
      %barrier3A_18 = arith.constant 0 : index
      tpu.barrier barrier_id(%barrier3A_18)
      %mul3A_19 = arith.constant 32 : i32
      %mul3A_20 = arith.muli %add3A, %mul3A_19 : i32
      "tpu.region"() ({
        %run_scoped3A = tpu.sem_alloc : memref<!tpu.dma_semaphore, #tpu.memory_space<semaphore_mem>>
        %dma_start3A = tpu.memref_slice %arg6[%mul3A_0, %mul3A_20] : memref<50048x128xf32, #tpu.memory_space<hbm>> -> memref<3128x32xf32, #tpu.memory_space<hbm>>
        %dma_start3A_23 = arith.constant 0 : i32
        %dma_start3A_24 = tpu.memref_slice %arg11[%mul3A_0, %dma_start3A_23] : memref<50048x32xf32, #tpu.memory_space<vmem_shared>> -> memref<3128x32xf32, #tpu.memory_space<vmem_shared>>
        tpu.enqueue_dma source(%dma_start3A_24 : memref<3128x32xf32, #tpu.memory_space<vmem_shared>>) target(%dma_start3A : memref<3128x32xf32, #tpu.memory_space<hbm>>) target_semaphore(%run_scoped3A : memref<!tpu.dma_semaphore, #tpu.memory_space<semaphore_mem>>)
        %dma_wait3A = tpu.memref_slice %arg6[%mul3A_0, %mul3A_20] : memref<50048x128xf32, #tpu.memory_space<hbm>> -> memref<3128x32xf32, #tpu.memory_space<hbm>>
        %dma_wait3A_25 = arith.constant 0 : i32
        %dma_wait3A_26 = tpu.memref_slice %arg11[%mul3A_0, %dma_wait3A_25] : memref<50048x32xf32, #tpu.memory_space<vmem_shared>> -> memref<3128x32xf32, #tpu.memory_space<vmem_shared>>
        tpu.wait_dma2 semaphore(%run_scoped3A : memref<!tpu.dma_semaphore, #tpu.memory_space<semaphore_mem>>) src(%dma_wait3A_26 : memref<3128x32xf32, #tpu.memory_space<vmem_shared>>) dst(%dma_wait3A : memref<3128x32xf32, #tpu.memory_space<hbm>>)
        tpu.yield
      }) : () -> ()
      %barrier3A_21 = arith.constant 0 : index
      tpu.barrier barrier_id(%barrier3A_21)
      %scan3A_22 = arith.constant 0 : i32
      scf.yield %scan3A_22 : i32
    }
    %scan3A_6 = arith.constant 2 : i32
    return
  }
}

#map = affine_map<(d0, d1) -> (0)>
#map1 = affine_map<(d0, d1) -> (0, 0)>
module attributes {stable_mosaic.version = 14 : i64} {
  func.func @_prop_kernel(%arg0: i32, %arg1: i32, %arg2: memref<3200000xi32, #tpu.memory_space<hbm>>, %arg3: memref<2x800000xi32, #tpu.memory_space<hbm>>, %arg4: memref<200000x32xf32, #tpu.memory_space<hbm>>, %arg5: memref<3128x32xf32, #tpu.memory_space<hbm>>, %arg6: memref<50048x128xf32, #tpu.memory_space<hbm>>, %arg7: memref<2000xi32, #tpu.memory_space<vmem>>, %arg8: memref<2000xi32, #tpu.memory_space<vmem>>, %arg9: memref<400x32xf32, #tpu.memory_space<vmem>>, %arg10: memref<400x32xf32, #tpu.memory_space<vmem>>, %arg11: memref<50048x32xf32, #tpu.memory_space<vmem_shared>>, %arg12: memref<!tpu.dma_semaphore, #tpu.memory_space<semaphore_mem>>, %arg13: memref<!tpu.dma_semaphore, #tpu.memory_space<semaphore_mem>>) attributes {dimension_semantics = [#tpu.dimension_semantics<core_parallel>, #tpu.dimension_semantics<subcore_parallel>], iteration_bounds = array<i64: 2, 16>, scalar_prefetch = 0 : i64, scratch_operands = 7 : i64, tpu.core_type = #tpu.core_type<sc_vector_subcore>, window_params = [{transform_indices = #map}, {transform_indices = #map1}, {transform_indices = #map1}, {transform_indices = #map1}, {transform_indices = #map1}]} {
    %mul3A = arith.constant 3128 : i32
    %mul3A_0 = arith.muli %arg1, %mul3A : i32
    %scan3A = arith.constant 0 : i32
    %scan3A_1 = arith.constant 0 : i32
    %scan3A_2 = arith.constant 2 : i32
    %scan3A_3 = arith.addi %scan3A_1, %scan3A_2 : i32
    %scan3A_4 = arith.constant 1 : i32
    %scan3A_5 = scf.for %scan3A_7 = %scan3A_1 to %scan3A_3 step %scan3A_4 iter_args(%scan3A_8 = %scan3A) -> (i32)  : i32 {
      %mul3A_9 = arith.constant 2 : i32
      %mul3A_10 = arith.muli %arg0, %mul3A_9 : i32
      %add3A = arith.addi %mul3A_10, %scan3A_7 : i32
      "tpu.region"() ({
        %run_scoped3A = tpu.sem_alloc : memref<!tpu.dma_semaphore, #tpu.memory_space<semaphore_mem>>
        %dma_start3A = arith.constant 0 : i32
        %dma_start3A_23 = tpu.memref_slice %arg11[%mul3A_0, %dma_start3A] : memref<50048x32xf32, #tpu.memory_space<vmem_shared>> -> memref<3128x32xf32, #tpu.memory_space<vmem_shared>>
        tpu.enqueue_dma source(%arg5 : memref<3128x32xf32, #tpu.memory_space<hbm>>) target(%dma_start3A_23 : memref<3128x32xf32, #tpu.memory_space<vmem_shared>>) target_semaphore(%run_scoped3A : memref<!tpu.dma_semaphore, #tpu.memory_space<semaphore_mem>>)
        %dma_wait3A = arith.constant 0 : i32
        %dma_wait3A_24 = tpu.memref_slice %arg11[%mul3A_0, %dma_wait3A] : memref<50048x32xf32, #tpu.memory_space<vmem_shared>> -> memref<3128x32xf32, #tpu.memory_space<vmem_shared>>
        tpu.wait_dma2 semaphore(%run_scoped3A : memref<!tpu.dma_semaphore, #tpu.memory_space<semaphore_mem>>) src(%arg5 : memref<3128x32xf32, #tpu.memory_space<hbm>>) dst(%dma_wait3A_24 : memref<3128x32xf32, #tpu.memory_space<vmem_shared>>)
        tpu.yield
      }) : () -> ()
      %barrier3A = arith.constant 0 : index
      tpu.barrier barrier_id(%barrier3A)
      %scan3A_11 = arith.constant 0 : i32
      %scan3A_12 = arith.constant 0 : i32
      %scan3A_13 = arith.constant 25 : i32
      %scan3A_14 = arith.addi %scan3A_12, %scan3A_13 : i32
      %scan3A_15 = arith.constant 1 : i32
      %scan3A_16 = scf.for %scan3A_23 = %scan3A_12 to %scan3A_14 step %scan3A_15 iter_args(%scan3A_24 = %scan3A_11) -> (i32)  : i32 {
        %mul3A_25 = arith.constant 50000 : i32
        %mul3A_26 = arith.muli %arg1, %mul3A_25 : i32
        %mul3A_27 = arith.constant 2000 : i32
        %mul3A_28 = arith.muli %scan3A_23, %mul3A_27 : i32
        %add3A_29 = arith.addi %mul3A_26, %mul3A_28 : i32
        %mul3A_30 = arith.constant 800000 : i32
        %mul3A_31 = arith.muli %add3A, %mul3A_30 : i32
        %add3A_32 = arith.addi %mul3A_31, %add3A_29 : i32
        "tpu.region"() ({
          %run_scoped3A_132 = tpu.sem_alloc : memref<!tpu.dma_semaphore, #tpu.memory_space<semaphore_mem>>
          %dma_start3A_133 = tpu.memref_slice %arg2[%add3A_32] : memref<3200000xi32, #tpu.memory_space<hbm>> -> memref<2000xi32, #tpu.memory_space<hbm>>
          %dma_start3A_134 = tpu.memref_slice %arg2[%add3A_32] : memref<3200000xi32, #tpu.memory_space<hbm>> -> memref<2000xi32, #tpu.memory_space<hbm>>
          tpu.enqueue_dma source(%dma_start3A_134 : memref<2000xi32, #tpu.memory_space<hbm>>) target(%arg7 : memref<2000xi32, #tpu.memory_space<vmem>>) target_semaphore(%run_scoped3A_132 : memref<!tpu.dma_semaphore, #tpu.memory_space<semaphore_mem>>)
          %dma_wait3A_135 = tpu.memref_slice %arg2[%add3A_32] : memref<3200000xi32, #tpu.memory_space<hbm>> -> memref<2000xi32, #tpu.memory_space<hbm>>
          %dma_wait3A_136 = tpu.memref_slice %arg2[%add3A_32] : memref<3200000xi32, #tpu.memory_space<hbm>> -> memref<2000xi32, #tpu.memory_space<hbm>>
          tpu.wait_dma2 semaphore(%run_scoped3A_132 : memref<!tpu.dma_semaphore, #tpu.memory_space<semaphore_mem>>) src(%dma_wait3A_136 : memref<2000xi32, #tpu.memory_space<hbm>>) dst(%arg7 : memref<2000xi32, #tpu.memory_space<vmem>>)
          tpu.yield
        }) : () -> ()
        %run_scoped3A = arith.constant 1 : i32
        "tpu.region"() ({
          %run_scoped3A_132 = tpu.sem_alloc : memref<!tpu.dma_semaphore, #tpu.memory_space<semaphore_mem>>
          %dma_start3A_133 = tpu.memref_slice %arg3[%run_scoped3A, %add3A_29] : memref<2x800000xi32, #tpu.memory_space<hbm>> -> memref<1x2000xi32, #tpu.memory_space<hbm>>
          %dma_start3A_134 = tpu.memref_squeeze %dma_start3A_133 : memref<1x2000xi32, #tpu.memory_space<hbm>> -> memref<2000xi32, #tpu.memory_space<hbm>>
          %dma_start3A_135 = tpu.memref_slice %arg3[%run_scoped3A, %add3A_29] : memref<2x800000xi32, #tpu.memory_space<hbm>> -> memref<1x2000xi32, #tpu.memory_space<hbm>>
          %dma_start3A_136 = tpu.memref_squeeze %dma_start3A_135 : memref<1x2000xi32, #tpu.memory_space<hbm>> -> memref<2000xi32, #tpu.memory_space<hbm>>
          tpu.enqueue_dma source(%dma_start3A_136 : memref<2000xi32, #tpu.memory_space<hbm>>) target(%arg8 : memref<2000xi32, #tpu.memory_space<vmem>>) target_semaphore(%run_scoped3A_132 : memref<!tpu.dma_semaphore, #tpu.memory_space<semaphore_mem>>)
          %dma_wait3A_137 = tpu.memref_slice %arg3[%run_scoped3A, %add3A_29] : memref<2x800000xi32, #tpu.memory_space<hbm>> -> memref<1x2000xi32, #tpu.memory_space<hbm>>
          %dma_wait3A_138 = tpu.memref_squeeze %dma_wait3A_137 : memref<1x2000xi32, #tpu.memory_space<hbm>> -> memref<2000xi32, #tpu.memory_space<hbm>>
          %dma_wait3A_139 = tpu.memref_slice %arg3[%run_scoped3A, %add3A_29] : memref<2x800000xi32, #tpu.memory_space<hbm>> -> memref<1x2000xi32, #tpu.memory_space<hbm>>
          %dma_wait3A_140 = tpu.memref_squeeze %dma_wait3A_139 : memref<1x2000xi32, #tpu.memory_space<hbm>> -> memref<2000xi32, #tpu.memory_space<hbm>>
          tpu.wait_dma2 semaphore(%run_scoped3A_132 : memref<!tpu.dma_semaphore, #tpu.memory_space<semaphore_mem>>) src(%dma_wait3A_140 : memref<2000xi32, #tpu.memory_space<hbm>>) dst(%arg8 : memref<2000xi32, #tpu.memory_space<vmem>>)
          tpu.yield
        }) : () -> ()
        %dma_start3A = arith.constant 0 : i32
        %dma_start3A_33 = tpu.memref_slice %arg7[%dma_start3A] : memref<2000xi32, #tpu.memory_space<vmem>> -> memref<400xi32, #tpu.memory_space<vmem>>
        %dma_start3A_34 = arith.constant 0 : i32
        %dma_start3A_35 = arith.constant 0 : i32
        %dma_start3A_36 = tpu.memref_slice %arg4[%dma_start3A_34, %dma_start3A_35] : memref<200000x32xf32, #tpu.memory_space<hbm>> -> memref<200000x32xf32, #tpu.memory_space<hbm>>
        tpu.enqueue_indirect_dma source(%dma_start3A_36 : memref<200000x32xf32, #tpu.memory_space<hbm>>) target(%arg9 : memref<400x32xf32, #tpu.memory_space<vmem>>) offsets(%dma_start3A_33 : memref<400xi32, #tpu.memory_space<vmem>>) semaphore(%arg12 : memref<!tpu.dma_semaphore, #tpu.memory_space<semaphore_mem>>)
        %dma_start3A_37 = arith.constant 400 : i32
        %dma_start3A_38 = tpu.memref_slice %arg7[%dma_start3A_37] : memref<2000xi32, #tpu.memory_space<vmem>> -> memref<400xi32, #tpu.memory_space<vmem>>
        %dma_start3A_39 = arith.constant 0 : i32
        %dma_start3A_40 = arith.constant 0 : i32
        %dma_start3A_41 = tpu.memref_slice %arg4[%dma_start3A_39, %dma_start3A_40] : memref<200000x32xf32, #tpu.memory_space<hbm>> -> memref<200000x32xf32, #tpu.memory_space<hbm>>
        tpu.enqueue_indirect_dma source(%dma_start3A_41 : memref<200000x32xf32, #tpu.memory_space<hbm>>) target(%arg10 : memref<400x32xf32, #tpu.memory_space<vmem>>) offsets(%dma_start3A_38 : memref<400xi32, #tpu.memory_space<vmem>>) semaphore(%arg12 : memref<!tpu.dma_semaphore, #tpu.memory_space<semaphore_mem>>)
        %dma_wait3A = arith.constant 0 : i32
        %dma_wait3A_42 = tpu.memref_slice %arg7[%dma_wait3A] : memref<2000xi32, #tpu.memory_space<vmem>> -> memref<400xi32, #tpu.memory_space<vmem>>
        %dma_wait3A_43 = arith.constant 0 : i32
        %dma_wait3A_44 = arith.constant 0 : i32
        %dma_wait3A_45 = tpu.memref_slice %arg4[%dma_wait3A_43, %dma_wait3A_44] : memref<200000x32xf32, #tpu.memory_space<hbm>> -> memref<200000x32xf32, #tpu.memory_space<hbm>>
        tpu.wait_indirect_dma semaphore(%arg12 : memref<!tpu.dma_semaphore, #tpu.memory_space<semaphore_mem>>) src(%dma_wait3A_45 : memref<200000x32xf32, #tpu.memory_space<hbm>>) dst(%arg9 : memref<400x32xf32, #tpu.memory_space<vmem>>)
        %dma_start3A_46 = arith.constant 0 : i32
        %dma_start3A_47 = tpu.memref_slice %arg8[%dma_start3A_46] : memref<2000xi32, #tpu.memory_space<vmem>> -> memref<400xi32, #tpu.memory_space<vmem>>
        %dma_start3A_48 = arith.constant 0 : i32
        %dma_start3A_49 = arith.constant 0 : i32
        %dma_start3A_50 = tpu.memref_slice %arg11[%dma_start3A_48, %dma_start3A_49] : memref<50048x32xf32, #tpu.memory_space<vmem_shared>> -> memref<50048x32xf32, #tpu.memory_space<vmem_shared>>
        tpu.enqueue_indirect_dma source(%arg9 : memref<400x32xf32, #tpu.memory_space<vmem>>) target(%dma_start3A_50 : memref<50048x32xf32, #tpu.memory_space<vmem_shared>>) offsets(%dma_start3A_47 : memref<400xi32, #tpu.memory_space<vmem>>) semaphore(%arg13 : memref<!tpu.dma_semaphore, #tpu.memory_space<semaphore_mem>>) {add = true}
        %dma_wait3A_51 = arith.constant 0 : i32
        %dma_wait3A_52 = tpu.memref_slice %arg8[%dma_wait3A_51] : memref<2000xi32, #tpu.memory_space<vmem>> -> memref<400xi32, #tpu.memory_space<vmem>>
        %dma_wait3A_53 = arith.constant 0 : i32
        %dma_wait3A_54 = arith.constant 0 : i32
        %dma_wait3A_55 = tpu.memref_slice %arg11[%dma_wait3A_53, %dma_wait3A_54] : memref<50048x32xf32, #tpu.memory_space<vmem_shared>> -> memref<50048x32xf32, #tpu.memory_space<vmem_shared>>
        tpu.wait_indirect_dma semaphore(%arg13 : memref<!tpu.dma_semaphore, #tpu.memory_space<semaphore_mem>>) src(%arg9 : memref<400x32xf32, #tpu.memory_space<vmem>>) dst(%dma_wait3A_55 : memref<50048x32xf32, #tpu.memory_space<vmem_shared>>)
        %dma_start3A_56 = arith.constant 800 : i32
        %dma_start3A_57 = tpu.memref_slice %arg7[%dma_start3A_56] : memref<2000xi32, #tpu.memory_space<vmem>> -> memref<400xi32, #tpu.memory_space<vmem>>
        %dma_start3A_58 = arith.constant 0 : i32
        %dma_start3A_59 = arith.constant 0 : i32
        %dma_start3A_60 = tpu.memref_slice %arg4[%dma_start3A_58, %dma_start3A_59] : memref<200000x32xf32, #tpu.memory_space<hbm>> -> memref<200000x32xf32, #tpu.memory_space<hbm>>
        tpu.enqueue_indirect_dma source(%dma_start3A_60 : memref<200000x32xf32, #tpu.memory_space<hbm>>) target(%arg9 : memref<400x32xf32, #tpu.memory_space<vmem>>) offsets(%dma_start3A_57 : memref<400xi32, #tpu.memory_space<vmem>>) semaphore(%arg12 : memref<!tpu.dma_semaphore, #tpu.memory_space<semaphore_mem>>)
        %dma_wait3A_61 = arith.constant 400 : i32
        %dma_wait3A_62 = tpu.memref_slice %arg7[%dma_wait3A_61] : memref<2000xi32, #tpu.memory_space<vmem>> -> memref<400xi32, #tpu.memory_space<vmem>>
        %dma_wait3A_63 = arith.constant 0 : i32
        %dma_wait3A_64 = arith.constant 0 : i32
        %dma_wait3A_65 = tpu.memref_slice %arg4[%dma_wait3A_63, %dma_wait3A_64] : memref<200000x32xf32, #tpu.memory_space<hbm>> -> memref<200000x32xf32, #tpu.memory_space<hbm>>
        tpu.wait_indirect_dma semaphore(%arg12 : memref<!tpu.dma_semaphore, #tpu.memory_space<semaphore_mem>>) src(%dma_wait3A_65 : memref<200000x32xf32, #tpu.memory_space<hbm>>) dst(%arg10 : memref<400x32xf32, #tpu.memory_space<vmem>>)
        %dma_start3A_66 = arith.constant 400 : i32
        %dma_start3A_67 = tpu.memref_slice %arg8[%dma_start3A_66] : memref<2000xi32, #tpu.memory_space<vmem>> -> memref<400xi32, #tpu.memory_space<vmem>>
        %dma_start3A_68 = arith.constant 0 : i32
        %dma_start3A_69 = arith.constant 0 : i32
        %dma_start3A_70 = tpu.memref_slice %arg11[%dma_start3A_68, %dma_start3A_69] : memref<50048x32xf32, #tpu.memory_space<vmem_shared>> -> memref<50048x32xf32, #tpu.memory_space<vmem_shared>>
        tpu.enqueue_indirect_dma source(%arg10 : memref<400x32xf32, #tpu.memory_space<vmem>>) target(%dma_start3A_70 : memref<50048x32xf32, #tpu.memory_space<vmem_shared>>) offsets(%dma_start3A_67 : memref<400xi32, #tpu.memory_space<vmem>>) semaphore(%arg13 : memref<!tpu.dma_semaphore, #tpu.memory_space<semaphore_mem>>) {add = true}
        %dma_wait3A_71 = arith.constant 400 : i32
        %dma_wait3A_72 = tpu.memref_slice %arg8[%dma_wait3A_71] : memref<2000xi32, #tpu.memory_space<vmem>> -> memref<400xi32, #tpu.memory_space<vmem>>
        %dma_wait3A_73 = arith.constant 0 : i32
        %dma_wait3A_74 = arith.constant 0 : i32
        %dma_wait3A_75 = tpu.memref_slice %arg11[%dma_wait3A_73, %dma_wait3A_74] : memref<50048x32xf32, #tpu.memory_space<vmem_shared>> -> memref<50048x32xf32, #tpu.memory_space<vmem_shared>>
        tpu.wait_indirect_dma semaphore(%arg13 : memref<!tpu.dma_semaphore, #tpu.memory_space<semaphore_mem>>) src(%arg10 : memref<400x32xf32, #tpu.memory_space<vmem>>) dst(%dma_wait3A_75 : memref<50048x32xf32, #tpu.memory_space<vmem_shared>>)
        %dma_start3A_76 = arith.constant 1200 : i32
        %dma_start3A_77 = tpu.memref_slice %arg7[%dma_start3A_76] : memref<2000xi32, #tpu.memory_space<vmem>> -> memref<400xi32, #tpu.memory_space<vmem>>
        %dma_start3A_78 = arith.constant 0 : i32
        %dma_start3A_79 = arith.constant 0 : i32
        %dma_start3A_80 = tpu.memref_slice %arg4[%dma_start3A_78, %dma_start3A_79] : memref<200000x32xf32, #tpu.memory_space<hbm>> -> memref<200000x32xf32, #tpu.memory_space<hbm>>
        tpu.enqueue_indirect_dma source(%dma_start3A_80 : memref<200000x32xf32, #tpu.memory_space<hbm>>) target(%arg10 : memref<400x32xf32, #tpu.memory_space<vmem>>) offsets(%dma_start3A_77 : memref<400xi32, #tpu.memory_space<vmem>>) semaphore(%arg12 : memref<!tpu.dma_semaphore, #tpu.memory_space<semaphore_mem>>)
        %dma_wait3A_81 = arith.constant 800 : i32
        %dma_wait3A_82 = tpu.memref_slice %arg7[%dma_wait3A_81] : memref<2000xi32, #tpu.memory_space<vmem>> -> memref<400xi32, #tpu.memory_space<vmem>>
        %dma_wait3A_83 = arith.constant 0 : i32
        %dma_wait3A_84 = arith.constant 0 : i32
        %dma_wait3A_85 = tpu.memref_slice %arg4[%dma_wait3A_83, %dma_wait3A_84] : memref<200000x32xf32, #tpu.memory_space<hbm>> -> memref<200000x32xf32, #tpu.memory_space<hbm>>
        tpu.wait_indirect_dma semaphore(%arg12 : memref<!tpu.dma_semaphore, #tpu.memory_space<semaphore_mem>>) src(%dma_wait3A_85 : memref<200000x32xf32, #tpu.memory_space<hbm>>) dst(%arg9 : memref<400x32xf32, #tpu.memory_space<vmem>>)
        %dma_start3A_86 = arith.constant 800 : i32
        %dma_start3A_87 = tpu.memref_slice %arg8[%dma_start3A_86] : memref<2000xi32, #tpu.memory_space<vmem>> -> memref<400xi32, #tpu.memory_space<vmem>>
        %dma_start3A_88 = arith.constant 0 : i32
        %dma_start3A_89 = arith.constant 0 : i32
        %dma_start3A_90 = tpu.memref_slice %arg11[%dma_start3A_88, %dma_start3A_89] : memref<50048x32xf32, #tpu.memory_space<vmem_shared>> -> memref<50048x32xf32, #tpu.memory_space<vmem_shared>>
        tpu.enqueue_indirect_dma source(%arg9 : memref<400x32xf32, #tpu.memory_space<vmem>>) target(%dma_start3A_90 : memref<50048x32xf32, #tpu.memory_space<vmem_shared>>) offsets(%dma_start3A_87 : memref<400xi32, #tpu.memory_space<vmem>>) semaphore(%arg13 : memref<!tpu.dma_semaphore, #tpu.memory_space<semaphore_mem>>) {add = true}
        %dma_wait3A_91 = arith.constant 800 : i32
        %dma_wait3A_92 = tpu.memref_slice %arg8[%dma_wait3A_91] : memref<2000xi32, #tpu.memory_space<vmem>> -> memref<400xi32, #tpu.memory_space<vmem>>
        %dma_wait3A_93 = arith.constant 0 : i32
        %dma_wait3A_94 = arith.constant 0 : i32
        %dma_wait3A_95 = tpu.memref_slice %arg11[%dma_wait3A_93, %dma_wait3A_94] : memref<50048x32xf32, #tpu.memory_space<vmem_shared>> -> memref<50048x32xf32, #tpu.memory_space<vmem_shared>>
        tpu.wait_indirect_dma semaphore(%arg13 : memref<!tpu.dma_semaphore, #tpu.memory_space<semaphore_mem>>) src(%arg9 : memref<400x32xf32, #tpu.memory_space<vmem>>) dst(%dma_wait3A_95 : memref<50048x32xf32, #tpu.memory_space<vmem_shared>>)
        %dma_start3A_96 = arith.constant 1600 : i32
        %dma_start3A_97 = tpu.memref_slice %arg7[%dma_start3A_96] : memref<2000xi32, #tpu.memory_space<vmem>> -> memref<400xi32, #tpu.memory_space<vmem>>
        %dma_start3A_98 = arith.constant 0 : i32
        %dma_start3A_99 = arith.constant 0 : i32
        %dma_start3A_100 = tpu.memref_slice %arg4[%dma_start3A_98, %dma_start3A_99] : memref<200000x32xf32, #tpu.memory_space<hbm>> -> memref<200000x32xf32, #tpu.memory_space<hbm>>
        tpu.enqueue_indirect_dma source(%dma_start3A_100 : memref<200000x32xf32, #tpu.memory_space<hbm>>) target(%arg9 : memref<400x32xf32, #tpu.memory_space<vmem>>) offsets(%dma_start3A_97 : memref<400xi32, #tpu.memory_space<vmem>>) semaphore(%arg12 : memref<!tpu.dma_semaphore, #tpu.memory_space<semaphore_mem>>)
        %dma_wait3A_101 = arith.constant 1200 : i32
        %dma_wait3A_102 = tpu.memref_slice %arg7[%dma_wait3A_101] : memref<2000xi32, #tpu.memory_space<vmem>> -> memref<400xi32, #tpu.memory_space<vmem>>
        %dma_wait3A_103 = arith.constant 0 : i32
        %dma_wait3A_104 = arith.constant 0 : i32
        %dma_wait3A_105 = tpu.memref_slice %arg4[%dma_wait3A_103, %dma_wait3A_104] : memref<200000x32xf32, #tpu.memory_space<hbm>> -> memref<200000x32xf32, #tpu.memory_space<hbm>>
        tpu.wait_indirect_dma semaphore(%arg12 : memref<!tpu.dma_semaphore, #tpu.memory_space<semaphore_mem>>) src(%dma_wait3A_105 : memref<200000x32xf32, #tpu.memory_space<hbm>>) dst(%arg10 : memref<400x32xf32, #tpu.memory_space<vmem>>)
        %dma_start3A_106 = arith.constant 1200 : i32
        %dma_start3A_107 = tpu.memref_slice %arg8[%dma_start3A_106] : memref<2000xi32, #tpu.memory_space<vmem>> -> memref<400xi32, #tpu.memory_space<vmem>>
        %dma_start3A_108 = arith.constant 0 : i32
        %dma_start3A_109 = arith.constant 0 : i32
        %dma_start3A_110 = tpu.memref_slice %arg11[%dma_start3A_108, %dma_start3A_109] : memref<50048x32xf32, #tpu.memory_space<vmem_shared>> -> memref<50048x32xf32, #tpu.memory_space<vmem_shared>>
        tpu.enqueue_indirect_dma source(%arg10 : memref<400x32xf32, #tpu.memory_space<vmem>>) target(%dma_start3A_110 : memref<50048x32xf32, #tpu.memory_space<vmem_shared>>) offsets(%dma_start3A_107 : memref<400xi32, #tpu.memory_space<vmem>>) semaphore(%arg13 : memref<!tpu.dma_semaphore, #tpu.memory_space<semaphore_mem>>) {add = true}
        %dma_wait3A_111 = arith.constant 1600 : i32
        %dma_wait3A_112 = tpu.memref_slice %arg7[%dma_wait3A_111] : memref<2000xi32, #tpu.memory_space<vmem>> -> memref<400xi32, #tpu.memory_space<vmem>>
        %dma_wait3A_113 = arith.constant 0 : i32
        %dma_wait3A_114 = arith.constant 0 : i32
        %dma_wait3A_115 = tpu.memref_slice %arg4[%dma_wait3A_113, %dma_wait3A_114] : memref<200000x32xf32, #tpu.memory_space<hbm>> -> memref<200000x32xf32, #tpu.memory_space<hbm>>
        tpu.wait_indirect_dma semaphore(%arg12 : memref<!tpu.dma_semaphore, #tpu.memory_space<semaphore_mem>>) src(%dma_wait3A_115 : memref<200000x32xf32, #tpu.memory_space<hbm>>) dst(%arg9 : memref<400x32xf32, #tpu.memory_space<vmem>>)
        %dma_start3A_116 = arith.constant 1600 : i32
        %dma_start3A_117 = tpu.memref_slice %arg8[%dma_start3A_116] : memref<2000xi32, #tpu.memory_space<vmem>> -> memref<400xi32, #tpu.memory_space<vmem>>
        %dma_start3A_118 = arith.constant 0 : i32
        %dma_start3A_119 = arith.constant 0 : i32
        %dma_start3A_120 = tpu.memref_slice %arg11[%dma_start3A_118, %dma_start3A_119] : memref<50048x32xf32, #tpu.memory_space<vmem_shared>> -> memref<50048x32xf32, #tpu.memory_space<vmem_shared>>
        tpu.enqueue_indirect_dma source(%arg9 : memref<400x32xf32, #tpu.memory_space<vmem>>) target(%dma_start3A_120 : memref<50048x32xf32, #tpu.memory_space<vmem_shared>>) offsets(%dma_start3A_117 : memref<400xi32, #tpu.memory_space<vmem>>) semaphore(%arg13 : memref<!tpu.dma_semaphore, #tpu.memory_space<semaphore_mem>>) {add = true}
        %dma_wait3A_121 = arith.constant 1600 : i32
        %dma_wait3A_122 = tpu.memref_slice %arg8[%dma_wait3A_121] : memref<2000xi32, #tpu.memory_space<vmem>> -> memref<400xi32, #tpu.memory_space<vmem>>
        %dma_wait3A_123 = arith.constant 0 : i32
        %dma_wait3A_124 = arith.constant 0 : i32
        %dma_wait3A_125 = tpu.memref_slice %arg11[%dma_wait3A_123, %dma_wait3A_124] : memref<50048x32xf32, #tpu.memory_space<vmem_shared>> -> memref<50048x32xf32, #tpu.memory_space<vmem_shared>>
        tpu.wait_indirect_dma semaphore(%arg13 : memref<!tpu.dma_semaphore, #tpu.memory_space<semaphore_mem>>) src(%arg9 : memref<400x32xf32, #tpu.memory_space<vmem>>) dst(%dma_wait3A_125 : memref<50048x32xf32, #tpu.memory_space<vmem_shared>>)
        %dma_wait3A_126 = arith.constant 1200 : i32
        %dma_wait3A_127 = tpu.memref_slice %arg8[%dma_wait3A_126] : memref<2000xi32, #tpu.memory_space<vmem>> -> memref<400xi32, #tpu.memory_space<vmem>>
        %dma_wait3A_128 = arith.constant 0 : i32
        %dma_wait3A_129 = arith.constant 0 : i32
        %dma_wait3A_130 = tpu.memref_slice %arg11[%dma_wait3A_128, %dma_wait3A_129] : memref<50048x32xf32, #tpu.memory_space<vmem_shared>> -> memref<50048x32xf32, #tpu.memory_space<vmem_shared>>
        tpu.wait_indirect_dma semaphore(%arg13 : memref<!tpu.dma_semaphore, #tpu.memory_space<semaphore_mem>>) src(%arg10 : memref<400x32xf32, #tpu.memory_space<vmem>>) dst(%dma_wait3A_130 : memref<50048x32xf32, #tpu.memory_space<vmem_shared>>)
        %scan3A_131 = arith.constant 0 : i32
        scf.yield %scan3A_131 : i32
      }
      %scan3A_17 = arith.constant 25 : i32
      %barrier3A_18 = arith.constant 0 : index
      tpu.barrier barrier_id(%barrier3A_18)
      %mul3A_19 = arith.constant 32 : i32
      %mul3A_20 = arith.muli %add3A, %mul3A_19 : i32
      "tpu.region"() ({
        %run_scoped3A = tpu.sem_alloc : memref<!tpu.dma_semaphore, #tpu.memory_space<semaphore_mem>>
        %dma_start3A = tpu.memref_slice %arg6[%mul3A_0, %mul3A_20] : memref<50048x128xf32, #tpu.memory_space<hbm>> -> memref<3128x32xf32, #tpu.memory_space<hbm>>
        %dma_start3A_23 = arith.constant 0 : i32
        %dma_start3A_24 = tpu.memref_slice %arg11[%mul3A_0, %dma_start3A_23] : memref<50048x32xf32, #tpu.memory_space<vmem_shared>> -> memref<3128x32xf32, #tpu.memory_space<vmem_shared>>
        tpu.enqueue_dma source(%dma_start3A_24 : memref<3128x32xf32, #tpu.memory_space<vmem_shared>>) target(%dma_start3A : memref<3128x32xf32, #tpu.memory_space<hbm>>) target_semaphore(%run_scoped3A : memref<!tpu.dma_semaphore, #tpu.memory_space<semaphore_mem>>)
        %dma_wait3A = tpu.memref_slice %arg6[%mul3A_0, %mul3A_20] : memref<50048x128xf32, #tpu.memory_space<hbm>> -> memref<3128x32xf32, #tpu.memory_space<hbm>>
        %dma_wait3A_25 = arith.constant 0 : i32
        %dma_wait3A_26 = tpu.memref_slice %arg11[%mul3A_0, %dma_wait3A_25] : memref<50048x32xf32, #tpu.memory_space<vmem_shared>> -> memref<3128x32xf32, #tpu.memory_space<vmem_shared>>
        tpu.wait_dma2 semaphore(%run_scoped3A : memref<!tpu.dma_semaphore, #tpu.memory_space<semaphore_mem>>) src(%dma_wait3A_26 : memref<3128x32xf32, #tpu.memory_space<vmem_shared>>) dst(%dma_wait3A : memref<3128x32xf32, #tpu.memory_space<hbm>>)
        tpu.yield
      }) : () -> ()
      %barrier3A_21 = arith.constant 0 : index
      tpu.barrier barrier_id(%barrier3A_21)
      %scan3A_22 = arith.constant 0 : i32
      scf.yield %scan3A_22 : i32
    }
    %scan3A_6 = arith.constant 2 : i32
    return
  }
}

module attributes {stable_mosaic.version = 14 : i64} {
  func.func @_src4_body(%arg0: memref<6250x128xi32, #tpu.memory_space<vmem>>, %arg1: memref<4x6250x128xi32, #tpu.memory_space<vmem>>) attributes {dimension_semantics = [], scalar_prefetch = 0 : i64, scratch_operands = 0 : i64, tpu.core_type = #tpu.core_type<tc>} {
    %get3A = arith.constant 0 : index
    %get3A_0 = arith.constant 0 : index
    %get3A_1 = vector.load %arg0[%get3A, %get3A_0] : memref<6250x128xi32, #tpu.memory_space<vmem>>, vector<6250x128xi32>
    %mul3A = arith.constant 4 : i32
    %mul3A_2 = vector.broadcast %mul3A : i32 to vector<6250x128xi32>
    %mul3A_3 = arith.muli %get3A_1, %mul3A_2 : vector<6250x128xi32>
    %add3A = arith.constant 0 : i32
    %add3A_4 = vector.broadcast %add3A : i32 to vector<6250x128xi32>
    %add3A_5 = arith.addi %mul3A_3, %add3A_4 : vector<6250x128xi32>
    %swap3A = arith.constant 0 : index
    %swap3A_6 = arith.constant 0 : index
    %swap3A_7 = arith.constant 0 : index
    %swap3A_8 = vector.load %arg1[%swap3A, %swap3A_6, %swap3A_7] : memref<4x6250x128xi32, #tpu.memory_space<vmem>>, vector<1x6250x128xi32>
    %swap3A_9 = vector.shape_cast %swap3A_8 : vector<1x6250x128xi32> to vector<6250x128xi32>
    %swap3A_10 = vector.shape_cast %add3A_5 : vector<6250x128xi32> to vector<1x6250x128xi32>
    tpu.vector_store %arg1[%swap3A, %swap3A_6, %swap3A_7], %swap3A_10 {strides = array<i32>} : memref<4x6250x128xi32, #tpu.memory_space<vmem>>, vector<1x6250x128xi32>,
    %mul3A_11 = arith.constant 4 : i32
    %mul3A_12 = vector.broadcast %mul3A_11 : i32 to vector<6250x128xi32>
    %mul3A_13 = arith.muli %get3A_1, %mul3A_12 : vector<6250x128xi32>
    %add3A_14 = arith.constant 1 : i32
    %add3A_15 = vector.broadcast %add3A_14 : i32 to vector<6250x128xi32>
    %add3A_16 = arith.addi %mul3A_13, %add3A_15 : vector<6250x128xi32>
    %swap3A_17 = arith.constant 1 : index
    %swap3A_18 = arith.constant 0 : index
    %swap3A_19 = arith.constant 0 : index
    %swap3A_20 = vector.load %arg1[%swap3A_17, %swap3A_18, %swap3A_19] : memref<4x6250x128xi32, #tpu.memory_space<vmem>>, vector<1x6250x128xi32>
    %swap3A_21 = vector.shape_cast %swap3A_20 : vector<1x6250x128xi32> to vector<6250x128xi32>
    %swap3A_22 = vector.shape_cast %add3A_16 : vector<6250x128xi32> to vector<1x6250x128xi32>
    tpu.vector_store %arg1[%swap3A_17, %swap3A_18, %swap3A_19], %swap3A_22 {strides = array<i32>} : memref<4x6250x128xi32, #tpu.memory_space<vmem>>, vector<1x6250x128xi32>,
    %mul3A_23 = arith.constant 4 : i32
    %mul3A_24 = vector.broadcast %mul3A_23 : i32 to vector<6250x128xi32>
    %mul3A_25 = arith.muli %get3A_1, %mul3A_24 : vector<6250x128xi32>
    %add3A_26 = arith.constant 2 : i32
    %add3A_27 = vector.broadcast %add3A_26 : i32 to vector<6250x128xi32>
    %add3A_28 = arith.addi %mul3A_25, %add3A_27 : vector<6250x128xi32>
    %swap3A_29 = arith.constant 2 : index
    %swap3A_30 = arith.constant 0 : index
    %swap3A_31 = arith.constant 0 : index
    %swap3A_32 = vector.load %arg1[%swap3A_29, %swap3A_30, %swap3A_31] : memref<4x6250x128xi32, #tpu.memory_space<vmem>>, vector<1x6250x128xi32>
    %swap3A_33 = vector.shape_cast %swap3A_32 : vector<1x6250x128xi32> to vector<6250x128xi32>
    %swap3A_34 = vector.shape_cast %add3A_28 : vector<6250x128xi32> to vector<1x6250x128xi32>
    tpu.vector_store %arg1[%swap3A_29, %swap3A_30, %swap3A_31], %swap3A_34 {strides = array<i32>} : memref<4x6250x128xi32, #tpu.memory_space<vmem>>, vector<1x6250x128xi32>,
    %mul3A_35 = arith.constant 4 : i32
    %mul3A_36 = vector.broadcast %mul3A_35 : i32 to vector<6250x128xi32>
    %mul3A_37 = arith.muli %get3A_1, %mul3A_36 : vector<6250x128xi32>
    %add3A_38 = arith.constant 3 : i32
    %add3A_39 = vector.broadcast %add3A_38 : i32 to vector<6250x128xi32>
    %add3A_40 = arith.addi %mul3A_37, %add3A_39 : vector<6250x128xi32>
    %swap3A_41 = arith.constant 3 : index
    %swap3A_42 = arith.constant 0 : index
    %swap3A_43 = arith.constant 0 : index
    %swap3A_44 = vector.load %arg1[%swap3A_41, %swap3A_42, %swap3A_43] : memref<4x6250x128xi32, #tpu.memory_space<vmem>>, vector<1x6250x128xi32>
    %swap3A_45 = vector.shape_cast %swap3A_44 : vector<1x6250x128xi32> to vector<6250x128xi32>
    %swap3A_46 = vector.shape_cast %add3A_40 : vector<6250x128xi32> to vector<1x6250x128xi32>
    tpu.vector_store %arg1[%swap3A_41, %swap3A_42, %swap3A_43], %swap3A_46 {strides = array<i32>} : memref<4x6250x128xi32, #tpu.memory_space<vmem>>, vector<1x6250x128xi32>,
    return
  }
}

module attributes {stable_mosaic.version = 14 : i64} {
  func.func @_a1_body(%arg0: i32, %arg1: memref<2000x13xf32, #tpu.memory_space<vmem>>, %arg2: memref<13x128xf32, #tpu.memory_space<vmem>>, %arg3: memref<1x2000x16xf32, #tpu.memory_space<vmem>>, %arg4: memref<1x2000x16xf32, #tpu.memory_space<vmem>>, %arg5: memref<2000x128xf32, #tpu.memory_space<vmem>>, %arg6: memref<2000x1xf32, #tpu.memory_space<vmem>>) attributes {dimension_semantics = [#tpu.dimension_semantics<arbitrary>], iteration_bounds = array<i64: 25>, scalar_prefetch = 0 : i64, scratch_operands = 0 : i64, tpu.core_type = #tpu.core_type<tc>, window_params = [{transform_indices = @transform_0, window_bounds = array<i64: 2000, 13>}, {pipeline_mode = #tpu.pipeline_mode<synchronous>, transform_indices = @transform_1, window_bounds = array<i64: 13, 128>}, {transform_indices = @transform_2, window_bounds = array<i64: 1, 2000, 16>}, {transform_indices = @transform_3, window_bounds = array<i64: 1, 2000, 16>}, {transform_indices = @transform_4, window_bounds = array<i64: 2000, 128>}, {transform_indices = @transform_5, window_bounds = array<i64: 2000, 1>}]} {
    %get3A = arith.constant 0 : index
    %get3A_0 = arith.constant 0 : index
    %get3A_1 = arith.constant 0 : index
    %get3A_2 = vector.load %arg3[%get3A, %get3A_0, %get3A_1] : memref<1x2000x16xf32, #tpu.memory_space<vmem>>, vector<1x2000x1xf32>
    %get3A_3 = vector.shape_cast %get3A_2 : vector<1x2000x1xf32> to vector<2000x1xf32>
    %get3A_4 = arith.constant 0 : index
    %get3A_5 = arith.constant 0 : index
    %get3A_6 = arith.constant 0 : index
    %get3A_7 = vector.load %arg4[%get3A_4, %get3A_5, %get3A_6] : memref<1x2000x16xf32, #tpu.memory_space<vmem>>, vector<1x2000x1xf32>
    %get3A_8 = vector.shape_cast %get3A_7 : vector<1x2000x1xf32> to vector<2000x1xf32>
    %add3A = arith.addf %get3A_3, %get3A_8 : vector<2000x1xf32>
    %add3A_9 = arith.constant 1.000000e+00 : f32
    %add3A_10 = vector.broadcast %add3A_9 : f32 to vector<2000x1xf32>
    %add3A_11 = arith.addf %add3A_10, %add3A : vector<2000x1xf32>
    %rsqrt3A = math.rsqrt %add3A_11 : vector<2000x1xf32>
    %swap3A = arith.constant 0 : index
    %swap3A_12 = arith.constant 0 : index
    %swap3A_13 = vector.load %arg6[%swap3A, %swap3A_12] : memref<2000x1xf32, #tpu.memory_space<vmem>>, vector<2000x1xf32>
    tpu.vector_store %arg6[%swap3A, %swap3A_12], %rsqrt3A {strides = array<i32>} : memref<2000x1xf32, #tpu.memory_space<vmem>>, vector<2000x1xf32>,
    %get3A_14 = arith.constant 0 : index
    %get3A_15 = arith.constant 0 : index
    %get3A_16 = vector.load %arg1[%get3A_14, %get3A_15] : memref<2000x13xf32, #tpu.memory_space<vmem>>, vector<2000x13xf32>
    %get3A_17 = arith.constant 0 : index
    %get3A_18 = arith.constant 0 : index
    %get3A_19 = vector.load %arg2[%get3A_17, %get3A_18] : memref<13x128xf32, #tpu.memory_space<vmem>>, vector<13x128xf32>
    %dot_general3A = arith.constant dense<0.000000e+00> : vector<2000x128xf32>
    %dot_general3A_20 = tpu.matmul %get3A_16, %get3A_19, %dot_general3A {dimension_numbers = #tpu.dot_dimension_numbers<[1], [0], [0], [1], [0, 0, 1, 1], [], []>, transpose_lhs_hint = false} : vector<2000x13xf32>, vector<13x128xf32>, vector<2000x128xf32> -> vector<2000x128xf32>
    %mul3A = vector.broadcast %rsqrt3A : vector<2000x1xf32> to vector<2000x128xf32>
    %mul3A_21 = arith.mulf %dot_general3A_20, %mul3A : vector<2000x128xf32>
    %swap3A_22 = arith.constant 0 : index
    %swap3A_23 = arith.constant 0 : index
    %swap3A_24 = vector.load %arg5[%swap3A_22, %swap3A_23] : memref<2000x128xf32, #tpu.memory_space<vmem>>, vector<2000x128xf32>
    tpu.vector_store %arg5[%swap3A_22, %swap3A_23], %mul3A_21 {strides = array<i32>} : memref<2000x128xf32, #tpu.memory_space<vmem>>, vector<2000x128xf32>,
    return
  }
  func.func @transform_0(%arg0: i32) -> (i32, i32) {
    %c0_i32 = arith.constant 0 : i32
    %c0_i32_0 = arith.constant 0 : i32
    return %arg0, %c0_i32 : i32, i32
  }
  func.func @transform_1(%arg0: i32) -> (i32, i32) {
    %c0_i32 = arith.constant 0 : i32
    %c0_i32_0 = arith.constant 0 : i32
    %c0_i32_1 = arith.constant 0 : i32
    return %c0_i32, %c0_i32_0 : i32, i32
  }
  func.func @transform_2(%arg0: i32) -> (i32, i32, i32) {
    %c0_i32 = arith.constant 0 : i32
    %c0_i32_0 = arith.constant 0 : i32
    %c0_i32_1 = arith.constant 0 : i32
    return %c0_i32, %arg0, %c0_i32_0 : i32, i32, i32
  }
  func.func @transform_3(%arg0: i32) -> (i32, i32, i32) {
    %c1_i32 = arith.constant 1 : i32
    %c0_i32 = arith.constant 0 : i32
    %c0_i32_0 = arith.constant 0 : i32
    return %c1_i32, %arg0, %c0_i32 : i32, i32, i32
  }
  func.func @transform_4(%arg0: i32) -> (i32, i32) {
    %c0_i32 = arith.constant 0 : i32
    %c0_i32_0 = arith.constant 0 : i32
    return %arg0, %c0_i32 : i32, i32
  }
  func.func @transform_5(%arg0: i32) -> (i32, i32) {
    %c0_i32 = arith.constant 0 : i32
    %c0_i32_0 = arith.constant 0 : i32
    return %arg0, %c0_i32 : i32, i32
  }
}

module attributes {stable_mosaic.version = 14 : i64} {
  func.func @_b_body(%arg0: i32, %arg1: memref<2000x128xf32, #tpu.memory_space<vmem>>, %arg2: memref<2000x128xf32, #tpu.memory_space<vmem>>, %arg3: memref<2000x1xf32, #tpu.memory_space<vmem>>, %arg4: memref<1x128xf32, #tpu.memory_space<vmem>>, %arg5: memref<1x128xf32, #tpu.memory_space<vmem>>, %arg6: memref<1x128xf32, #tpu.memory_space<vmem>>, %arg7: memref<2000x128xf32, #tpu.memory_space<vmem>>) attributes {dimension_semantics = [#tpu.dimension_semantics<arbitrary>], iteration_bounds = array<i64: 25>, scalar_prefetch = 0 : i64, scratch_operands = 0 : i64, tpu.core_type = #tpu.core_type<tc>, window_params = [{transform_indices = @transform_0, window_bounds = array<i64: 2000, 128>}, {transform_indices = @transform_1, window_bounds = array<i64: 2000, 128>}, {transform_indices = @transform_2, window_bounds = array<i64: 2000, 1>}, {pipeline_mode = #tpu.pipeline_mode<synchronous>, transform_indices = @transform_3, window_bounds = array<i64: 1, 128>}, {pipeline_mode = #tpu.pipeline_mode<synchronous>, transform_indices = @transform_4, window_bounds = array<i64: 1, 128>}, {pipeline_mode = #tpu.pipeline_mode<synchronous>, transform_indices = @transform_5, window_bounds = array<i64: 1, 128>}, {transform_indices = @transform_6, window_bounds = array<i64: 2000, 128>}]} {
    %get3A = arith.constant 0 : index
    %get3A_0 = arith.constant 0 : index
    %get3A_1 = vector.load %arg3[%get3A, %get3A_0] : memref<2000x1xf32, #tpu.memory_space<vmem>>, vector<2000x1xf32>
    %get3A_2 = arith.constant 0 : index
    %get3A_3 = arith.constant 0 : index
    %get3A_4 = vector.load %arg1[%get3A_2, %get3A_3] : memref<2000x128xf32, #tpu.memory_space<vmem>>, vector<2000x128xf32>
    %get3A_5 = arith.constant 0 : index
    %get3A_6 = arith.constant 0 : index
    %get3A_7 = vector.load %arg2[%get3A_5, %get3A_6] : memref<2000x128xf32, #tpu.memory_space<vmem>>, vector<2000x128xf32>
    %add3A = arith.addf %get3A_4, %get3A_7 : vector<2000x128xf32>
    %mul3A = vector.broadcast %get3A_1 : vector<2000x1xf32> to vector<2000x128xf32>
    %mul3A_8 = arith.mulf %mul3A, %add3A : vector<2000x128xf32>
    %get3A_9 = arith.constant 0 : index
    %get3A_10 = arith.constant 0 : index
    %get3A_11 = vector.load %arg4[%get3A_9, %get3A_10] : memref<1x128xf32, #tpu.memory_space<vmem>>, vector<1x128xf32>
    %add3A_12 = vector.broadcast %get3A_11 : vector<1x128xf32> to vector<2000x128xf32>
    %add3A_13 = arith.addf %mul3A_8, %add3A_12 : vector<2000x128xf32>
    %get3A_14 = arith.constant 0 : index
    %get3A_15 = arith.constant 0 : index
    %get3A_16 = vector.load %arg5[%get3A_14, %get3A_15] : memref<1x128xf32, #tpu.memory_space<vmem>>, vector<1x128xf32>
    %mul3A_17 = arith.constant 0.999994993 : f32
    %mul3A_18 = vector.broadcast %mul3A_17 : f32 to vector<1x128xf32>
    %mul3A_19 = arith.mulf %get3A_16, %mul3A_18 : vector<1x128xf32>
    %mul3A_20 = vector.broadcast %mul3A_19 : vector<1x128xf32> to vector<2000x128xf32>
    %mul3A_21 = arith.mulf %add3A_13, %mul3A_20 : vector<2000x128xf32>
    %get3A_22 = arith.constant 0 : index
    %get3A_23 = arith.constant 0 : index
    %get3A_24 = vector.load %arg6[%get3A_22, %get3A_23] : memref<1x128xf32, #tpu.memory_space<vmem>>, vector<1x128xf32>
    %add3A_25 = vector.broadcast %get3A_24 : vector<1x128xf32> to vector<2000x128xf32>
    %add3A_26 = arith.addf %mul3A_21, %add3A_25 : vector<2000x128xf32>
    %max3A = arith.constant 0.000000e+00 : f32
    %max3A_27 = vector.broadcast %max3A : f32 to vector<2000x128xf32>
    %max3A_28 = arith.maximumf %add3A_26, %max3A_27 : vector<2000x128xf32>
    %swap3A = arith.constant 0 : index
    %swap3A_29 = arith.constant 0 : index
    %swap3A_30 = vector.load %arg7[%swap3A, %swap3A_29] : memref<2000x128xf32, #tpu.memory_space<vmem>>, vector<2000x128xf32>
    tpu.vector_store %arg7[%swap3A, %swap3A_29], %max3A_28 {strides = array<i32>} : memref<2000x128xf32, #tpu.memory_space<vmem>>, vector<2000x128xf32>,
    return
  }
  func.func @transform_0(%arg0: i32) -> (i32, i32) {
    %c0_i32 = arith.constant 0 : i32
    %c0_i32_0 = arith.constant 0 : i32
    return %arg0, %c0_i32 : i32, i32
  }
  func.func @transform_1(%arg0: i32) -> (i32, i32) {
    %c0_i32 = arith.constant 0 : i32
    %c0_i32_0 = arith.constant 0 : i32
    return %arg0, %c0_i32 : i32, i32
  }
  func.func @transform_2(%arg0: i32) -> (i32, i32) {
    %c0_i32 = arith.constant 0 : i32
    %c0_i32_0 = arith.constant 0 : i32
    return %arg0, %c0_i32 : i32, i32
  }
  func.func @transform_3(%arg0: i32) -> (i32, i32) {
    %c0_i32 = arith.constant 0 : i32
    %c0_i32_0 = arith.constant 0 : i32
    %c0_i32_1 = arith.constant 0 : i32
    return %c0_i32, %c0_i32_0 : i32, i32
  }
  func.func @transform_4(%arg0: i32) -> (i32, i32) {
    %c0_i32 = arith.constant 0 : i32
    %c0_i32_0 = arith.constant 0 : i32
    %c0_i32_1 = arith.constant 0 : i32
    return %c0_i32, %c0_i32_0 : i32, i32
  }
  func.func @transform_5(%arg0: i32) -> (i32, i32) {
    %c0_i32 = arith.constant 0 : i32
    %c0_i32_0 = arith.constant 0 : i32
    %c0_i32_1 = arith.constant 0 : i32
    return %c0_i32, %c0_i32_0 : i32, i32
  }
  func.func @transform_6(%arg0: i32) -> (i32, i32) {
    %c0_i32 = arith.constant 0 : i32
    %c0_i32_0 = arith.constant 0 : i32
    return %arg0, %c0_i32 : i32, i32
  }
}

module attributes {stable_mosaic.version = 14 : i64} {
  func.func @_a_body(%arg0: i32, %arg1: memref<2000x128xf32, #tpu.memory_space<vmem>>, %arg2: memref<128x128xf32, #tpu.memory_space<vmem>>, %arg3: memref<2000x1xf32, #tpu.memory_space<vmem>>, %arg4: memref<2000x128xf32, #tpu.memory_space<vmem>>) attributes {dimension_semantics = [#tpu.dimension_semantics<arbitrary>], iteration_bounds = array<i64: 25>, scalar_prefetch = 0 : i64, scratch_operands = 0 : i64, tpu.core_type = #tpu.core_type<tc>, window_params = [{transform_indices = @transform_0, window_bounds = array<i64: 2000, 128>}, {pipeline_mode = #tpu.pipeline_mode<synchronous>, transform_indices = @transform_1, window_bounds = array<i64: 128, 128>}, {transform_indices = @transform_2, window_bounds = array<i64: 2000, 1>}, {transform_indices = @transform_3, window_bounds = array<i64: 2000, 128>}]} {
    %get3A = arith.constant 0 : index
    %get3A_0 = arith.constant 0 : index
    %get3A_1 = vector.load %arg1[%get3A, %get3A_0] : memref<2000x128xf32, #tpu.memory_space<vmem>>, vector<2000x128xf32>
    %get3A_2 = arith.constant 0 : index
    %get3A_3 = arith.constant 0 : index
    %get3A_4 = vector.load %arg2[%get3A_2, %get3A_3] : memref<128x128xf32, #tpu.memory_space<vmem>>, vector<128x128xf32>
    %dot_general3A = arith.constant dense<0.000000e+00> : vector<2000x128xf32>
    %dot_general3A_5 = tpu.matmul %get3A_1, %get3A_4, %dot_general3A {dimension_numbers = #tpu.dot_dimension_numbers<[1], [0], [0], [1], [0, 0, 1, 1], [], []>, transpose_lhs_hint = false} : vector<2000x128xf32>, vector<128x128xf32>, vector<2000x128xf32> -> vector<2000x128xf32>
    %get3A_6 = arith.constant 0 : index
    %get3A_7 = arith.constant 0 : index
    %get3A_8 = vector.load %arg3[%get3A_6, %get3A_7] : memref<2000x1xf32, #tpu.memory_space<vmem>>, vector<2000x1xf32>
    %mul3A = vector.broadcast %get3A_8 : vector<2000x1xf32> to vector<2000x128xf32>
    %mul3A_9 = arith.mulf %dot_general3A_5, %mul3A : vector<2000x128xf32>
    %swap3A = arith.constant 0 : index
    %swap3A_10 = arith.constant 0 : index
    %swap3A_11 = vector.load %arg4[%swap3A, %swap3A_10] : memref<2000x128xf32, #tpu.memory_space<vmem>>, vector<2000x128xf32>
    tpu.vector_store %arg4[%swap3A, %swap3A_10], %mul3A_9 {strides = array<i32>} : memref<2000x128xf32, #tpu.memory_space<vmem>>, vector<2000x128xf32>,
    return
  }
  func.func @transform_0(%arg0: i32) -> (i32, i32) {
    %c0_i32 = arith.constant 0 : i32
    %c0_i32_0 = arith.constant 0 : i32
    return %arg0, %c0_i32 : i32, i32
  }
  func.func @transform_1(%arg0: i32) -> (i32, i32) {
    %c0_i32 = arith.constant 0 : i32
    %c0_i32_0 = arith.constant 0 : i32
    %c0_i32_1 = arith.constant 0 : i32
    return %c0_i32, %c0_i32_0 : i32, i32
  }
  func.func @transform_2(%arg0: i32) -> (i32, i32) {
    %c0_i32 = arith.constant 0 : i32
    %c0_i32_0 = arith.constant 0 : i32
    return %arg0, %c0_i32 : i32, i32
  }
  func.func @transform_3(%arg0: i32) -> (i32, i32) {
    %c0_i32 = arith.constant 0 : i32
    %c0_i32_0 = arith.constant 0 : i32
    return %arg0, %c0_i32 : i32, i32
  }
}

module attributes {stable_mosaic.version = 14 : i64} {
  func.func @_b3_body(%arg0: i32, %arg1: memref<2000x128xf32, #tpu.memory_space<vmem>>, %arg2: memref<2000x128xf32, #tpu.memory_space<vmem>>, %arg3: memref<2000x1xf32, #tpu.memory_space<vmem>>, %arg4: memref<1x128xf32, #tpu.memory_space<vmem>>, %arg5: memref<1x128xf32, #tpu.memory_space<vmem>>, %arg6: memref<1x128xf32, #tpu.memory_space<vmem>>, %arg7: memref<2000x1xi32, #tpu.memory_space<vmem>>, %arg8: memref<64x128xf32, #tpu.memory_space<vmem>>, %arg9: memref<64x1xf32, #tpu.memory_space<vmem>>, %arg10: memref<64x128xf32, #tpu.memory_space<vmem>>, %arg11: memref<64x1xf32, #tpu.memory_space<vmem>>) attributes {dimension_semantics = [#tpu.dimension_semantics<arbitrary>], iteration_bounds = array<i64: 25>, scalar_prefetch = 0 : i64, scratch_operands = 2 : i64, tpu.core_type = #tpu.core_type<tc>, window_params = [{transform_indices = @transform_0, window_bounds = array<i64: 2000, 128>}, {transform_indices = @transform_1, window_bounds = array<i64: 2000, 128>}, {transform_indices = @transform_2, window_bounds = array<i64: 2000, 1>}, {pipeline_mode = #tpu.pipeline_mode<synchronous>, transform_indices = @transform_3, window_bounds = array<i64: 1, 128>}, {pipeline_mode = #tpu.pipeline_mode<synchronous>, transform_indices = @transform_4, window_bounds = array<i64: 1, 128>}, {pipeline_mode = #tpu.pipeline_mode<synchronous>, transform_indices = @transform_5, window_bounds = array<i64: 1, 128>}, {transform_indices = @transform_6, window_bounds = array<i64: 2000, 1>}, {pipeline_mode = #tpu.pipeline_mode<synchronous>, transform_indices = @transform_7, window_bounds = array<i64: 64, 128>}, {pipeline_mode = #tpu.pipeline_mode<synchronous>, transform_indices = @transform_8, window_bounds = array<i64: 64, 1>}]} {
    %eq3A = arith.constant 0 : i32
    %eq3A_0 = arith.cmpi eq, %arg0, %eq3A : i32
    %convert_element_type3A = arith.extui %eq3A_0 : i1 to i32
    %cond3A = arith.constant 0 : i32
    %cond3A_1 = arith.cmpi ne, %convert_element_type3A, %cond3A : i32
    scf.if %cond3A_1 {
      %broadcast_in_dim3A_60 = arith.constant 0.000000e+00 : f32
      %broadcast_in_dim3A_61 = vector.broadcast %broadcast_in_dim3A_60 : f32 to vector<64x128xf32>
      %swap3A_62 = arith.constant 0 : index
      %swap3A_63 = arith.constant 0 : index
      %swap3A_64 = vector.load %arg10[%swap3A_62, %swap3A_63] : memref<64x128xf32, #tpu.memory_space<vmem>>, vector<64x128xf32>
      tpu.vector_store %arg10[%swap3A_62, %swap3A_63], %broadcast_in_dim3A_61 {strides = array<i32>} : memref<64x128xf32, #tpu.memory_space<vmem>>, vector<64x128xf32>,
      %broadcast_in_dim3A_65 = arith.constant 0.000000e+00 : f32
      %broadcast_in_dim3A_66 = vector.broadcast %broadcast_in_dim3A_65 : f32 to vector<64x1xf32>
      %swap3A_67 = arith.constant 0 : index
      %swap3A_68 = arith.constant 0 : index
      %swap3A_69 = vector.load %arg11[%swap3A_67, %swap3A_68] : memref<64x1xf32, #tpu.memory_space<vmem>>, vector<64x1xf32>
      tpu.vector_store %arg11[%swap3A_67, %swap3A_68], %broadcast_in_dim3A_66 {strides = array<i32>} : memref<64x1xf32, #tpu.memory_space<vmem>>, vector<64x1xf32>,
    } else {
    }
    %get3A = arith.constant 0 : index
    %get3A_2 = arith.constant 0 : index
    %get3A_3 = vector.load %arg3[%get3A, %get3A_2] : memref<2000x1xf32, #tpu.memory_space<vmem>>, vector<2000x1xf32>
    %get3A_4 = arith.constant 0 : index
    %get3A_5 = arith.constant 0 : index
    %get3A_6 = vector.load %arg1[%get3A_4, %get3A_5] : memref<2000x128xf32, #tpu.memory_space<vmem>>, vector<2000x128xf32>
    %get3A_7 = arith.constant 0 : index
    %get3A_8 = arith.constant 0 : index
    %get3A_9 = vector.load %arg2[%get3A_7, %get3A_8] : memref<2000x128xf32, #tpu.memory_space<vmem>>, vector<2000x128xf32>
    %add3A = arith.addf %get3A_6, %get3A_9 : vector<2000x128xf32>
    %mul3A = vector.broadcast %get3A_3 : vector<2000x1xf32> to vector<2000x128xf32>
    %mul3A_10 = arith.mulf %mul3A, %add3A : vector<2000x128xf32>
    %get3A_11 = arith.constant 0 : index
    %get3A_12 = arith.constant 0 : index
    %get3A_13 = vector.load %arg4[%get3A_11, %get3A_12] : memref<1x128xf32, #tpu.memory_space<vmem>>, vector<1x128xf32>
    %add3A_14 = vector.broadcast %get3A_13 : vector<1x128xf32> to vector<2000x128xf32>
    %add3A_15 = arith.addf %mul3A_10, %add3A_14 : vector<2000x128xf32>
    %get3A_16 = arith.constant 0 : index
    %get3A_17 = arith.constant 0 : index
    %get3A_18 = vector.load %arg5[%get3A_16, %get3A_17] : memref<1x128xf32, #tpu.memory_space<vmem>>, vector<1x128xf32>
    %mul3A_19 = arith.constant 0.999994993 : f32
    %mul3A_20 = vector.broadcast %mul3A_19 : f32 to vector<1x128xf32>
    %mul3A_21 = arith.mulf %get3A_18, %mul3A_20 : vector<1x128xf32>
    %mul3A_22 = vector.broadcast %mul3A_21 : vector<1x128xf32> to vector<2000x128xf32>
    %mul3A_23 = arith.mulf %add3A_15, %mul3A_22 : vector<2000x128xf32>
    %get3A_24 = arith.constant 0 : index
    %get3A_25 = arith.constant 0 : index
    %get3A_26 = vector.load %arg6[%get3A_24, %get3A_25] : memref<1x128xf32, #tpu.memory_space<vmem>>, vector<1x128xf32>
    %add3A_27 = vector.broadcast %get3A_26 : vector<1x128xf32> to vector<2000x128xf32>
    %add3A_28 = arith.addf %mul3A_23, %add3A_27 : vector<2000x128xf32>
    %max3A = arith.constant 0.000000e+00 : f32
    %max3A_29 = vector.broadcast %max3A : f32 to vector<2000x128xf32>
    %max3A_30 = arith.maximumf %add3A_28, %max3A_29 : vector<2000x128xf32>
    %get3A_31 = arith.constant 0 : index
    %get3A_32 = arith.constant 0 : index
    %get3A_33 = vector.load %arg7[%get3A_31, %get3A_32] : memref<2000x1xi32, #tpu.memory_space<vmem>>, vector<2000x1xi32>
    %iota3A = tpu.iota {dimensions = array<i32: 1>} : vector<2000x64xi32>
    %eq3A_34 = vector.broadcast %get3A_33 : vector<2000x1xi32> to vector<2000x64xi32>
    %eq3A_35 = arith.cmpi eq, %eq3A_34, %iota3A : vector<2000x64xi32>
    %convert_element_type3A_36 = arith.extui %eq3A_35 : vector<2000x64xi1> to vector<2000x64xi32>
    %convert_element_type3A_37 = arith.sitofp %convert_element_type3A_36 : vector<2000x64xi32> to vector<2000x64xf32>
    %get3A_38 = arith.constant 0 : index
    %get3A_39 = arith.constant 0 : index
    %get3A_40 = vector.load %arg10[%get3A_38, %get3A_39] : memref<64x128xf32, #tpu.memory_space<vmem>>, vector<64x128xf32>
    %dot_general3A = arith.constant dense<0.000000e+00> : vector<64x128xf32>
    %dot_general3A_41 = tpu.matmul %convert_element_type3A_37, %max3A_30, %dot_general3A {dimension_numbers = #tpu.dot_dimension_numbers<[0], [0], [1], [1], [0, 1, 1, 1], [], []>, transpose_lhs_hint = false} : vector<2000x64xf32>, vector<2000x128xf32>, vector<64x128xf32> -> vector<64x128xf32>
    %add3A_42 = arith.addf %get3A_40, %dot_general3A_41 : vector<64x128xf32>
    %swap3A = arith.constant 0 : index
    %swap3A_43 = arith.constant 0 : index
    %swap3A_44 = vector.load %arg10[%swap3A, %swap3A_43] : memref<64x128xf32, #tpu.memory_space<vmem>>, vector<64x128xf32>
    tpu.vector_store %arg10[%swap3A, %swap3A_43], %add3A_42 {strides = array<i32>} : memref<64x128xf32, #tpu.memory_space<vmem>>, vector<64x128xf32>,
    %get3A_45 = arith.constant 0 : index
    %get3A_46 = arith.constant 0 : index
    %get3A_47 = vector.load %arg11[%get3A_45, %get3A_46] : memref<64x1xf32, #tpu.memory_space<vmem>>, vector<64x1xf32>
    %broadcast_in_dim3A = arith.constant 1.000000e+00 : f32
    %broadcast_in_dim3A_48 = vector.broadcast %broadcast_in_dim3A : f32 to vector<2000x1xf32>
    %dot_general3A_49 = arith.constant dense<0.000000e+00> : vector<64x1xf32>
    %dot_general3A_50 = tpu.matmul %convert_element_type3A_37, %broadcast_in_dim3A_48, %dot_general3A_49 {dimension_numbers = #tpu.dot_dimension_numbers<[0], [0], [1], [1], [0, 1, 1, 1], [], []>, transpose_lhs_hint = false} : vector<2000x64xf32>, vector<2000x1xf32>, vector<64x1xf32> -> vector<64x1xf32>
    %add3A_51 = arith.addf %get3A_47, %dot_general3A_50 : vector<64x1xf32>
    %swap3A_52 = arith.constant 0 : index
    %swap3A_53 = arith.constant 0 : index
    %swap3A_54 = vector.load %arg11[%swap3A_52, %swap3A_53] : memref<64x1xf32, #tpu.memory_space<vmem>>, vector<64x1xf32>
    tpu.vector_store %arg11[%swap3A_52, %swap3A_53], %add3A_51 {strides = array<i32>} : memref<64x1xf32, #tpu.memory_space<vmem>>, vector<64x1xf32>,
    %eq3A_55 = arith.constant 24 : i32
    %eq3A_56 = arith.cmpi eq, %arg0, %eq3A_55 : i32
    %convert_element_type3A_57 = arith.extui %eq3A_56 : i1 to i32
    %cond3A_58 = arith.constant 0 : i32
    %cond3A_59 = arith.cmpi ne, %convert_element_type3A_57, %cond3A_58 : i32
    scf.if %cond3A_59 {
      %get3A_60 = arith.constant 0 : index
      %get3A_61 = arith.constant 0 : index
      %get3A_62 = vector.load %arg10[%get3A_60, %get3A_61] : memref<64x128xf32, #tpu.memory_space<vmem>>, vector<64x128xf32>
      %swap3A_63 = arith.constant 0 : index
      %swap3A_64 = arith.constant 0 : index
      %swap3A_65 = vector.load %arg8[%swap3A_63, %swap3A_64] : memref<64x128xf32, #tpu.memory_space<vmem>>, vector<64x128xf32>
      tpu.vector_store %arg8[%swap3A_63, %swap3A_64], %get3A_62 {strides = array<i32>} : memref<64x128xf32, #tpu.memory_space<vmem>>, vector<64x128xf32>,
      %get3A_66 = arith.constant 0 : index
      %get3A_67 = arith.constant 0 : index
      %get3A_68 = vector.load %arg11[%get3A_66, %get3A_67] : memref<64x1xf32, #tpu.memory_space<vmem>>, vector<64x1xf32>
      %swap3A_69 = arith.constant 0 : index
      %swap3A_70 = arith.constant 0 : index
      %swap3A_71 = vector.load %arg9[%swap3A_69, %swap3A_70] : memref<64x1xf32, #tpu.memory_space<vmem>>, vector<64x1xf32>
      tpu.vector_store %arg9[%swap3A_69, %swap3A_70], %get3A_68 {strides = array<i32>} : memref<64x1xf32, #tpu.memory_space<vmem>>, vector<64x1xf32>,
    } else {
    }
    return
  }
  func.func @transform_0(%arg0: i32) -> (i32, i32) {
    %c0_i32 = arith.constant 0 : i32
    %c0_i32_0 = arith.constant 0 : i32
    return %arg0, %c0_i32 : i32, i32
  }
  func.func @transform_1(%arg0: i32) -> (i32, i32) {
    %c0_i32 = arith.constant 0 : i32
    %c0_i32_0 = arith.constant 0 : i32
    return %arg0, %c0_i32 : i32, i32
  }
  func.func @transform_2(%arg0: i32) -> (i32, i32) {
    %c0_i32 = arith.constant 0 : i32
    %c0_i32_0 = arith.constant 0 : i32
    return %arg0, %c0_i32 : i32, i32
  }
  func.func @transform_3(%arg0: i32) -> (i32, i32) {
    %c0_i32 = arith.constant 0 : i32
    %c0_i32_0 = arith.constant 0 : i32
    %c0_i32_1 = arith.constant 0 : i32
    return %c0_i32, %c0_i32_0 : i32, i32
  }
  func.func @transform_4(%arg0: i32) -> (i32, i32) {
    %c0_i32 = arith.constant 0 : i32
    %c0_i32_0 = arith.constant 0 : i32
    %c0_i32_1 = arith.constant 0 : i32
    return %c0_i32, %c0_i32_0 : i32, i32
  }
  func.func @transform_5(%arg0: i32) -> (i32, i32) {
    %c0_i32 = arith.constant 0 : i32
    %c0_i32_0 = arith.constant 0 : i32
    %c0_i32_1 = arith.constant 0 : i32
    return %c0_i32, %c0_i32_0 : i32, i32
  }
  func.func @transform_6(%arg0: i32) -> (i32, i32) {
    %c0_i32 = arith.constant 0 : i32
    %c0_i32_0 = arith.constant 0 : i32
    return %arg0, %c0_i32 : i32, i32
  }
  func.func @transform_7(%arg0: i32) -> (i32, i32) {
    %c0_i32 = arith.constant 0 : i32
    %c0_i32_0 = arith.constant 0 : i32
    %c0_i32_1 = arith.constant 0 : i32
    return %c0_i32, %c0_i32_0 : i32, i32
  }
  func.func @transform_8(%arg0: i32) -> (i32, i32) {
    %c0_i32 = arith.constant 0 : i32
    %c0_i32_0 = arith.constant 0 : i32
    %c0_i32_1 = arith.constant 0 : i32
    return %c0_i32, %c0_i32_0 : i32, i32
  }
}

module attributes {stable_mosaic.version = 14 : i64} {
  func.func @_c_body(%arg0: memref<64x128xf32, #tpu.memory_space<vmem>>, %arg1: memref<64x1xf32, #tpu.memory_space<vmem>>, %arg2: memref<128x64xf32, #tpu.memory_space<vmem>>, %arg3: memref<1x64xf32, #tpu.memory_space<vmem>>, %arg4: memref<64x10xf32, #tpu.memory_space<vmem>>, %arg5: memref<1x10xf32, #tpu.memory_space<vmem>>, %arg6: memref<64x10xf32, #tpu.memory_space<vmem>>) attributes {dimension_semantics = [], scalar_prefetch = 0 : i64, scratch_operands = 0 : i64, tpu.core_type = #tpu.core_type<tc>} {
    %get3A = arith.constant 0 : index
    %get3A_0 = arith.constant 0 : index
    %get3A_1 = vector.load %arg0[%get3A, %get3A_0] : memref<64x128xf32, #tpu.memory_space<vmem>>, vector<64x128xf32>
    %get3A_2 = arith.constant 0 : index
    %get3A_3 = arith.constant 0 : index
    %get3A_4 = vector.load %arg1[%get3A_2, %get3A_3] : memref<64x1xf32, #tpu.memory_space<vmem>>, vector<64x1xf32>
    %max3A = arith.constant 1.000000e+00 : f32
    %max3A_5 = vector.broadcast %max3A : f32 to vector<64x1xf32>
    %max3A_6 = arith.maximumf %get3A_4, %max3A_5 : vector<64x1xf32>
    %div3A = vector.broadcast %max3A_6 : vector<64x1xf32> to vector<64x128xf32>
    %div3A_7 = arith.divf %get3A_1, %div3A : vector<64x128xf32>
    %get3A_8 = arith.constant 0 : index
    %get3A_9 = arith.constant 0 : index
    %get3A_10 = vector.load %arg2[%get3A_8, %get3A_9] : memref<128x64xf32, #tpu.memory_space<vmem>>, vector<128x64xf32>
    %dot_general3A = arith.constant dense<0.000000e+00> : vector<64x64xf32>
    %dot_general3A_11 = tpu.matmul %div3A_7, %get3A_10, %dot_general3A {dimension_numbers = #tpu.dot_dimension_numbers<[1], [0], [0], [1], [0, 0, 1, 1], [], []>, transpose_lhs_hint = false} : vector<64x128xf32>, vector<128x64xf32>, vector<64x64xf32> -> vector<64x64xf32>
    %get3A_12 = arith.constant 0 : index
    %get3A_13 = arith.constant 0 : index
    %get3A_14 = vector.load %arg3[%get3A_12, %get3A_13] : memref<1x64xf32, #tpu.memory_space<vmem>>, vector<1x64xf32>
    %add3A = vector.broadcast %get3A_14 : vector<1x64xf32> to vector<64x64xf32>
    %add3A_15 = arith.addf %dot_general3A_11, %add3A : vector<64x64xf32>
    %max3A_16 = arith.constant 0.000000e+00 : f32
    %max3A_17 = vector.broadcast %max3A_16 : f32 to vector<64x64xf32>
    %max3A_18 = arith.maximumf %add3A_15, %max3A_17 : vector<64x64xf32>
    %get3A_19 = arith.constant 0 : index
    %get3A_20 = arith.constant 0 : index
    %get3A_21 = vector.load %arg4[%get3A_19, %get3A_20] : memref<64x10xf32, #tpu.memory_space<vmem>>, vector<64x10xf32>
    %dot_general3A_22 = arith.constant dense<0.000000e+00> : vector<64x10xf32>
    %dot_general3A_23 = tpu.matmul %max3A_18, %get3A_21, %dot_general3A_22 {dimension_numbers = #tpu.dot_dimension_numbers<[1], [0], [0], [1], [0, 0, 1, 1], [], []>, transpose_lhs_hint = false} : vector<64x64xf32>, vector<64x10xf32>, vector<64x10xf32> -> vector<64x10xf32>
    %get3A_24 = arith.constant 0 : index
    %get3A_25 = arith.constant 0 : index
    %get3A_26 = vector.load %arg5[%get3A_24, %get3A_25] : memref<1x10xf32, #tpu.memory_space<vmem>>, vector<1x10xf32>
    %add3A_27 = vector.broadcast %get3A_26 : vector<1x10xf32> to vector<64x10xf32>
    %add3A_28 = arith.addf %dot_general3A_23, %add3A_27 : vector<64x10xf32>
    %swap3A = arith.constant 0 : index
    %swap3A_29 = arith.constant 0 : index
    %swap3A_30 = vector.load %arg6[%swap3A, %swap3A_29] : memref<64x10xf32, #tpu.memory_space<vmem>>, vector<64x10xf32>
    tpu.vector_store %arg6[%swap3A, %swap3A_29], %add3A_28 {strides = array<i32>} : memref<64x10xf32, #tpu.memory_space<vmem>>, vector<64x10xf32>,
    return
  }
}

</mosaic_0001>

<sc_bundles>
// kernel: kernel.14.cloned.1.call-start
scs
__scs_entry_jumppad:
0x0: {  	(pc) =	sbr.rel $0x88, $3  }
0x1: {  	(tag) =	ssettag $0x0;
	lr =	simm.s32 $0x1  }
0x2: {  	[smem:$0x3F8E] =	sst lr;
	_ =	strace $0xD0000000  }
0x3: {  	_ = 	snop  }
0x4: {  	_ = 	snop  }
0x5: {  	_ = 	snop  }
0x6: {  	_ = 	snop  }
0x7: {  	_ = 	snop  }
__scs_overlays_trampoline_lowered:
0x8: {  	[smem:$0x3F9D] =	sst s0  }
0x9: {  	[smem:$0x3F9E] =	sst s1  }
0xa: {  	[smem:$0x3F9F] =	sst s2  }
0xb: {  	[smem:$0x3FA0] =	sst s3  }
0xc: {  	[smem:$0x3FA1] =	sst s4  }
0xd: {  	[smem:$0x3FA2] =	sst s5  }
0xe: {  	[smem:$0x3FA3] =	sst s6  }
0xf: {  	[smem:$0x3FA4] =	sst s7  }
0x10: {  	[smem:$0x3FA5] =	sst s8  }
0x11: {  	[smem:$0x3FA6] =	sst s9;
	s0 =	simm.s32 @!p0 $0x0  }
0x12: {  	s1 =	sld [smem:$0x3F8C];
	s0 =	simm.s32 @p0 $0x1  }
0x13: {  	[smem:$0x3FA7] =	sst s0;
	s0 =	simm.s32 @!p1 $0x0  }
0x14: {  	s2 =	sld [smem:$0x3F8B];
	s0 =	simm.s32 @p1 $0x1  }
0x15: {  	[smem:$0x3FA8] =	sst s0;
	s0 =	simm.s32 @!p2 $0x0  }
0x16: {  	s3 =	sld [smem:$0x3FDB];
	s0 =	simm.s32 @p2 $0x1  }
0x17: {  	s4 =	simm.s32 $0x1BF5;
	[smem:$0x3FAA] =	sst s0  }
0x18: {  	s0 =	sld [smem:$0x3F8D];
	_ =	swait.ge [sflag:s4], $0x0  }
0x19: {  	s7 =	sld [smem:$0x3F8E]  }
0x1a: {  	s8 =	sadd.s32 $0xFFFFE003, lr  }
0x1b: {  	s9 =	sadd.s32 $0xFFFFFEF7, lr;
	s5 =	simm.s32 $0xFFFFFFFF;
	p2 =	slt.u32 s8, $0xFFFFF086  }
0x1c: {  	p1 =	slt.u32 s9, $0xF7A;
	s5 =	simm.s32 @!p2 $0x0  }
0x1d: {  	s5 =	simm.s32 @p1 $0x1;
	p0 =	seq.s32 s7, s2  }
0x1e: {  	s7 =	smul.u32 @!p0 $0xF7A, s2;
	p2 =	seq.s32 @!p0 s5, $0x0  }
0x1f: {  	s9 =	smul.u32 $0xF7A, s1;
	s8 =	simm.s32 @!p0 $0x1BF5;
	p2 =	por !p2, p0  }
0x20: {  	[sflag:s8] =	ssyncset.s32 @!p0 $0xFFFFF086;
	s6 =	sadd.s32 @!p0 s3, s7;
	s7 =	simm.s32 @!p0 $0x108  }
0x21: {  	s3 =	sadd.s32 s3, s9;
	s6 =	sadd.s32 @!p0 $0x88, s6;
	s7 =	simm.s32 @p2 $0x1082  }
0x22: {  	[simem:s7], [sflag:s8] =	dma.local @!p0 [hbm:s6], $0xF7A  }
0x23: {  	s9 =	sor.u32 $0xD0000000, s2;
	s6 =	simm.s32 $0x108;
	_ =	swait.ge @!p0 [sflag:s8], $0x0  }
0x24: {  	s3 =	sadd.s32 $0x88, s3;
	s6 =	simm.s32 @!p1 $0x1082;
	[sflag:s4] =	ssyncset.s32 $0xFFFFF086  }
0x25: {  	[simem:s6], [sflag:s4] =	dma.local [hbm:s3], $0xF7A  }
0x26: {  	[smem:$0x3F8E] =	sst s1;
	(tag) =	ssettag s2;
	_ =	strace s9  }
0x27: {  	s1 =	sld [smem:$0x3F9E]  }
0x28: {  	s2 =	sld [smem:$0x3F9F]  }
0x29: {  	s4 =	sld [smem:$0x3FA1]  }
0x2a: {  	p0 =	seq.s32 s5, $0x0;
	s5 =	sld [smem:$0x3FA2]  }
0x2b: {  	s6 =	sld [smem:$0x3FA3]  }
0x2c: {  	s7 =	sld [smem:$0x3FA4]  }
0x2d: {  	s3 =	simm.s32 $0x108;
	s8 =	sld [smem:$0x3FA5]  }
0x2e: {  	s3 =	simm.s32 @!p0 $0x1082;
	s9 =	sld [smem:$0x3FA6]  }
0x2f: {  	lr =	sadd.s32 s0, s3;
	s0 =	sld [smem:$0x3F9D]  }
0x30: {  	s3 =	sld [smem:$0x3FA0]  }
0x31: {  	[smem:$0x3FA9] =	sst s10  }
0x32: {  	s10 =	sld [smem:$0x3FA7];
	_ =	sdelay $0x3  }
0x33: {  	p0 =	seq.s32 s10, $0x1;
	s10 =	sld [smem:$0x3FA9];
	_ =	sdelay $0x3  }
0x34: {  	[smem:$0x3FA9] =	sst s10  }
0x35: {  	s10 =	sld [smem:$0x3FA8];
	_ =	sdelay $0x3  }
0x36: {  	p1 =	seq.s32 s10, $0x1;
	s10 =	sld [smem:$0x3FA9];
	_ =	sdelay $0x3  }
0x37: {  	[smem:$0x3FA9] =	sst s10  }
0x38: {  	s10 =	sld [smem:$0x3FAA]  }
0x39: {  	_ = 	snop;
	(pc) =	sbr.ind lr, $3  }
0x3a: {  	_ = 	snop  }
0x3b: {  	_ = 	snop  }
0x3c: {  	p2 =	seq.s32 s10, $0x1;
	s10 =	sld [smem:$0x3FA9]  }
0x3d: {  	_ =	shalt  }
0x3e: {  	_ =	shalt  }
0x3f: {  	_ =	shalt  }
0x40: {  	_ =	shalt  }
0x41: {  	_ =	shalt  }
0x42: {  	_ =	shalt  }
0x43: {  	_ =	shalt  }
0x44: {  	_ =	shalt  }
0x45: {  	_ =	shalt  }
0x46: {  	_ =	shalt  }
0x47: {  	_ =	shalt  }
0x48: {  	_ =	shalt  }
0x49: {  	_ =	shalt  }
0x4a: {  	_ =	shalt  }
0x4b: {  	_ =	shalt  }
0x4c: {  	_ =	shalt  }
0x4d: {  	_ =	shalt  }
0x4e: {  	_ =	shalt  }
0x4f: {  	_ =	shalt  }
0x50: {  	_ =	shalt  }
0x51: {  	_ =	shalt  }
0x52: {  	_ =	shalt  }
0x53: {  	_ =	shalt  }
0x54: {  	_ =	shalt  }
0x55: {  	_ =	shalt  }
0x56: {  	_ =	shalt  }
0x57: {  	_ =	shalt  }
0x58: {  	_ =	shalt  }
0x59: {  	_ =	shalt  }
0x5a: {  	_ =	shalt  }
0x5b: {  	_ =	shalt  }
0x5c: {  	_ =	shalt  }
0x5d: {  	_ =	shalt  }
0x5e: {  	_ =	shalt  }
0x5f: {  	_ =	shalt  }
0x60: {  	_ =	shalt  }
0x61: {  	_ =	shalt  }
0x62: {  	_ =	shalt  }
0x63: {  	_ =	shalt  }
0x64: {  	_ =	shalt  }
0x65: {  	_ =	shalt  }
0x66: {  	_ =	shalt  }
0x67: {  	_ =	shalt  }
0x68: {  	_ =	shalt  }
0x69: {  	_ =	shalt  }
0x6a: {  	_ =	shalt  }
0x6b: {  	_ =	shalt  }
0x6c: {  	_ =	shalt  }
0x6d: {  	_ =	shalt  }
0x6e: {  	_ =	shalt  }
0x6f: {  	_ =	shalt  }
0x70: {  	_ =	shalt  }
0x71: {  	_ =	shalt  }
0x72: {  	_ =	shalt  }
0x73: {  	_ =	shalt  }
0x74: {  	_ =	shalt  }
0x75: {  	_ =	shalt  }
0x76: {  	_ =	shalt  }
0x77: {  	_ =	shalt  }
0x78: {  	_ =	shalt  }
0x79: {  	_ =	shalt  }
0x7a: {  	_ =	shalt  }
0x7b: {  	_ =	shalt  }
0x7c: {  	_ =	shalt  }
0x7d: {  	_ =	shalt  }
0x7e: {  	_ =	shalt  }
0x7f: {  	_ =	shalt  }
0x80: {  	_ =	shalt  }
0x81: {  	_ =	shalt  }
0x82: {  	_ =	shalt  }
0x83: {  	_ =	shalt  }
0x84: {  	_ =	shalt  }
0x85: {  	_ =	shalt  }
0x86: {  	_ =	shalt  }
0x87: {  	_ =	shalt  }
.Lfunc_end0:
.L_simem_size_0:
called_computation_lowered:
.L_overlay_start_0:
0x88: {  	s2 =	sld [smem:$0x3FD9]  }
0x89: {  	s3 =	sld [smem:$0x3FFE];
	_ =	sdelay $0x1  }
0x8a: {  	s1 =	srdreg.scid  }
0x8b: {  	s0 =	sand.u32 $0x1, s1  }
0x8c: {  	s16 =	sshll.u32 s0, $0xA;
	s2 =	sadd.s32 s3, s2  }
0x8d: {  	s2 =	sadd.s32 s2, s16  }
0x8e: {  	[smem:$0x3FB5] =	sst s2  }
0x8f: {  	_ = 	snop  }
0x90: {  	(tm) =	ssettm $0x1  }
0x91: {  	s17 =	sld [smem:$0x3FFB];
	_ =	sdelay $0x3  }
0x92: {  	_ =	strace s17  }
0x93: {  	s2 =	sld [smem:$0x3FFC];
	_ =	sdelay $0x3  }
0x94: {  	_ =	strace s2  }
0x95: {  	s2 =	sld [smem:$0x3FFD];
	_ =	sdelay $0x3  }
0x96: {  	_ =	strace s2  }
0x97: {  	_ =	strace $0x8FFFFFFF  }
0x98: {  	s18 =	sld [smem:$0x3FDB];
	_ =	sdelay $0x1  }
0x99: {  	s19 =	simm.s32 $_scs_section_size  }
0x9a: {  	s4 =	simm.s32 $_size__tile_overlayer_lowered;
	s5 =	simm.s32 $_tile_overlayer_lowered  }
0x9b: {  	s22 =	simm.s32 $0x1BFF;
	s21 =	sshll.u32 s5, $0x1;
	s2 =	sadd.s32 s19, s18  }
0x9c: {  	s6 =	simm.s32 $0x0;
	s20 =	sshll.u32 s4, $0x1;
	s4 =	sadd.s32 s21, s2  }
0x9d: {  	[timem:s6], [sflag:s22] =	dma.local [hbm:s4], s20  }
0x9e: {  	_ =	swait.ge [sflag:s22], s20  }
0x9f: {  	s3 =	ssub.s32 $0x0, s20;
	[sflag:s22] =	ssyncset.done $0x0  }
0xa0: {  	[sflag:s22] =	ssyncadd.s32 s3;
	_ =	sdelay $0x1  }
0xa1: {  	s23 =	simm.s32 $0x1B8B  }
0xa2: {  	_ =	swait.ge [sflag:s23], $0x1  }
0xa3: {  	[sflag:s23] =	ssyncset.done $0x0  }
0xa4: {  	s25 =	simm.s32 $0x1B8E;
	s24 =	sld [smem:$0x3FFE];
	[sflag:s23] =	ssyncadd.s32 $0xFFFFFFFF  }
0xa5: {  	s26 =	simm.s32 $execute0_lowered;
	[smem:$0x3FD2] =	sst s25  }
0xa6: {  	s4 =	sshll.u32 s26, $0x1;
	_ =	strace $0x80000046;
	[dreg:$0x1] =	wrdreg $0xFFFFFFFF  }
0xa7: {  	s28 =	simm.s32 $_size_execute0_lowered;
	s2 =	sadd.s32 s2, s4;
	[dreg:$0x0] =	wrdreg $0x0  }
0xa8: {  	s4 =	sshll.u32 s28, $0x1;
	[dreg:$0x2] =	wrdreg s2  }
0xa9: {  	[dreg:$0x3] =	wrdreg s4  }
0xaa: {  	[dreg:$0x4] =	wrdreg $0xC0  }
0xab: {  	_ =	task [dreg:s6], $0x5FFFF  }
0xac: {  	[dreg:$0x1] =	wrdreg $0xFFFFFFFF  }
0xad: {  	[dreg:$0x0] =	wrdreg $0x60  }
0xae: {  	[dreg:$0x2] =	wrdreg s24  }
0xaf: {  	[dreg:$0x3] =	wrdreg $0x42680  }
0xb0: {  	[dreg:$0x4] =	wrdreg $0x9  }
0xb1: {  	_ =	task.clear_ibuf [dreg:s6], $0x5FFFF;
	_ =	strace $0x90000046  }
0xb2: {  	s29 =	simm.s32 $0x9;
	_ =	strace $0x80000048  }
0xb3: {  	_ =	swait.ge [sflag:s29], $0x1  }
0xb4: {  	[sflag:s29] =	ssyncadd.s32 $0xFFFFFFFF  }
0xb5: {  	_ =	strace $0x90000048  }
0xb6: {  	_ =	sfence  }
0xb7: {  	s30 =	sld [smem:$0x0];
	_ =	sdelay $0x2  }
0xb8: {  	s31 =	sshll.u32 s1, $0xD;
	s1 =	sshrl.u32 s1, $0x2  }
0xb9: {  	s3 =	sand.u32 $0x4000, s31;
	s1 =	sadd.s32 s1, s30  }
0xba: {  	s0 =	sor.u32 s3, s0;
	s1 =	sshll.u32 s1, $0x11  }
0xbb: {  	s0 =	sor.u32 s1, s0  }
0xbc: {  	s0 =	sadd.s32 $0x8F2B, s0  }
0xbd: {  	[sflag:s0] =	ssyncadd.remote.s32 $0x1  }
0xbe: {  	_ =	sfence.sel $0xFFFF  }
0xbf: {  	[dreg:$0x0] =	wrdreg $0xFFFFFFFF;
	(pc) =	sbr.abs _section_cstart, $3  }
0xc0: {  	[dreg:$0x1] =	wrdreg $0xFFFFFFFF  }
0xc1: {  	_ =	task.clear_ibuf [dreg:s6], $0x2FFFF;
	_ =	strace $0x9FFFFFFF  }
0xc2: {  	(tm) =	ssettm $0x7FFFFFFF  }
0xc3: {  	_ =	shalt  }
tec
execute0_lowered:
.L_overlay_start_1:
0x0: {  	(tag) =	ssettag $0x1  }
0x1: {  	s0 =	srdreg.scid;
	s6 =	rddreg [dreg:$0x0]  }
0x2: {  	s2 =	rddreg [dreg:$0x1];
	s5 =	sand.u32 $0x1, s0  }
0x3: {  	s0 =	stileid.u32;
	s3 =	smul.u32 $0x61A80, s5  }
0x4: {  	s1 =	rddreg [dreg:$0x2];
	s4 =	smul.u32 $0x61A8, s0  }
0x5: {  	s12 =	simm.s32 $0x3E8;
	s13 =	simm.s32 $0x0;
	s7 =	smul.u32 $0xC380, s0  }
0x6: {  	s8 =	smul.u32 $0xC3800, s5;
	s10 =	ssub.s32 $0x2, s5;
	s5 =	sadd.s32 $0x34A00, s6  }
0x7: {  	s30 =	sshll.u32 s0, $0x6;
	s11 =	sshrl.u32 s10, $0x1;
	s4 =	sadd.s32 s4, s3  }
0x8: {  	s3 =	simm.s32 $0x0;
	s8 =	sadd.s32 s7, s8;
	s10 =	ssub.s32 s10, s11  }
0x9: {  	s31 =	sadd.s32 s7, s2;
	s11 =	simm.s32 $0x1;
	s4 =	sadd.s32 $0xC3500, s4  }
0xa: {  	[smem:$0x7FF] =	sst s3;
	s8 =	sshrl.u32 s8, $0x3;
	s4 =	sshrl.u32 s4, $0x3  }
0xb: {  	_ =	strace $0x80000047;
	s8 =	sadd.s32 s8, s6;
	s9 =	sadd.s32 s4, s6  }
0xc: {  	s4 =	sadd.s32 $0x36400, s6;
	s6 =	sor.u32 $0x1C01, s30;
	s7 =	sadd.s32 $0x36C00, s8  }
0xd: {  	s8 =	smax.u32 s10, $0x1;
	s10 =	sshrl.u32 s31, $0x3;
	s9 =	sadd.s32 $0x3C00, s9  }
.LBB2_1:
0xe: {  	[spmem:s10], [sflag:s6] =	dma.local [hbm:s5], $0x1870  }
0xf: {  	_ =	swait.ge [sflag:s11], $0x1870  }
0x10: {  	[sflag:s11] =	ssyncset.done $0x0  }
0x11: {  	[sflag:s11] =	ssyncadd.s32 $0xFFFFE790  }
0x12: {  	[tilespmem:s12], [sflag:$0x1] =	stream.linear.gather [hbm4b:s4+s3], $0x3E80, $0x38;
	[tilespmem:$0x105E8] =	vst v63  }
0x13: {  	_ =	swait.ge [sflag:s11], $0x3E80  }
0x14: {  	[sflag:s11] =	ssyncset.done $0x0  }
0x15: {  	[sflag:s11] =	ssyncadd.s32 $0xFFFFC180  }
0x16: {  	s14 =	sadd.s32 $0x0, s9;
	[bflag:$0x0] =	sbarrier.arrive $0xFFFF  }
0x17: {  	[tilespmem:s3], [sflag:$0x1] =	stream.linear.gather [hbm4b:s14+s3], $0x3E8, $0x38;
	[tilespmem:$0x105E8] =	vst v63  }
0x18: {  	_ =	swait.ge [sflag:s11], $0x3E8  }
0x19: {  	[sflag:s11] =	ssyncset.done $0x0  }
0x1a: {  	[sflag:s11] =	ssyncadd.s32 $0xFFFFFC18  }
0x1b: {  	[spmem:s2] =	stream.indirect.scatter.add.f32 [tilespmem:s12], [sflag:$0x1], $0x10, s3, s12, $0xb8;
	[tilespmem:$0x105E8] =	vst v63  }
0x1c: {  	_ =	swait.ge [sflag:s11], $0x3E80  }
0x1d: {  	s15 =	simm.s32 $0xFA;
	s14 =	simm.s32 $0x7D;
	[sflag:s11] =	ssyncset.done $0x0  }
.LBB2_2:
0x1e: {  	s16 =	sadd.s32 s14, s9  }
0x1f: {  	[sflag:s11] =	ssyncadd.s32 $0xFFFFC180;
	s14 =	smov.u32 s15;
	s17 =	sadd.s32 $0x7D, s15  }
0x20: {  	[tilespmem:s3], [sflag:$0x1] =	stream.linear.gather [hbm4b:s16+s3], $0x3E8, $0x38;
	[tilespmem:$0x105E8] =	vst v63  }
0x21: {  	p0 =	sne.s32 s15, $0xBB8;
	_ =	swait.ge [sflag:s11], $0x3E8  }
.Ltmp0:
0x22: {  	[sflag:s11] =	ssyncset.done $0x0;
	(pc) =	sbr.rel @p0 .LBB2_2-.Ltmp0, $4  }
0x23: {  	[sflag:s11] =	ssyncadd.s32 $0xFFFFFC18  }
0x24: {  	[spmem:s2] =	stream.indirect.scatter.add.f32 [tilespmem:s12], [sflag:$0x1], $0x10, s3, s12, $0xb8;
	[tilespmem:$0x105E8] =	vst v63  }
0x25: {  	_ =	swait.ge [sflag:s11], $0x3E80  }
0x26: {  	s15 =	smov.u32 s17;
	[sflag:s11] =	ssyncset.done $0x0  }
0x27: {  	s14 =	sadd.s32 s14, s9;
	[sflag:s11] =	ssyncadd.s32 $0xFFFFC180  }
0x28: {  	[tilespmem:s3], [sflag:$0x1] =	stream.linear.gather [hbm4b:s14+s3], $0x3E8, $0x38;
	[tilespmem:$0x105E8] =	vst v63  }
0x29: {  	_ =	swait.ge [sflag:s11], $0x3E8  }
0x2a: {  	[sflag:s11] =	ssyncset.done $0x0  }
0x2b: {  	[sflag:s11] =	ssyncadd.s32 $0xFFFFFC18  }
0x2c: {  	[spmem:s2] =	stream.indirect.scatter.add.f32 [tilespmem:s12], [sflag:$0x1], $0x10, s3, s12, $0xb8;
	[tilespmem:$0x105E8] =	vst v63  }
0x2d: {  	_ =	swait.ge [sflag:s11], $0x3E80  }
0x2e: {  	s13 =	sadd.s32 $0x1, s13;
	[sflag:s11] =	ssyncset.done $0x0  }
0x2f: {  	p0 =	sne.s32 s13, s8;
	[sflag:s11] =	ssyncadd.s32 $0xFFFFC180  }
.Ltmp1:
0x30: {  	[bflag:$0x0] =	sbarrier.arrive $0xFFFF;
	(pc) =	sbr.rel @p0 .LBB2_1-.Ltmp1, $4  }
0x31: {  	[hbm:s7], [sflag:s6] =	dma.local [spmem:s10], $0x1870  }
0x32: {  	_ =	swait.ge [sflag:s11], $0x1870  }
0x33: {  	[sflag:s11] =	ssyncset.done $0x0  }
0x34: {  	[sflag:s11] =	ssyncadd.s32 $0xFFFFE790  }
0x35: {  	_ =	sfence.sel $0x180000  }
0x36: {  	[bflag:$0x0] =	sbarrier.arrive $0xFFFF  }
0x37: {  	p0 =	sne.s32 s0, $0x0;
	_ =	strace $0x90000047  }
0x38: {  	s0 =	sadd.s32 @!p0 $0x100000, s1;
	[bflag:$0x2] =	sbarrier.arrive $0xFFFF  }
0x39: {  	[sflag:s0] =	ssyncadd.tile.s32 @!p0 $0x1;
	_ =	shalt  }
.Lfunc_end2:
_tile_overlayer_lowered:
.L_overlay_start_2:
0x3a: {  	(tag) =	ssettag $0x2  }
0x3b: {  	s0 =	rddreg [dreg:$0x0];
	s2 =	stileid.u32  }
0x3c: {  	s1 =	rddreg [dreg:$0x1];
	p0 =	sne.s32 s2, $0x0  }
0x3d: {  	s3 =	rddreg [dreg:$0x2];
	[bflag:$0x3] =	sbarrier.arrive $0xFFFF;
	s2 =	simm.s32 @!p0 $0x1C01  }
0x3e: {  	[timem:s3], [sflag:s2] =	dma.local @!p0 [hbm:s0], s1  }
0x3f: {  	s0 =	simm.s32 @!p0 $0x1  }
0x40: {  	_ =	swait.ge @!p0 [sflag:s0], s1  }
0x41: {  	s1 =	ssub.s32 @!p0 $0x0, s1;
	[sflag:s0] =	ssyncset.done @!p0 $0x0  }
0x42: {  	[sflag:s0] =	ssyncadd.s32 @!p0 s1  }
0x43: {  	[bflag:$0x3] =	sbarrier.arrive $0xFFFF  }
0x44: {  	_ =	shalt  }

// kernel: kernel.17.cloned.1.call-start
scs
__scs_entry_jumppad:
0x0: {  	(pc) =	sbr.rel $0x88, $3  }
0x1: {  	(tag) =	ssettag $0x0;
	lr =	simm.s32 $0x1  }
0x2: {  	[smem:$0x3F8E] =	sst lr;
	_ =	strace $0xD0000000  }
0x3: {  	_ = 	snop  }
0x4: {  	_ = 	snop  }
0x5: {  	_ = 	snop  }
0x6: {  	_ = 	snop  }
0x7: {  	_ = 	snop  }
__scs_overlays_trampoline_lowered:
0x8: {  	[smem:$0x3F9D] =	sst s0  }
0x9: {  	[smem:$0x3F9E] =	sst s1  }
0xa: {  	[smem:$0x3F9F] =	sst s2  }
0xb: {  	[smem:$0x3FA0] =	sst s3  }
0xc: {  	[smem:$0x3FA1] =	sst s4  }
0xd: {  	[smem:$0x3FA2] =	sst s5  }
0xe: {  	[smem:$0x3FA3] =	sst s6  }
0xf: {  	[smem:$0x3FA4] =	sst s7  }
0x10: {  	[smem:$0x3FA5] =	sst s8  }
0x11: {  	[smem:$0x3FA6] =	sst s9;
	s0 =	simm.s32 @!p0 $0x0  }
0x12: {  	s1 =	sld [smem:$0x3F8C];
	s0 =	simm.s32 @p0 $0x1  }
0x13: {  	[smem:$0x3FA7] =	sst s0;
	s0 =	simm.s32 @!p1 $0x0  }
0x14: {  	s2 =	sld [smem:$0x3F8B];
	s0 =	simm.s32 @p1 $0x1  }
0x15: {  	[smem:$0x3FA8] =	sst s0;
	s0 =	simm.s32 @!p2 $0x0  }
0x16: {  	s3 =	sld [smem:$0x3FDB];
	s0 =	simm.s32 @p2 $0x1  }
0x17: {  	s4 =	simm.s32 $0x1BF5;
	[smem:$0x3FAA] =	sst s0  }
0x18: {  	s0 =	sld [smem:$0x3F8D];
	_ =	swait.ge [sflag:s4], $0x0  }
0x19: {  	s7 =	sld [smem:$0x3F8E]  }
0x1a: {  	s8 =	sadd.s32 $0xFFFFE003, lr  }
0x1b: {  	s9 =	sadd.s32 $0xFFFFFEF7, lr;
	s5 =	simm.s32 $0xFFFFFFFF;
	p2 =	slt.u32 s8, $0xFFFFF086  }
0x1c: {  	p1 =	slt.u32 s9, $0xF7A;
	s5 =	simm.s32 @!p2 $0x0  }
0x1d: {  	s5 =	simm.s32 @p1 $0x1;
	p0 =	seq.s32 s7, s2  }
0x1e: {  	s7 =	smul.u32 @!p0 $0xF7A, s2;
	p2 =	seq.s32 @!p0 s5, $0x0  }
0x1f: {  	s9 =	smul.u32 $0xF7A, s1;
	s8 =	simm.s32 @!p0 $0x1BF5;
	p2 =	por !p2, p0  }
0x20: {  	[sflag:s8] =	ssyncset.s32 @!p0 $0xFFFFF086;
	s6 =	sadd.s32 @!p0 s3, s7;
	s7 =	simm.s32 @!p0 $0x108  }
0x21: {  	s3 =	sadd.s32 s3, s9;
	s6 =	sadd.s32 @!p0 $0x88, s6;
	s7 =	simm.s32 @p2 $0x1082  }
0x22: {  	[simem:s7], [sflag:s8] =	dma.local @!p0 [hbm:s6], $0xF7A  }
0x23: {  	s9 =	sor.u32 $0xD0000000, s2;
	s6 =	simm.s32 $0x108;
	_ =	swait.ge @!p0 [sflag:s8], $0x0  }
0x24: {  	s3 =	sadd.s32 $0x88, s3;
	s6 =	simm.s32 @!p1 $0x1082;
	[sflag:s4] =	ssyncset.s32 $0xFFFFF086  }
0x25: {  	[simem:s6], [sflag:s4] =	dma.local [hbm:s3], $0xF7A  }
0x26: {  	[smem:$0x3F8E] =	sst s1;
	(tag) =	ssettag s2;
	_ =	strace s9  }
0x27: {  	s1 =	sld [smem:$0x3F9E]  }
0x28: {  	s2 =	sld [smem:$0x3F9F]  }
0x29: {  	s4 =	sld [smem:$0x3FA1]  }
0x2a: {  	p0 =	seq.s32 s5, $0x0;
	s5 =	sld [smem:$0x3FA2]  }
0x2b: {  	s6 =	sld [smem:$0x3FA3]  }
0x2c: {  	s7 =	sld [smem:$0x3FA4]  }
0x2d: {  	s3 =	simm.s32 $0x108;
	s8 =	sld [smem:$0x3FA5]  }
0x2e: {  	s3 =	simm.s32 @!p0 $0x1082;
	s9 =	sld [smem:$0x3FA6]  }
0x2f: {  	lr =	sadd.s32 s0, s3;
	s0 =	sld [smem:$0x3F9D]  }
0x30: {  	s3 =	sld [smem:$0x3FA0]  }
0x31: {  	[smem:$0x3FA9] =	sst s10  }
0x32: {  	s10 =	sld [smem:$0x3FA7];
	_ =	sdelay $0x3  }
0x33: {  	p0 =	seq.s32 s10, $0x1;
	s10 =	sld [smem:$0x3FA9];
	_ =	sdelay $0x3  }
0x34: {  	[smem:$0x3FA9] =	sst s10  }
0x35: {  	s10 =	sld [smem:$0x3FA8];
	_ =	sdelay $0x3  }
0x36: {  	p1 =	seq.s32 s10, $0x1;
	s10 =	sld [smem:$0x3FA9];
	_ =	sdelay $0x3  }
0x37: {  	[smem:$0x3FA9] =	sst s10  }
0x38: {  	s10 =	sld [smem:$0x3FAA]  }
0x39: {  	_ = 	snop;
	(pc) =	sbr.ind lr, $3  }
0x3a: {  	_ = 	snop  }
0x3b: {  	_ = 	snop  }
0x3c: {  	p2 =	seq.s32 s10, $0x1;
	s10 =	sld [smem:$0x3FA9]  }
0x3d: {  	_ =	shalt  }
0x3e: {  	_ =	shalt  }
0x3f: {  	_ =	shalt  }
0x40: {  	_ =	shalt  }
0x41: {  	_ =	shalt  }
0x42: {  	_ =	shalt  }
0x43: {  	_ =	shalt  }
0x44: {  	_ =	shalt  }
0x45: {  	_ =	shalt  }
0x46: {  	_ =	shalt  }
0x47: {  	_ =	shalt  }
0x48: {  	_ =	shalt  }
0x49: {  	_ =	shalt  }
0x4a: {  	_ =	shalt  }
0x4b: {  	_ =	shalt  }
0x4c: {  	_ =	shalt  }
0x4d: {  	_ =	shalt  }
0x4e: {  	_ =	shalt  }
0x4f: {  	_ =	shalt  }
0x50: {  	_ =	shalt  }
0x51: {  	_ =	shalt  }
0x52: {  	_ =	shalt  }
0x53: {  	_ =	shalt  }
0x54: {  	_ =	shalt  }
0x55: {  	_ =	shalt  }
0x56: {  	_ =	shalt  }
0x57: {  	_ =	shalt  }
0x58: {  	_ =	shalt  }
0x59: {  	_ =	shalt  }
0x5a: {  	_ =	shalt  }
0x5b: {  	_ =	shalt  }
0x5c: {  	_ =	shalt  }
0x5d: {  	_ =	shalt  }
0x5e: {  	_ =	shalt  }
0x5f: {  	_ =	shalt  }
0x60: {  	_ =	shalt  }
0x61: {  	_ =	shalt  }
0x62: {  	_ =	shalt  }
0x63: {  	_ =	shalt  }
0x64: {  	_ =	shalt  }
0x65: {  	_ =	shalt  }
0x66: {  	_ =	shalt  }
0x67: {  	_ =	shalt  }
0x68: {  	_ =	shalt  }
0x69: {  	_ =	shalt  }
0x6a: {  	_ =	shalt  }
0x6b: {  	_ =	shalt  }
0x6c: {  	_ =	shalt  }
0x6d: {  	_ =	shalt  }
0x6e: {  	_ =	shalt  }
0x6f: {  	_ =	shalt  }
0x70: {  	_ =	shalt  }
0x71: {  	_ =	shalt  }
0x72: {  	_ =	shalt  }
0x73: {  	_ =	shalt  }
0x74: {  	_ =	shalt  }
0x75: {  	_ =	shalt  }
0x76: {  	_ =	shalt  }
0x77: {  	_ =	shalt  }
0x78: {  	_ =	shalt  }
0x79: {  	_ =	shalt  }
0x7a: {  	_ =	shalt  }
0x7b: {  	_ =	shalt  }
0x7c: {  	_ =	shalt  }
0x7d: {  	_ =	shalt  }
0x7e: {  	_ =	shalt  }
0x7f: {  	_ =	shalt  }
0x80: {  	_ =	shalt  }
0x81: {  	_ =	shalt  }
0x82: {  	_ =	shalt  }
0x83: {  	_ =	shalt  }
0x84: {  	_ =	shalt  }
0x85: {  	_ =	shalt  }
0x86: {  	_ =	shalt  }
0x87: {  	_ =	shalt  }
.Lfunc_end0:
.L_simem_size_0:
called_computation.1_lowered:
.L_overlay_start_0:
0x88: {  	s2 =	sld [smem:$0x3FD9]  }
0x89: {  	s3 =	sld [smem:$0x3FFE];
	_ =	sdelay $0x1  }
0x8a: {  	s1 =	srdreg.scid  }
0x8b: {  	s0 =	sand.u32 $0x1, s1  }
0x8c: {  	s16 =	sshll.u32 s0, $0xA;
	s2 =	sadd.s32 s3, s2  }
0x8d: {  	s2 =	sadd.s32 s2, s16  }
0x8e: {  	[smem:$0x3FB5] =	sst s2  }
0x8f: {  	_ = 	snop  }
0x90: {  	(tm) =	ssettm $0x1  }
0x91: {  	s17 =	sld [smem:$0x3FFB];
	_ =	sdelay $0x3  }
0x92: {  	_ =	strace s17  }
0x93: {  	s2 =	sld [smem:$0x3FFC];
	_ =	sdelay $0x3  }
0x94: {  	_ =	strace s2  }
0x95: {  	s2 =	sld [smem:$0x3FFD];
	_ =	sdelay $0x3  }
0x96: {  	_ =	strace s2  }
0x97: {  	_ =	strace $0x8FFFFFFF  }
0x98: {  	s18 =	sld [smem:$0x3FDB];
	_ =	sdelay $0x1  }
0x99: {  	s19 =	simm.s32 $_scs_section_size  }
0x9a: {  	s4 =	simm.s32 $_size__tile_overlayer_lowered;
	s5 =	simm.s32 $_tile_overlayer_lowered  }
0x9b: {  	s22 =	simm.s32 $0x1BFF;
	s21 =	sshll.u32 s5, $0x1;
	s2 =	sadd.s32 s19, s18  }
0x9c: {  	s6 =	simm.s32 $0x0;
	s20 =	sshll.u32 s4, $0x1;
	s4 =	sadd.s32 s21, s2  }
0x9d: {  	[timem:s6], [sflag:s22] =	dma.local [hbm:s4], s20  }
0x9e: {  	_ =	swait.ge [sflag:s22], s20  }
0x9f: {  	s3 =	ssub.s32 $0x0, s20;
	[sflag:s22] =	ssyncset.done $0x0  }
0xa0: {  	[sflag:s22] =	ssyncadd.s32 s3;
	_ =	sdelay $0x1  }
0xa1: {  	s23 =	simm.s32 $0x1B8B  }
0xa2: {  	_ =	swait.ge [sflag:s23], $0x1  }
0xa3: {  	[sflag:s23] =	ssyncset.done $0x0  }
0xa4: {  	s25 =	simm.s32 $0x1B8E;
	s24 =	sld [smem:$0x3FFE];
	[sflag:s23] =	ssyncadd.s32 $0xFFFFFFFF  }
0xa5: {  	s26 =	simm.s32 $execute0_lowered;
	[smem:$0x3FD2] =	sst s25  }
0xa6: {  	s4 =	sshll.u32 s26, $0x1;
	_ =	strace $0x80000049;
	[dreg:$0x1] =	wrdreg $0xFFFFFFFF  }
0xa7: {  	s28 =	simm.s32 $_size_execute0_lowered;
	s2 =	sadd.s32 s2, s4;
	[dreg:$0x0] =	wrdreg $0x0  }
0xa8: {  	s4 =	sshll.u32 s28, $0x1;
	[dreg:$0x2] =	wrdreg s2  }
0xa9: {  	[dreg:$0x3] =	wrdreg s4  }
0xaa: {  	[dreg:$0x4] =	wrdreg $0xC0  }
0xab: {  	_ =	task [dreg:s6], $0x5FFFF  }
0xac: {  	[dreg:$0x1] =	wrdreg $0xFFFFFFFF  }
0xad: {  	[dreg:$0x0] =	wrdreg $0x60  }
0xae: {  	[dreg:$0x2] =	wrdreg s24  }
0xaf: {  	[dreg:$0x3] =	wrdreg $0x73A00  }
0xb0: {  	[dreg:$0x4] =	wrdreg $0x9  }
0xb1: {  	_ =	task.clear_ibuf [dreg:s6], $0x5FFFF;
	_ =	strace $0x90000049  }
0xb2: {  	s29 =	simm.s32 $0x9;
	_ =	strace $0x8000004B  }
0xb3: {  	_ =	swait.ge [sflag:s29], $0x1  }
0xb4: {  	[sflag:s29] =	ssyncadd.s32 $0xFFFFFFFF  }
0xb5: {  	_ =	strace $0x9000004B  }
0xb6: {  	_ =	sfence  }
0xb7: {  	s30 =	sld [smem:$0x0];
	_ =	sdelay $0x2  }
0xb8: {  	s31 =	sshll.u32 s1, $0xD;
	s1 =	sshrl.u32 s1, $0x2  }
0xb9: {  	s3 =	sand.u32 $0x4000, s31;
	s1 =	sadd.s32 s1, s30  }
0xba: {  	s0 =	sor.u32 s3, s0;
	s1 =	sshll.u32 s1, $0x11  }
0xbb: {  	s0 =	sor.u32 s1, s0  }
0xbc: {  	s0 =	sadd.s32 $0x8F2B, s0  }
0xbd: {  	[sflag:s0] =	ssyncadd.remote.s32 $0x1  }
0xbe: {  	_ =	sfence.sel $0xFFFF  }
0xbf: {  	[dreg:$0x0] =	wrdreg $0xFFFFFFFF;
	(pc) =	sbr.abs _section_cstart, $3  }
0xc0: {  	[dreg:$0x1] =	wrdreg $0xFFFFFFFF  }
0xc1: {  	_ =	task.clear_ibuf [dreg:s6], $0x2FFFF;
	_ =	strace $0x9FFFFFFF  }
0xc2: {  	(tm) =	ssettm $0x7FFFFFFF  }
0xc3: {  	_ =	shalt  }
tec
execute0_lowered:
.L_overlay_start_1:
0x0: {  	(tag) =	ssettag $0x1  }
0x1: {  	s0 =	rddreg [dreg:$0x0]  }
0x2: {  	s2 =	rddreg [dreg:$0x1]  }
0x3: {  	s3 =	simm.s32 $0x0;
	s4 =	stileid.u32;
	s5 =	srdreg.scid  }
0x4: {  	s15 =	simm.s32 $0x3;
	s16 =	simm.s32 $0x7D0;
	s17 =	simm.s32 $0x190  }
0x5: {  	s18 =	simm.s32 $0xFA0;
	s19 =	simm.s32 $0x41A0;
	s20 =	simm.s32 $0x1  }
0x6: {  	s21 =	simm.s32 $0x2;
	s22 =	simm.s32 $0x320;
	s23 =	simm.s32 $0x960  }
0x7: {  	s24 =	simm.s32 $0x4B0;
	s28 =	simm.s32 $0xC80;
	s29 =	simm.s32 $0xE10  }
0x8: {  	[smem:$0x7FF] =	sst s3;
	s1 =	smul.u32 $0x186A, s4;
	s6 =	sadd.s32 $0x12B000, s0  }
0x9: {  	s9 =	sand.u32 $0x1, s5;
	s5 =	sadd.s32 $0x313C00, s0;
	s7 =	smul.u32 $0x61C00, s4  }
0xa: {  	s25 =	sadd.s32 $0x34A00, s0;
	s8 =	sadd.s32 $0x37C00, s0;
	s30 =	smul.u32 $0xC350, s4  }
0xb: {  	s12 =	sshll.u32 s4, $0x6;
	_ =	strace $0x8000004A;
	[dreg:$0x3] =	wrdreg s6  }
0xc: {  	s10 =	ssub.s32 $0x2, s9;
	[dreg:$0x4] =	wrdreg s25;
	s13 =	smul.u32 $0x186A00, s9  }
0xd: {  	s9 =	sshll.u32 s9, $0x1;
	s25 =	simm.s32 $0xAF0;
	s11 =	sshrl.u32 s10, $0x1  }
0xe: {  	s1 =	sadd.s32 s1, s0;
	s31 =	sshrl.u32 s7, $0x2;
	s26 =	ssub.s32 s10, s11  }
0xf: {  	s14 =	sadd.s32 s31, s2;
	s10 =	sor.u32 $0x1C03, s12;
	s12 =	sadd.s32 $0x1C2A0, s1  }
0x10: {  	s13 =	sadd.s32 s30, s13;
	s1 =	simm.s32 $0x0;
	s0 =	smax.u32 s26, $0x1  }
0x11: {  	s14 =	sshrl.u32 s14, $0x3;
	s26 =	simm.s32 $0x640;
	[dreg:$0x5] =	wrdreg s0  }
.LBB2_1:
0x12: {  	[dreg:$0x6] =	wrdreg s1;
	p1 =	por $0x1, $0x1;
	s0 =	simm.s32 $0x0  }
.LBB2_2:
0x13: {  	s1 =	smul.u32 $0xC3500, s0;
	s4 =	rddreg [dreg:$0x4]  }
0x14: {  	[spmem:s14], [sflag:s10] =	dma.local [hbm:s4], $0x30E0  }
0x15: {  	_ =	swait.ge [sflag:s15], $0x30E0;
	s1 =	sadd.s32 s1, s13  }
0x16: {  	[sflag:s15] =	ssyncset.done $0x0;
	s1 =	sshrl.u32 s1, $0x3;
	s11 =	rddreg [dreg:$0x3]  }
0x17: {  	[sflag:s15] =	ssyncadd.s32 $0xFFFFCF20;
	s11 =	sadd.s32 s1, s11  }
0x18: {  	[bflag:$0x0] =	sbarrier.arrive $0xFFFF;
	s1 =	sadd.s32 $0x0, s11  }
0x19: {  	[tilespmem:s3], [sflag:$0x3] =	stream.linear.gather [hbm4b:s1+s3], $0x7D0, $0x38;
	[tilespmem:$0x1FAA0] =	vst v63  }
0x1a: {  	_ =	swait.ge [sflag:s15], $0x7D0  }
0x1b: {  	[sflag:s15] =	ssyncset.done $0x0  }
0x1c: {  	s31 =	sadd.s32 $0x0, s12;
	[sflag:s15] =	ssyncadd.s32 $0xFFFFF830  }
0x1d: {  	[tilespmem:s16], [sflag:$0x3] =	stream.linear.gather [hbm4b:s31+s3], $0x7D0, $0x38;
	[tilespmem:$0x1FAA0] =	vst v63  }
0x1e: {  	_ =	swait.ge [sflag:s15], $0x7D0  }
0x1f: {  	[sflag:s15] =	ssyncset.done $0x0  }
0x20: {  	[sflag:s15] =	ssyncadd.s32 $0xFFFFF830  }
0x21: {  	[tilespmem:s18], [sflag:$0x1] =	stream.indirect.gather [hbm4b:s5+s17], $0x20, s3, s17, $0xb8;
	[tilespmem:$0x1FAA0] =	vst v63  }
0x22: {  	_ = 	snop  }
0x23: {  	[tilespmem:s19], [sflag:$0x1] =	stream.indirect.gather [hbm4b:s5+s17], $0x20, s17, s17, $0xb8;
	[tilespmem:$0x1FAA0] =	vst v63  }
0x24: {  	_ =	swait.ge [sflag:s20], $0x3200  }
0x25: {  	[sflag:s20] =	ssyncset.done $0x0  }
0x26: {  	[sflag:s20] =	ssyncadd.s32 $0xFFFFCE00  }
0x27: {  	[spmem:s2] =	stream.indirect.scatter.add.f32 [tilespmem:s18], [sflag:$0x2], $0x20, s16, s17, $0xb8;
	[tilespmem:$0x1FAA0] =	vst v63  }
0x28: {  	_ =	swait.ge [sflag:s21], $0x3200  }
0x29: {  	[sflag:s21] =	ssyncset.done $0x0  }
0x2a: {  	[sflag:s21] =	ssyncadd.s32 $0xFFFFCE00  }
0x2b: {  	[tilespmem:s18], [sflag:$0x1] =	stream.indirect.gather [hbm4b:s5+s17], $0x20, s22, s17, $0xb8;
	[tilespmem:$0x1FAA0] =	vst v63  }
0x2c: {  	_ =	swait.ge [sflag:s20], $0x3200  }
0x2d: {  	[sflag:s20] =	ssyncset.done $0x0  }
0x2e: {  	[sflag:s20] =	ssyncadd.s32 $0xFFFFCE00  }
0x2f: {  	[spmem:s2] =	stream.indirect.scatter.add.f32 [tilespmem:s19], [sflag:$0x2], $0x20, s23, s17, $0xb8;
	[tilespmem:$0x1FAA0] =	vst v63  }
0x30: {  	_ =	swait.ge [sflag:s21], $0x3200  }
0x31: {  	[sflag:s21] =	ssyncset.done $0x0  }
0x32: {  	[sflag:s21] =	ssyncadd.s32 $0xFFFFCE00  }
0x33: {  	[tilespmem:s19], [sflag:$0x1] =	stream.indirect.gather [hbm4b:s5+s17], $0x20, s24, s17, $0xb8;
	[tilespmem:$0x1FAA0] =	vst v63  }
0x34: {  	_ =	swait.ge [sflag:s20], $0x3200  }
0x35: {  	[sflag:s20] =	ssyncset.done $0x0  }
0x36: {  	[sflag:s20] =	ssyncadd.s32 $0xFFFFCE00  }
0x37: {  	[spmem:s2] =	stream.indirect.scatter.add.f32 [tilespmem:s18], [sflag:$0x2], $0x20, s25, s17, $0xb8;
	[tilespmem:$0x1FAA0] =	vst v63  }
0x38: {  	_ =	swait.ge [sflag:s21], $0x3200  }
0x39: {  	[sflag:s21] =	ssyncset.done $0x0  }
0x3a: {  	[sflag:s21] =	ssyncadd.s32 $0xFFFFCE00  }
0x3b: {  	[tilespmem:s18], [sflag:$0x1] =	stream.indirect.gather [hbm4b:s5+s17], $0x20, s26, s17, $0xb8;
	[tilespmem:$0x1FAA0] =	vst v63  }
0x3c: {  	_ =	swait.ge [sflag:s20], $0x3200  }
0x3d: {  	[sflag:s20] =	ssyncset.done $0x0  }
0x3e: {  	[sflag:s20] =	ssyncadd.s32 $0xFFFFCE00  }
0x3f: {  	[spmem:s2] =	stream.indirect.scatter.add.f32 [tilespmem:s19], [sflag:$0x2], $0x20, s28, s17, $0xb8;
	[tilespmem:$0x1FAA0] =	vst v63  }
0x40: {  	_ =	swait.ge [sflag:s20], $0x3200  }
0x41: {  	[sflag:s20] =	ssyncset.done $0x0  }
0x42: {  	[sflag:s20] =	ssyncadd.s32 $0xFFFFCE00  }
0x43: {  	[spmem:s2] =	stream.indirect.scatter.add.f32 [tilespmem:s18], [sflag:$0x2], $0x20, s29, s17, $0xb8;
	[tilespmem:$0x1FAA0] =	vst v63  }
0x44: {  	_ =	swait.ge [sflag:s21], $0x3200  }
0x45: {  	[sflag:s21] =	ssyncset.done $0x0  }
0x46: {  	[sflag:s21] =	ssyncadd.s32 $0xFFFFCE00  }
0x47: {  	p0 =	por p1, p1;
	s30 =	simm.s32 $0x1F4;
	_ =	swait.ge [sflag:s21], $0x3200  }
0x48: {  	s1 =	sor.u32 s9, s0;
	s0 =	simm.s32 $0xFA;
	[sflag:s21] =	ssyncset.done $0x0  }
.LBB2_3:
0x49: {  	s4 =	sadd.s32 s0, s11  }
0x4a: {  	[sflag:s21] =	ssyncadd.s32 $0xFFFFCE00;
	s6 =	smov.u32 s30;
	s31 =	sadd.s32 $0xFA, s30  }
0x4b: {  	[tilespmem:s3], [sflag:$0x3] =	stream.linear.gather [hbm4b:s4+s3], $0x7D0, $0x38;
	[tilespmem:$0x1FAA0] =	vst v63  }
0x4c: {  	p1 =	sne.s32 s30, $0x1770;
	_ =	swait.ge [sflag:s15], $0x7D0  }
0x4d: {  	[sflag:s15] =	ssyncset.done $0x0  }
0x4e: {  	s4 =	sadd.s32 s0, s12;
	s0 =	smov.u32 s6;
	[sflag:s15] =	ssyncadd.s32 $0xFFFFF830  }
0x4f: {  	[tilespmem:s16], [sflag:$0x3] =	stream.linear.gather [hbm4b:s4+s3], $0x7D0, $0x38;
	[tilespmem:$0x1FAA0] =	vst v63  }
0x50: {  	_ =	swait.ge [sflag:s15], $0x7D0  }
0x51: {  	[sflag:s15] =	ssyncset.done $0x0  }
0x52: {  	[sflag:s15] =	ssyncadd.s32 $0xFFFFF830  }
0x53: {  	[tilespmem:s18], [sflag:$0x1] =	stream.indirect.gather [hbm4b:s5+s17], $0x20, s3, s17, $0xb8;
	[tilespmem:$0x1FAA0] =	vst v63  }
0x54: {  	_ = 	snop  }
0x55: {  	[tilespmem:s19], [sflag:$0x1] =	stream.indirect.gather [hbm4b:s5+s17], $0x20, s17, s17, $0xb8;
	[tilespmem:$0x1FAA0] =	vst v63  }
0x56: {  	_ =	swait.ge [sflag:s20], $0x3200  }
0x57: {  	[sflag:s20] =	ssyncset.done $0x0  }
0x58: {  	[sflag:s20] =	ssyncadd.s32 $0xFFFFCE00  }
0x59: {  	[spmem:s2] =	stream.indirect.scatter.add.f32 [tilespmem:s18], [sflag:$0x2], $0x20, s16, s17, $0xb8;
	[tilespmem:$0x1FAA0] =	vst v63  }
0x5a: {  	_ =	swait.ge [sflag:s21], $0x3200  }
0x5b: {  	[sflag:s21] =	ssyncset.done $0x0  }
0x5c: {  	[sflag:s21] =	ssyncadd.s32 $0xFFFFCE00  }
0x5d: {  	[tilespmem:s18], [sflag:$0x1] =	stream.indirect.gather [hbm4b:s5+s17], $0x20, s22, s17, $0xb8;
	[tilespmem:$0x1FAA0] =	vst v63  }
0x5e: {  	_ =	swait.ge [sflag:s20], $0x3200  }
0x5f: {  	[sflag:s20] =	ssyncset.done $0x0  }
0x60: {  	[sflag:s20] =	ssyncadd.s32 $0xFFFFCE00  }
0x61: {  	[spmem:s2] =	stream.indirect.scatter.add.f32 [tilespmem:s19], [sflag:$0x2], $0x20, s23, s17, $0xb8;
	[tilespmem:$0x1FAA0] =	vst v63  }
0x62: {  	_ =	swait.ge [sflag:s21], $0x3200  }
0x63: {  	[sflag:s21] =	ssyncset.done $0x0  }
0x64: {  	[sflag:s21] =	ssyncadd.s32 $0xFFFFCE00  }
0x65: {  	[tilespmem:s19], [sflag:$0x1] =	stream.indirect.gather [hbm4b:s5+s17], $0x20, s24, s17, $0xb8;
	[tilespmem:$0x1FAA0] =	vst v63  }
0x66: {  	_ =	swait.ge [sflag:s20], $0x3200  }
0x67: {  	[sflag:s20] =	ssyncset.done $0x0  }
0x68: {  	[sflag:s20] =	ssyncadd.s32 $0xFFFFCE00  }
0x69: {  	[spmem:s2] =	stream.indirect.scatter.add.f32 [tilespmem:s18], [sflag:$0x2], $0x20, s25, s17, $0xb8;
	[tilespmem:$0x1FAA0] =	vst v63  }
0x6a: {  	_ =	swait.ge [sflag:s21], $0x3200  }
0x6b: {  	[sflag:s21] =	ssyncset.done $0x0  }
0x6c: {  	[sflag:s21] =	ssyncadd.s32 $0xFFFFCE00  }
0x6d: {  	[tilespmem:s18], [sflag:$0x1] =	stream.indirect.gather [hbm4b:s5+s17], $0x20, s26, s17, $0xb8;
	[tilespmem:$0x1FAA0] =	vst v63  }
0x6e: {  	_ =	swait.ge [sflag:s20], $0x3200  }
0x6f: {  	[sflag:s20] =	ssyncset.done $0x0  }
0x70: {  	[sflag:s20] =	ssyncadd.s32 $0xFFFFCE00  }
0x71: {  	[spmem:s2] =	stream.indirect.scatter.add.f32 [tilespmem:s19], [sflag:$0x2], $0x20, s28, s17, $0xb8;
	[tilespmem:$0x1FAA0] =	vst v63  }
0x72: {  	_ =	swait.ge [sflag:s20], $0x3200  }
0x73: {  	[sflag:s20] =	ssyncset.done $0x0  }
0x74: {  	[sflag:s20] =	ssyncadd.s32 $0xFFFFCE00  }
0x75: {  	[spmem:s2] =	stream.indirect.scatter.add.f32 [tilespmem:s18], [sflag:$0x2], $0x20, s29, s17, $0xb8;
	[tilespmem:$0x1FAA0] =	vst v63  }
.Ltmp0:
0x76: {  	_ =	swait.ge [sflag:s21], $0x3200;
	(pc) =	sbr.rel @p1 .LBB2_3-.Ltmp0, $4  }
0x77: {  	[sflag:s21] =	ssyncset.done $0x0  }
0x78: {  	[sflag:s21] =	ssyncadd.s32 $0xFFFFCE00  }
0x79: {  	_ =	swait.ge [sflag:s21], $0x3200  }
0x7a: {  	s30 =	smov.u32 s31;
	[sflag:s21] =	ssyncset.done $0x0  }
0x7b: {  	s4 =	sadd.s32 s0, s11;
	[sflag:s21] =	ssyncadd.s32 $0xFFFFCE00  }
0x7c: {  	[tilespmem:s3], [sflag:$0x3] =	stream.linear.gather [hbm4b:s4+s3], $0x7D0, $0x38;
	[tilespmem:$0x1FAA0] =	vst v63  }
0x7d: {  	_ =	swait.ge [sflag:s15], $0x7D0  }
0x7e: {  	[sflag:s15] =	ssyncset.done $0x0  }
0x7f: {  	s6 =	sadd.s32 s0, s12;
	[sflag:s15] =	ssyncadd.s32 $0xFFFFF830  }
0x80: {  	[tilespmem:s16], [sflag:$0x3] =	stream.linear.gather [hbm4b:s6+s3], $0x7D0, $0x38;
	[tilespmem:$0x1FAA0] =	vst v63  }
0x81: {  	_ =	swait.ge [sflag:s15], $0x7D0  }
0x82: {  	[sflag:s15] =	ssyncset.done $0x0  }
0x83: {  	[sflag:s15] =	ssyncadd.s32 $0xFFFFF830  }
0x84: {  	[tilespmem:s18], [sflag:$0x1] =	stream.indirect.gather [hbm4b:s5+s17], $0x20, s3, s17, $0xb8;
	[tilespmem:$0x1FAA0] =	vst v63  }
0x85: {  	_ = 	snop  }
0x86: {  	[tilespmem:s19], [sflag:$0x1] =	stream.indirect.gather [hbm4b:s5+s17], $0x20, s17, s17, $0xb8;
	[tilespmem:$0x1FAA0] =	vst v63  }
0x87: {  	_ =	swait.ge [sflag:s20], $0x3200  }
0x88: {  	[sflag:s20] =	ssyncset.done $0x0  }
0x89: {  	[sflag:s20] =	ssyncadd.s32 $0xFFFFCE00  }
0x8a: {  	[spmem:s2] =	stream.indirect.scatter.add.f32 [tilespmem:s18], [sflag:$0x2], $0x20, s16, s17, $0xb8;
	[tilespmem:$0x1FAA0] =	vst v63  }
0x8b: {  	_ =	swait.ge [sflag:s21], $0x3200  }
0x8c: {  	[sflag:s21] =	ssyncset.done $0x0  }
0x8d: {  	[sflag:s21] =	ssyncadd.s32 $0xFFFFCE00  }
0x8e: {  	[tilespmem:s18], [sflag:$0x1] =	stream.indirect.gather [hbm4b:s5+s17], $0x20, s22, s17, $0xb8;
	[tilespmem:$0x1FAA0] =	vst v63  }
0x8f: {  	_ =	swait.ge [sflag:s20], $0x3200  }
0x90: {  	[sflag:s20] =	ssyncset.done $0x0  }
0x91: {  	[sflag:s20] =	ssyncadd.s32 $0xFFFFCE00  }
0x92: {  	[spmem:s2] =	stream.indirect.scatter.add.f32 [tilespmem:s19], [sflag:$0x2], $0x20, s23, s17, $0xb8;
	[tilespmem:$0x1FAA0] =	vst v63  }
0x93: {  	_ =	swait.ge [sflag:s21], $0x3200  }
0x94: {  	[sflag:s21] =	ssyncset.done $0x0  }
0x95: {  	[sflag:s21] =	ssyncadd.s32 $0xFFFFCE00  }
0x96: {  	[tilespmem:s19], [sflag:$0x1] =	stream.indirect.gather [hbm4b:s5+s17], $0x20, s24, s17, $0xb8;
	[tilespmem:$0x1FAA0] =	vst v63  }
0x97: {  	_ =	swait.ge [sflag:s20], $0x3200  }
0x98: {  	[sflag:s20] =	ssyncset.done $0x0  }
0x99: {  	[sflag:s20] =	ssyncadd.s32 $0xFFFFCE00  }
0x9a: {  	[spmem:s2] =	stream.indirect.scatter.add.f32 [tilespmem:s18], [sflag:$0x2], $0x20, s25, s17, $0xb8;
	[tilespmem:$0x1FAA0] =	vst v63  }
0x9b: {  	_ =	swait.ge [sflag:s21], $0x3200  }
0x9c: {  	[sflag:s21] =	ssyncset.done $0x0  }
0x9d: {  	[sflag:s21] =	ssyncadd.s32 $0xFFFFCE00  }
0x9e: {  	[tilespmem:s18], [sflag:$0x1] =	stream.indirect.gather [hbm4b:s5+s17], $0x20, s26, s17, $0xb8;
	[tilespmem:$0x1FAA0] =	vst v63  }
0x9f: {  	_ =	swait.ge [sflag:s20], $0x3200  }
0xa0: {  	[sflag:s20] =	ssyncset.done $0x0  }
0xa1: {  	[sflag:s20] =	ssyncadd.s32 $0xFFFFCE00  }
0xa2: {  	[spmem:s2] =	stream.indirect.scatter.add.f32 [tilespmem:s19], [sflag:$0x2], $0x20, s28, s17, $0xb8;
	[tilespmem:$0x1FAA0] =	vst v63  }
0xa3: {  	_ =	swait.ge [sflag:s20], $0x3200  }
0xa4: {  	[sflag:s20] =	ssyncset.done $0x0  }
0xa5: {  	[sflag:s20] =	ssyncadd.s32 $0xFFFFCE00  }
0xa6: {  	[spmem:s2] =	stream.indirect.scatter.add.f32 [tilespmem:s18], [sflag:$0x2], $0x20, s29, s17, $0xb8;
	[tilespmem:$0x1FAA0] =	vst v63  }
0xa7: {  	_ =	swait.ge [sflag:s21], $0x3200  }
0xa8: {  	[sflag:s21] =	ssyncset.done $0x0  }
0xa9: {  	s11 =	sshll.u32 s1, $0x5;
	[sflag:s21] =	ssyncadd.s32 $0xFFFFCE00  }
0xaa: {  	s0 =	sor.u32 s7, s11;
	_ =	swait.ge [sflag:s21], $0x3200  }
0xab: {  	s0 =	sshrl.u32 s0, $0x3;
	[sflag:s21] =	ssyncset.done $0x0  }
0xac: {  	s31 =	simm.s32 $0x10;
	s30 =	sadd.s32 s8, s0;
	[sflag:s21] =	ssyncadd.s32 $0xFFFFCE00  }
0xad: {  	s0 =	simm.s32 $0x1;
	s6 =	simm.s32 $0x4;
	[bflag:$0x0] =	sbarrier.arrive $0xFFFF  }
0xae: {  	[hbm:s30@s31], [sflag:s10] =	dma.strided [spmem:s14@s6], $0x30E0, s0, $0x4   }
.Ltmp1:
0xaf: {  	_ =	swait.ge [sflag:s15], $0x30E0;
	(pc) =	sbr.rel @p0 .LBB2_2-.Ltmp1, $4  }
0xb0: {  	[sflag:s15] =	ssyncset.done $0x0  }
0xb1: {  	[sflag:s15] =	ssyncadd.s32 $0xFFFFCF20  }
0xb2: {  	[bflag:$0x0] =	sbarrier.arrive $0xFFFF  }
0xb3: {  	p1 =	por $0x0, $0x0  }
0xb4: {  	s1 =	rddreg [dreg:$0x6]  }
0xb5: {  	s0 =	rddreg [dreg:$0x5];
	s1 =	sadd.s32 $0x1, s1  }
0xb6: {  	p0 =	sne.s32 s1, s0  }
.Ltmp2:
0xb7: {  	_ = 	snop;
	(pc) =	sbr.rel @p0 .LBB2_1-.Ltmp2, $1  }
0xb8: {  	_ =	sdelay $0x3  }
0xb9: {  	_ =	sfence.sel $0x180000  }
0xba: {  	[bflag:$0x0] =	sbarrier.arrive $0xFFFF  }
0xbb: {  	_ =	strace $0x9000004A  }
0xbc: {  	s0 =	stileid.u32;
	[bflag:$0x2] =	sbarrier.arrive $0xFFFF  }
0xbd: {  	p0 =	sne.s32 s0, $0x0;
	s0 =	rddreg [dreg:$0x2]  }
0xbe: {  	s0 =	sadd.s32 @!p0 $0x100000, s0  }
0xbf: {  	[sflag:s0] =	ssyncadd.tile.s32 @!p0 $0x1;
	_ =	shalt  }
.Lfunc_end2:
_tile_overlayer_lowered:
.L_overlay_start_2:
0xc0: {  	(tag) =	ssettag $0x2  }
0xc1: {  	s0 =	rddreg [dreg:$0x0];
	s2 =	stileid.u32  }
0xc2: {  	s1 =	rddreg [dreg:$0x1];
	p0 =	sne.s32 s2, $0x0  }
0xc3: {  	s3 =	rddreg [dreg:$0x2];
	[bflag:$0x3] =	sbarrier.arrive $0xFFFF;
	s2 =	simm.s32 @!p0 $0x1C03  }
0xc4: {  	[timem:s3], [sflag:s2] =	dma.local @!p0 [hbm:s0], s1  }
0xc5: {  	s0 =	simm.s32 @!p0 $0x3  }
0xc6: {  	_ =	swait.ge @!p0 [sflag:s0], s1  }
0xc7: {  	s1 =	ssub.s32 @!p0 $0x0, s1;
	[sflag:s0] =	ssyncset.done @!p0 $0x0  }
0xc8: {  	[sflag:s0] =	ssyncadd.s32 @!p0 s1  }
0xc9: {  	[bflag:$0x3] =	sbarrier.arrive $0xFFFF  }
0xca: {  	_ =	shalt  }

// kernel: kernel.20.cloned.1.call-start
scs
__scs_entry_jumppad:
0x0: {  	(pc) =	sbr.rel $0x88, $3  }
0x1: {  	(tag) =	ssettag $0x0;
	lr =	simm.s32 $0x1  }
0x2: {  	[smem:$0x3F8E] =	sst lr;
	_ =	strace $0xD0000000  }
0x3: {  	_ = 	snop  }
0x4: {  	_ = 	snop  }
0x5: {  	_ = 	snop  }
0x6: {  	_ = 	snop  }
0x7: {  	_ = 	snop  }
__scs_overlays_trampoline_lowered:
0x8: {  	[smem:$0x3F9D] =	sst s0  }
0x9: {  	[smem:$0x3F9E] =	sst s1  }
0xa: {  	[smem:$0x3F9F] =	sst s2  }
0xb: {  	[smem:$0x3FA0] =	sst s3  }
0xc: {  	[smem:$0x3FA1] =	sst s4  }
0xd: {  	[smem:$0x3FA2] =	sst s5  }
0xe: {  	[smem:$0x3FA3] =	sst s6  }
0xf: {  	[smem:$0x3FA4] =	sst s7  }
0x10: {  	[smem:$0x3FA5] =	sst s8  }
0x11: {  	[smem:$0x3FA6] =	sst s9;
	s0 =	simm.s32 @!p0 $0x0  }
0x12: {  	s1 =	sld [smem:$0x3F8C];
	s0 =	simm.s32 @p0 $0x1  }
0x13: {  	[smem:$0x3FA7] =	sst s0;
	s0 =	simm.s32 @!p1 $0x0  }
0x14: {  	s2 =	sld [smem:$0x3F8B];
	s0 =	simm.s32 @p1 $0x1  }
0x15: {  	[smem:$0x3FA8] =	sst s0;
	s0 =	simm.s32 @!p2 $0x0  }
0x16: {  	s3 =	sld [smem:$0x3FDB];
	s0 =	simm.s32 @p2 $0x1  }
0x17: {  	s4 =	simm.s32 $0x1BF5;
	[smem:$0x3FAA] =	sst s0  }
0x18: {  	s0 =	sld [smem:$0x3F8D];
	_ =	swait.ge [sflag:s4], $0x0  }
0x19: {  	s7 =	sld [smem:$0x3F8E]  }
0x1a: {  	s8 =	sadd.s32 $0xFFFFE003, lr  }
0x1b: {  	s9 =	sadd.s32 $0xFFFFFEF7, lr;
	s5 =	simm.s32 $0xFFFFFFFF;
	p2 =	slt.u32 s8, $0xFFFFF086  }
0x1c: {  	p1 =	slt.u32 s9, $0xF7A;
	s5 =	simm.s32 @!p2 $0x0  }
0x1d: {  	s5 =	simm.s32 @p1 $0x1;
	p0 =	seq.s32 s7, s2  }
0x1e: {  	s7 =	smul.u32 @!p0 $0xF7A, s2;
	p2 =	seq.s32 @!p0 s5, $0x0  }
0x1f: {  	s9 =	smul.u32 $0xF7A, s1;
	s8 =	simm.s32 @!p0 $0x1BF5;
	p2 =	por !p2, p0  }
0x20: {  	[sflag:s8] =	ssyncset.s32 @!p0 $0xFFFFF086;
	s6 =	sadd.s32 @!p0 s3, s7;
	s7 =	simm.s32 @!p0 $0x108  }
0x21: {  	s3 =	sadd.s32 s3, s9;
	s6 =	sadd.s32 @!p0 $0x88, s6;
	s7 =	simm.s32 @p2 $0x1082  }
0x22: {  	[simem:s7], [sflag:s8] =	dma.local @!p0 [hbm:s6], $0xF7A  }
0x23: {  	s9 =	sor.u32 $0xD0000000, s2;
	s6 =	simm.s32 $0x108;
	_ =	swait.ge @!p0 [sflag:s8], $0x0  }
0x24: {  	s3 =	sadd.s32 $0x88, s3;
	s6 =	simm.s32 @!p1 $0x1082;
	[sflag:s4] =	ssyncset.s32 $0xFFFFF086  }
0x25: {  	[simem:s6], [sflag:s4] =	dma.local [hbm:s3], $0xF7A  }
0x26: {  	[smem:$0x3F8E] =	sst s1;
	(tag) =	ssettag s2;
	_ =	strace s9  }
0x27: {  	s1 =	sld [smem:$0x3F9E]  }
0x28: {  	s2 =	sld [smem:$0x3F9F]  }
0x29: {  	s4 =	sld [smem:$0x3FA1]  }
0x2a: {  	p0 =	seq.s32 s5, $0x0;
	s5 =	sld [smem:$0x3FA2]  }
0x2b: {  	s6 =	sld [smem:$0x3FA3]  }
0x2c: {  	s7 =	sld [smem:$0x3FA4]  }
0x2d: {  	s3 =	simm.s32 $0x108;
	s8 =	sld [smem:$0x3FA5]  }
0x2e: {  	s3 =	simm.s32 @!p0 $0x1082;
	s9 =	sld [smem:$0x3FA6]  }
0x2f: {  	lr =	sadd.s32 s0, s3;
	s0 =	sld [smem:$0x3F9D]  }
0x30: {  	s3 =	sld [smem:$0x3FA0]  }
0x31: {  	[smem:$0x3FA9] =	sst s10  }
0x32: {  	s10 =	sld [smem:$0x3FA7];
	_ =	sdelay $0x3  }
0x33: {  	p0 =	seq.s32 s10, $0x1;
	s10 =	sld [smem:$0x3FA9];
	_ =	sdelay $0x3  }
0x34: {  	[smem:$0x3FA9] =	sst s10  }
0x35: {  	s10 =	sld [smem:$0x3FA8];
	_ =	sdelay $0x3  }
0x36: {  	p1 =	seq.s32 s10, $0x1;
	s10 =	sld [smem:$0x3FA9];
	_ =	sdelay $0x3  }
0x37: {  	[smem:$0x3FA9] =	sst s10  }
0x38: {  	s10 =	sld [smem:$0x3FAA]  }
0x39: {  	_ = 	snop;
	(pc) =	sbr.ind lr, $3  }
0x3a: {  	_ = 	snop  }
0x3b: {  	_ = 	snop  }
0x3c: {  	p2 =	seq.s32 s10, $0x1;
	s10 =	sld [smem:$0x3FA9]  }
0x3d: {  	_ =	shalt  }
0x3e: {  	_ =	shalt  }
0x3f: {  	_ =	shalt  }
0x40: {  	_ =	shalt  }
0x41: {  	_ =	shalt  }
0x42: {  	_ =	shalt  }
0x43: {  	_ =	shalt  }
0x44: {  	_ =	shalt  }
0x45: {  	_ =	shalt  }
0x46: {  	_ =	shalt  }
0x47: {  	_ =	shalt  }
0x48: {  	_ =	shalt  }
0x49: {  	_ =	shalt  }
0x4a: {  	_ =	shalt  }
0x4b: {  	_ =	shalt  }
0x4c: {  	_ =	shalt  }
0x4d: {  	_ =	shalt  }
0x4e: {  	_ =	shalt  }
0x4f: {  	_ =	shalt  }
0x50: {  	_ =	shalt  }
0x51: {  	_ =	shalt  }
0x52: {  	_ =	shalt  }
0x53: {  	_ =	shalt  }
0x54: {  	_ =	shalt  }
0x55: {  	_ =	shalt  }
0x56: {  	_ =	shalt  }
0x57: {  	_ =	shalt  }
0x58: {  	_ =	shalt  }
0x59: {  	_ =	shalt  }
0x5a: {  	_ =	shalt  }
0x5b: {  	_ =	shalt  }
0x5c: {  	_ =	shalt  }
0x5d: {  	_ =	shalt  }
0x5e: {  	_ =	shalt  }
0x5f: {  	_ =	shalt  }
0x60: {  	_ =	shalt  }
0x61: {  	_ =	shalt  }
0x62: {  	_ =	shalt  }
0x63: {  	_ =	shalt  }
0x64: {  	_ =	shalt  }
0x65: {  	_ =	shalt  }
0x66: {  	_ =	shalt  }
0x67: {  	_ =	shalt  }
0x68: {  	_ =	shalt  }
0x69: {  	_ =	shalt  }
0x6a: {  	_ =	shalt  }
0x6b: {  	_ =	shalt  }
0x6c: {  	_ =	shalt  }
0x6d: {  	_ =	shalt  }
0x6e: {  	_ =	shalt  }
0x6f: {  	_ =	shalt  }
0x70: {  	_ =	shalt  }
0x71: {  	_ =	shalt  }
0x72: {  	_ =	shalt  }
0x73: {  	_ =	shalt  }
0x74: {  	_ =	shalt  }
0x75: {  	_ =	shalt  }
0x76: {  	_ =	shalt  }
0x77: {  	_ =	shalt  }
0x78: {  	_ =	shalt  }
0x79: {  	_ =	shalt  }
0x7a: {  	_ =	shalt  }
0x7b: {  	_ =	shalt  }
0x7c: {  	_ =	shalt  }
0x7d: {  	_ =	shalt  }
0x7e: {  	_ =	shalt  }
0x7f: {  	_ =	shalt  }
0x80: {  	_ =	shalt  }
0x81: {  	_ =	shalt  }
0x82: {  	_ =	shalt  }
0x83: {  	_ =	shalt  }
0x84: {  	_ =	shalt  }
0x85: {  	_ =	shalt  }
0x86: {  	_ =	shalt  }
0x87: {  	_ =	shalt  }
.Lfunc_end0:
.L_simem_size_0:
called_computation.2_lowered:
.L_overlay_start_0:
0x88: {  	s2 =	sld [smem:$0x3FD9]  }
0x89: {  	s3 =	sld [smem:$0x3FFE];
	_ =	sdelay $0x1  }
0x8a: {  	s1 =	srdreg.scid  }
0x8b: {  	s0 =	sand.u32 $0x1, s1  }
0x8c: {  	s16 =	sshll.u32 s0, $0xA;
	s2 =	sadd.s32 s3, s2  }
0x8d: {  	s2 =	sadd.s32 s2, s16  }
0x8e: {  	[smem:$0x3FB5] =	sst s2  }
0x8f: {  	_ = 	snop  }
0x90: {  	(tm) =	ssettm $0x1  }
0x91: {  	s17 =	sld [smem:$0x3FFB];
	_ =	sdelay $0x3  }
0x92: {  	_ =	strace s17  }
0x93: {  	s2 =	sld [smem:$0x3FFC];
	_ =	sdelay $0x3  }
0x94: {  	_ =	strace s2  }
0x95: {  	s2 =	sld [smem:$0x3FFD];
	_ =	sdelay $0x3  }
0x96: {  	_ =	strace s2  }
0x97: {  	_ =	strace $0x8FFFFFFF  }
0x98: {  	s18 =	sld [smem:$0x3FDB];
	_ =	sdelay $0x1  }
0x99: {  	s19 =	simm.s32 $_scs_section_size  }
0x9a: {  	s4 =	simm.s32 $_size__tile_overlayer_lowered;
	s5 =	simm.s32 $_tile_overlayer_lowered  }
0x9b: {  	s22 =	simm.s32 $0x1BFF;
	s21 =	sshll.u32 s5, $0x1;
	s2 =	sadd.s32 s19, s18  }
0x9c: {  	s6 =	simm.s32 $0x0;
	s20 =	sshll.u32 s4, $0x1;
	s4 =	sadd.s32 s21, s2  }
0x9d: {  	[timem:s6], [sflag:s22] =	dma.local [hbm:s4], s20  }
0x9e: {  	_ =	swait.ge [sflag:s22], s20  }
0x9f: {  	s3 =	ssub.s32 $0x0, s20;
	[sflag:s22] =	ssyncset.done $0x0  }
0xa0: {  	[sflag:s22] =	ssyncadd.s32 s3;
	_ =	sdelay $0x1  }
0xa1: {  	s23 =	simm.s32 $0x1B8B  }
0xa2: {  	_ =	swait.ge [sflag:s23], $0x1  }
0xa3: {  	[sflag:s23] =	ssyncset.done $0x0  }
0xa4: {  	s25 =	simm.s32 $0x1B8E;
	s24 =	sld [smem:$0x3FFE];
	[sflag:s23] =	ssyncadd.s32 $0xFFFFFFFF  }
0xa5: {  	s26 =	simm.s32 $execute0_lowered;
	[smem:$0x3FD2] =	sst s25  }
0xa6: {  	s4 =	sshll.u32 s26, $0x1;
	_ =	strace $0x8000004C;
	[dreg:$0x1] =	wrdreg $0xFFFFFFFF  }
0xa7: {  	s28 =	simm.s32 $_size_execute0_lowered;
	s2 =	sadd.s32 s2, s4;
	[dreg:$0x0] =	wrdreg $0x0  }
0xa8: {  	s4 =	sshll.u32 s28, $0x1;
	[dreg:$0x2] =	wrdreg s2  }
0xa9: {  	[dreg:$0x3] =	wrdreg s4  }
0xaa: {  	[dreg:$0x4] =	wrdreg $0xC0  }
0xab: {  	_ =	task [dreg:s6], $0x5FFFF  }
0xac: {  	[dreg:$0x1] =	wrdreg $0xFFFFFFFF  }
0xad: {  	[dreg:$0x0] =	wrdreg $0x60  }
0xae: {  	[dreg:$0x2] =	wrdreg s24  }
0xaf: {  	[dreg:$0x3] =	wrdreg $0x73A00  }
0xb0: {  	[dreg:$0x4] =	wrdreg $0x9  }
0xb1: {  	_ =	task.clear_ibuf [dreg:s6], $0x5FFFF;
	_ =	strace $0x9000004C  }
0xb2: {  	s29 =	simm.s32 $0x9;
	_ =	strace $0x8000004E  }
0xb3: {  	_ =	swait.ge [sflag:s29], $0x1  }
0xb4: {  	[sflag:s29] =	ssyncadd.s32 $0xFFFFFFFF  }
0xb5: {  	_ =	strace $0x9000004E  }
0xb6: {  	_ =	sfence  }
0xb7: {  	s30 =	sld [smem:$0x0];
	_ =	sdelay $0x2  }
0xb8: {  	s31 =	sshll.u32 s1, $0xD;
	s1 =	sshrl.u32 s1, $0x2  }
0xb9: {  	s3 =	sand.u32 $0x4000, s31;
	s1 =	sadd.s32 s1, s30  }
0xba: {  	s0 =	sor.u32 s3, s0;
	s1 =	sshll.u32 s1, $0x11  }
0xbb: {  	s0 =	sor.u32 s1, s0  }
0xbc: {  	s0 =	sadd.s32 $0x8F2B, s0  }
0xbd: {  	[sflag:s0] =	ssyncadd.remote.s32 $0x1  }
0xbe: {  	_ =	sfence.sel $0xFFFF  }
0xbf: {  	[dreg:$0x0] =	wrdreg $0xFFFFFFFF;
	(pc) =	sbr.abs _section_cstart, $3  }
0xc0: {  	[dreg:$0x1] =	wrdreg $0xFFFFFFFF  }
0xc1: {  	_ =	task.clear_ibuf [dreg:s6], $0x2FFFF;
	_ =	strace $0x9FFFFFFF  }
0xc2: {  	(tm) =	ssettm $0x7FFFFFFF  }
0xc3: {  	_ =	shalt  }
tec
execute0_lowered:
.L_overlay_start_1:
0x0: {  	(tag) =	ssettag $0x1  }
0x1: {  	s0 =	rddreg [dreg:$0x0]  }
0x2: {  	s2 =	rddreg [dreg:$0x1]  }
0x3: {  	s3 =	simm.s32 $0x0;
	s4 =	stileid.u32;
	s5 =	srdreg.scid  }
0x4: {  	s15 =	simm.s32 $0x3;
	s16 =	simm.s32 $0x7D0;
	s17 =	simm.s32 $0x190  }
0x5: {  	s18 =	simm.s32 $0xFA0;
	s19 =	simm.s32 $0x41A0;
	s20 =	simm.s32 $0x1  }
0x6: {  	s21 =	simm.s32 $0x2;
	s22 =	simm.s32 $0x320;
	s23 =	simm.s32 $0x960  }
0x7: {  	s24 =	simm.s32 $0x4B0;
	s28 =	simm.s32 $0xC80;
	s29 =	simm.s32 $0xE10  }
0x8: {  	[smem:$0x7FF] =	sst s3;
	s1 =	smul.u32 $0x186A, s4;
	s6 =	sadd.s32 $0x12B000, s0  }
0x9: {  	s9 =	sand.u32 $0x1, s5;
	s5 =	sadd.s32 $0x37C00, s0;
	s7 =	smul.u32 $0x61C00, s4  }
0xa: {  	s25 =	sadd.s32 $0x34A00, s0;
	s8 =	sadd.s32 $0x18CC00, s0;
	s30 =	smul.u32 $0xC350, s4  }
0xb: {  	s12 =	sshll.u32 s4, $0x6;
	_ =	strace $0x8000004D;
	[dreg:$0x3] =	wrdreg s6  }
0xc: {  	s10 =	ssub.s32 $0x2, s9;
	[dreg:$0x4] =	wrdreg s25;
	s13 =	smul.u32 $0x186A00, s9  }
0xd: {  	s9 =	sshll.u32 s9, $0x1;
	s25 =	simm.s32 $0xAF0;
	s11 =	sshrl.u32 s10, $0x1  }
0xe: {  	s1 =	sadd.s32 s1, s0;
	s31 =	sshrl.u32 s7, $0x2;
	s26 =	ssub.s32 s10, s11  }
0xf: {  	s14 =	sadd.s32 s31, s2;
	s10 =	sor.u32 $0x1C03, s12;
	s12 =	sadd.s32 $0x1C2A0, s1  }
0x10: {  	s13 =	sadd.s32 s30, s13;
	s1 =	simm.s32 $0x0;
	s0 =	smax.u32 s26, $0x1  }
0x11: {  	s14 =	sshrl.u32 s14, $0x3;
	s26 =	simm.s32 $0x640;
	[dreg:$0x5] =	wrdreg s0  }
.LBB2_1:
0x12: {  	[dreg:$0x6] =	wrdreg s1;
	p1 =	por $0x1, $0x1;
	s0 =	simm.s32 $0x0  }
.LBB2_2:
0x13: {  	s1 =	smul.u32 $0xC3500, s0;
	s4 =	rddreg [dreg:$0x4]  }
0x14: {  	[spmem:s14], [sflag:s10] =	dma.local [hbm:s4], $0x30E0  }
0x15: {  	_ =	swait.ge [sflag:s15], $0x30E0;
	s1 =	sadd.s32 s1, s13  }
0x16: {  	[sflag:s15] =	ssyncset.done $0x0;
	s1 =	sshrl.u32 s1, $0x3;
	s11 =	rddreg [dreg:$0x3]  }
0x17: {  	[sflag:s15] =	ssyncadd.s32 $0xFFFFCF20;
	s11 =	sadd.s32 s1, s11  }
0x18: {  	[bflag:$0x0] =	sbarrier.arrive $0xFFFF;
	s1 =	sadd.s32 $0x0, s11  }
0x19: {  	[tilespmem:s3], [sflag:$0x3] =	stream.linear.gather [hbm4b:s1+s3], $0x7D0, $0x38;
	[tilespmem:$0x1FAA0] =	vst v63  }
0x1a: {  	_ =	swait.ge [sflag:s15], $0x7D0  }
0x1b: {  	[sflag:s15] =	ssyncset.done $0x0  }
0x1c: {  	s31 =	sadd.s32 $0x0, s12;
	[sflag:s15] =	ssyncadd.s32 $0xFFFFF830  }
0x1d: {  	[tilespmem:s16], [sflag:$0x3] =	stream.linear.gather [hbm4b:s31+s3], $0x7D0, $0x38;
	[tilespmem:$0x1FAA0] =	vst v63  }
0x1e: {  	_ =	swait.ge [sflag:s15], $0x7D0  }
0x1f: {  	[sflag:s15] =	ssyncset.done $0x0  }
0x20: {  	[sflag:s15] =	ssyncadd.s32 $0xFFFFF830  }
0x21: {  	[tilespmem:s18], [sflag:$0x1] =	stream.indirect.gather [hbm4b:s5+s17], $0x20, s3, s17, $0xb8;
	[tilespmem:$0x1FAA0] =	vst v63  }
0x22: {  	_ = 	snop  }
0x23: {  	[tilespmem:s19], [sflag:$0x1] =	stream.indirect.gather [hbm4b:s5+s17], $0x20, s17, s17, $0xb8;
	[tilespmem:$0x1FAA0] =	vst v63  }
0x24: {  	_ =	swait.ge [sflag:s20], $0x3200  }
0x25: {  	[sflag:s20] =	ssyncset.done $0x0  }
0x26: {  	[sflag:s20] =	ssyncadd.s32 $0xFFFFCE00  }
0x27: {  	[spmem:s2] =	stream.indirect.scatter.add.f32 [tilespmem:s18], [sflag:$0x2], $0x20, s16, s17, $0xb8;
	[tilespmem:$0x1FAA0] =	vst v63  }
0x28: {  	_ =	swait.ge [sflag:s21], $0x3200  }
0x29: {  	[sflag:s21] =	ssyncset.done $0x0  }
0x2a: {  	[sflag:s21] =	ssyncadd.s32 $0xFFFFCE00  }
0x2b: {  	[tilespmem:s18], [sflag:$0x1] =	stream.indirect.gather [hbm4b:s5+s17], $0x20, s22, s17, $0xb8;
	[tilespmem:$0x1FAA0] =	vst v63  }
0x2c: {  	_ =	swait.ge [sflag:s20], $0x3200  }
0x2d: {  	[sflag:s20] =	ssyncset.done $0x0  }
0x2e: {  	[sflag:s20] =	ssyncadd.s32 $0xFFFFCE00  }
0x2f: {  	[spmem:s2] =	stream.indirect.scatter.add.f32 [tilespmem:s19], [sflag:$0x2], $0x20, s23, s17, $0xb8;
	[tilespmem:$0x1FAA0] =	vst v63  }
0x30: {  	_ =	swait.ge [sflag:s21], $0x3200  }
0x31: {  	[sflag:s21] =	ssyncset.done $0x0  }
0x32: {  	[sflag:s21] =	ssyncadd.s32 $0xFFFFCE00  }
0x33: {  	[tilespmem:s19], [sflag:$0x1] =	stream.indirect.gather [hbm4b:s5+s17], $0x20, s24, s17, $0xb8;
	[tilespmem:$0x1FAA0] =	vst v63  }
0x34: {  	_ =	swait.ge [sflag:s20], $0x3200  }
0x35: {  	[sflag:s20] =	ssyncset.done $0x0  }
0x36: {  	[sflag:s20] =	ssyncadd.s32 $0xFFFFCE00  }
0x37: {  	[spmem:s2] =	stream.indirect.scatter.add.f32 [tilespmem:s18], [sflag:$0x2], $0x20, s25, s17, $0xb8;
	[tilespmem:$0x1FAA0] =	vst v63  }
0x38: {  	_ =	swait.ge [sflag:s21], $0x3200  }
0x39: {  	[sflag:s21] =	ssyncset.done $0x0  }
0x3a: {  	[sflag:s21] =	ssyncadd.s32 $0xFFFFCE00  }
0x3b: {  	[tilespmem:s18], [sflag:$0x1] =	stream.indirect.gather [hbm4b:s5+s17], $0x20, s26, s17, $0xb8;
	[tilespmem:$0x1FAA0] =	vst v63  }
0x3c: {  	_ =	swait.ge [sflag:s20], $0x3200  }
0x3d: {  	[sflag:s20] =	ssyncset.done $0x0  }
0x3e: {  	[sflag:s20] =	ssyncadd.s32 $0xFFFFCE00  }
0x3f: {  	[spmem:s2] =	stream.indirect.scatter.add.f32 [tilespmem:s19], [sflag:$0x2], $0x20, s28, s17, $0xb8;
	[tilespmem:$0x1FAA0] =	vst v63  }
0x40: {  	_ =	swait.ge [sflag:s20], $0x3200  }
0x41: {  	[sflag:s20] =	ssyncset.done $0x0  }
0x42: {  	[sflag:s20] =	ssyncadd.s32 $0xFFFFCE00  }
0x43: {  	[spmem:s2] =	stream.indirect.scatter.add.f32 [tilespmem:s18], [sflag:$0x2], $0x20, s29, s17, $0xb8;
	[tilespmem:$0x1FAA0] =	vst v63  }
0x44: {  	_ =	swait.ge [sflag:s21], $0x3200  }
0x45: {  	[sflag:s21] =	ssyncset.done $0x0  }
0x46: {  	[sflag:s21] =	ssyncadd.s32 $0xFFFFCE00  }
0x47: {  	p0 =	por p1, p1;
	s30 =	simm.s32 $0x1F4;
	_ =	swait.ge [sflag:s21], $0x3200  }
0x48: {  	s1 =	sor.u32 s9, s0;
	s0 =	simm.s32 $0xFA;
	[sflag:s21] =	ssyncset.done $0x0  }
.LBB2_3:
0x49: {  	s4 =	sadd.s32 s0, s11  }
0x4a: {  	[sflag:s21] =	ssyncadd.s32 $0xFFFFCE00;
	s6 =	smov.u32 s30;
	s31 =	sadd.s32 $0xFA, s30  }
0x4b: {  	[tilespmem:s3], [sflag:$0x3] =	stream.linear.gather [hbm4b:s4+s3], $0x7D0, $0x38;
	[tilespmem:$0x1FAA0] =	vst v63  }
0x4c: {  	p1 =	sne.s32 s30, $0x1770;
	_ =	swait.ge [sflag:s15], $0x7D0  }
0x4d: {  	[sflag:s15] =	ssyncset.done $0x0  }
0x4e: {  	s4 =	sadd.s32 s0, s12;
	s0 =	smov.u32 s6;
	[sflag:s15] =	ssyncadd.s32 $0xFFFFF830  }
0x4f: {  	[tilespmem:s16], [sflag:$0x3] =	stream.linear.gather [hbm4b:s4+s3], $0x7D0, $0x38;
	[tilespmem:$0x1FAA0] =	vst v63  }
0x50: {  	_ =	swait.ge [sflag:s15], $0x7D0  }
0x51: {  	[sflag:s15] =	ssyncset.done $0x0  }
0x52: {  	[sflag:s15] =	ssyncadd.s32 $0xFFFFF830  }
0x53: {  	[tilespmem:s18], [sflag:$0x1] =	stream.indirect.gather [hbm4b:s5+s17], $0x20, s3, s17, $0xb8;
	[tilespmem:$0x1FAA0] =	vst v63  }
0x54: {  	_ = 	snop  }
0x55: {  	[tilespmem:s19], [sflag:$0x1] =	stream.indirect.gather [hbm4b:s5+s17], $0x20, s17, s17, $0xb8;
	[tilespmem:$0x1FAA0] =	vst v63  }
0x56: {  	_ =	swait.ge [sflag:s20], $0x3200  }
0x57: {  	[sflag:s20] =	ssyncset.done $0x0  }
0x58: {  	[sflag:s20] =	ssyncadd.s32 $0xFFFFCE00  }
0x59: {  	[spmem:s2] =	stream.indirect.scatter.add.f32 [tilespmem:s18], [sflag:$0x2], $0x20, s16, s17, $0xb8;
	[tilespmem:$0x1FAA0] =	vst v63  }
0x5a: {  	_ =	swait.ge [sflag:s21], $0x3200  }
0x5b: {  	[sflag:s21] =	ssyncset.done $0x0  }
0x5c: {  	[sflag:s21] =	ssyncadd.s32 $0xFFFFCE00  }
0x5d: {  	[tilespmem:s18], [sflag:$0x1] =	stream.indirect.gather [hbm4b:s5+s17], $0x20, s22, s17, $0xb8;
	[tilespmem:$0x1FAA0] =	vst v63  }
0x5e: {  	_ =	swait.ge [sflag:s20], $0x3200  }
0x5f: {  	[sflag:s20] =	ssyncset.done $0x0  }
0x60: {  	[sflag:s20] =	ssyncadd.s32 $0xFFFFCE00  }
0x61: {  	[spmem:s2] =	stream.indirect.scatter.add.f32 [tilespmem:s19], [sflag:$0x2], $0x20, s23, s17, $0xb8;
	[tilespmem:$0x1FAA0] =	vst v63  }
0x62: {  	_ =	swait.ge [sflag:s21], $0x3200  }
0x63: {  	[sflag:s21] =	ssyncset.done $0x0  }
0x64: {  	[sflag:s21] =	ssyncadd.s32 $0xFFFFCE00  }
0x65: {  	[tilespmem:s19], [sflag:$0x1] =	stream.indirect.gather [hbm4b:s5+s17], $0x20, s24, s17, $0xb8;
	[tilespmem:$0x1FAA0] =	vst v63  }
0x66: {  	_ =	swait.ge [sflag:s20], $0x3200  }
0x67: {  	[sflag:s20] =	ssyncset.done $0x0  }
0x68: {  	[sflag:s20] =	ssyncadd.s32 $0xFFFFCE00  }
0x69: {  	[spmem:s2] =	stream.indirect.scatter.add.f32 [tilespmem:s18], [sflag:$0x2], $0x20, s25, s17, $0xb8;
	[tilespmem:$0x1FAA0] =	vst v63  }
0x6a: {  	_ =	swait.ge [sflag:s21], $0x3200  }
0x6b: {  	[sflag:s21] =	ssyncset.done $0x0  }
0x6c: {  	[sflag:s21] =	ssyncadd.s32 $0xFFFFCE00  }
0x6d: {  	[tilespmem:s18], [sflag:$0x1] =	stream.indirect.gather [hbm4b:s5+s17], $0x20, s26, s17, $0xb8;
	[tilespmem:$0x1FAA0] =	vst v63  }
0x6e: {  	_ =	swait.ge [sflag:s20], $0x3200  }
0x6f: {  	[sflag:s20] =	ssyncset.done $0x0  }
0x70: {  	[sflag:s20] =	ssyncadd.s32 $0xFFFFCE00  }
0x71: {  	[spmem:s2] =	stream.indirect.scatter.add.f32 [tilespmem:s19], [sflag:$0x2], $0x20, s28, s17, $0xb8;
	[tilespmem:$0x1FAA0] =	vst v63  }
0x72: {  	_ =	swait.ge [sflag:s20], $0x3200  }
0x73: {  	[sflag:s20] =	ssyncset.done $0x0  }
0x74: {  	[sflag:s20] =	ssyncadd.s32 $0xFFFFCE00  }
0x75: {  	[spmem:s2] =	stream.indirect.scatter.add.f32 [tilespmem:s18], [sflag:$0x2], $0x20, s29, s17, $0xb8;
	[tilespmem:$0x1FAA0] =	vst v63  }
.Ltmp0:
0x76: {  	_ =	swait.ge [sflag:s21], $0x3200;
	(pc) =	sbr.rel @p1 .LBB2_3-.Ltmp0, $4  }
0x77: {  	[sflag:s21] =	ssyncset.done $0x0  }
0x78: {  	[sflag:s21] =	ssyncadd.s32 $0xFFFFCE00  }
0x79: {  	_ =	swait.ge [sflag:s21], $0x3200  }
0x7a: {  	s30 =	smov.u32 s31;
	[sflag:s21] =	ssyncset.done $0x0  }
0x7b: {  	s4 =	sadd.s32 s0, s11;
	[sflag:s21] =	ssyncadd.s32 $0xFFFFCE00  }
0x7c: {  	[tilespmem:s3], [sflag:$0x3] =	stream.linear.gather [hbm4b:s4+s3], $0x7D0, $0x38;
	[tilespmem:$0x1FAA0] =	vst v63  }
0x7d: {  	_ =	swait.ge [sflag:s15], $0x7D0  }
0x7e: {  	[sflag:s15] =	ssyncset.done $0x0  }
0x7f: {  	s6 =	sadd.s32 s0, s12;
	[sflag:s15] =	ssyncadd.s32 $0xFFFFF830  }
0x80: {  	[tilespmem:s16], [sflag:$0x3] =	stream.linear.gather [hbm4b:s6+s3], $0x7D0, $0x38;
	[tilespmem:$0x1FAA0] =	vst v63  }
0x81: {  	_ =	swait.ge [sflag:s15], $0x7D0  }
0x82: {  	[sflag:s15] =	ssyncset.done $0x0  }
0x83: {  	[sflag:s15] =	ssyncadd.s32 $0xFFFFF830  }
0x84: {  	[tilespmem:s18], [sflag:$0x1] =	stream.indirect.gather [hbm4b:s5+s17], $0x20, s3, s17, $0xb8;
	[tilespmem:$0x1FAA0] =	vst v63  }
0x85: {  	_ = 	snop  }
0x86: {  	[tilespmem:s19], [sflag:$0x1] =	stream.indirect.gather [hbm4b:s5+s17], $0x20, s17, s17, $0xb8;
	[tilespmem:$0x1FAA0] =	vst v63  }
0x87: {  	_ =	swait.ge [sflag:s20], $0x3200  }
0x88: {  	[sflag:s20] =	ssyncset.done $0x0  }
0x89: {  	[sflag:s20] =	ssyncadd.s32 $0xFFFFCE00  }
0x8a: {  	[spmem:s2] =	stream.indirect.scatter.add.f32 [tilespmem:s18], [sflag:$0x2], $0x20, s16, s17, $0xb8;
	[tilespmem:$0x1FAA0] =	vst v63  }
0x8b: {  	_ =	swait.ge [sflag:s21], $0x3200  }
0x8c: {  	[sflag:s21] =	ssyncset.done $0x0  }
0x8d: {  	[sflag:s21] =	ssyncadd.s32 $0xFFFFCE00  }
0x8e: {  	[tilespmem:s18], [sflag:$0x1] =	stream.indirect.gather [hbm4b:s5+s17], $0x20, s22, s17, $0xb8;
	[tilespmem:$0x1FAA0] =	vst v63  }
0x8f: {  	_ =	swait.ge [sflag:s20], $0x3200  }
0x90: {  	[sflag:s20] =	ssyncset.done $0x0  }
0x91: {  	[sflag:s20] =	ssyncadd.s32 $0xFFFFCE00  }
0x92: {  	[spmem:s2] =	stream.indirect.scatter.add.f32 [tilespmem:s19], [sflag:$0x2], $0x20, s23, s17, $0xb8;
	[tilespmem:$0x1FAA0] =	vst v63  }
0x93: {  	_ =	swait.ge [sflag:s21], $0x3200  }
0x94: {  	[sflag:s21] =	ssyncset.done $0x0  }
0x95: {  	[sflag:s21] =	ssyncadd.s32 $0xFFFFCE00  }
0x96: {  	[tilespmem:s19], [sflag:$0x1] =	stream.indirect.gather [hbm4b:s5+s17], $0x20, s24, s17, $0xb8;
	[tilespmem:$0x1FAA0] =	vst v63  }
0x97: {  	_ =	swait.ge [sflag:s20], $0x3200  }
0x98: {  	[sflag:s20] =	ssyncset.done $0x0  }
0x99: {  	[sflag:s20] =	ssyncadd.s32 $0xFFFFCE00  }
0x9a: {  	[spmem:s2] =	stream.indirect.scatter.add.f32 [tilespmem:s18], [sflag:$0x2], $0x20, s25, s17, $0xb8;
	[tilespmem:$0x1FAA0] =	vst v63  }
0x9b: {  	_ =	swait.ge [sflag:s21], $0x3200  }
0x9c: {  	[sflag:s21] =	ssyncset.done $0x0  }
0x9d: {  	[sflag:s21] =	ssyncadd.s32 $0xFFFFCE00  }
0x9e: {  	[tilespmem:s18], [sflag:$0x1] =	stream.indirect.gather [hbm4b:s5+s17], $0x20, s26, s17, $0xb8;
	[tilespmem:$0x1FAA0] =	vst v63  }
0x9f: {  	_ =	swait.ge [sflag:s20], $0x3200  }
0xa0: {  	[sflag:s20] =	ssyncset.done $0x0  }
0xa1: {  	[sflag:s20] =	ssyncadd.s32 $0xFFFFCE00  }
0xa2: {  	[spmem:s2] =	stream.indirect.scatter.add.f32 [tilespmem:s19], [sflag:$0x2], $0x20, s28, s17, $0xb8;
	[tilespmem:$0x1FAA0] =	vst v63  }
0xa3: {  	_ =	swait.ge [sflag:s20], $0x3200  }
0xa4: {  	[sflag:s20] =	ssyncset.done $0x0  }
0xa5: {  	[sflag:s20] =	ssyncadd.s32 $0xFFFFCE00  }
0xa6: {  	[spmem:s2] =	stream.indirect.scatter.add.f32 [tilespmem:s18], [sflag:$0x2], $0x20, s29, s17, $0xb8;
	[tilespmem:$0x1FAA0] =	vst v63  }
0xa7: {  	_ =	swait.ge [sflag:s21], $0x3200  }
0xa8: {  	[sflag:s21] =	ssyncset.done $0x0  }
0xa9: {  	s11 =	sshll.u32 s1, $0x5;
	[sflag:s21] =	ssyncadd.s32 $0xFFFFCE00  }
0xaa: {  	s0 =	sor.u32 s7, s11;
	_ =	swait.ge [sflag:s21], $0x3200  }
0xab: {  	s0 =	sshrl.u32 s0, $0x3;
	[sflag:s21] =	ssyncset.done $0x0  }
0xac: {  	s31 =	simm.s32 $0x10;
	s30 =	sadd.s32 s8, s0;
	[sflag:s21] =	ssyncadd.s32 $0xFFFFCE00  }
0xad: {  	s0 =	simm.s32 $0x1;
	s6 =	simm.s32 $0x4;
	[bflag:$0x0] =	sbarrier.arrive $0xFFFF  }
0xae: {  	[hbm:s30@s31], [sflag:s10] =	dma.strided [spmem:s14@s6], $0x30E0, s0, $0x4   }
.Ltmp1:
0xaf: {  	_ =	swait.ge [sflag:s15], $0x30E0;
	(pc) =	sbr.rel @p0 .LBB2_2-.Ltmp1, $4  }
0xb0: {  	[sflag:s15] =	ssyncset.done $0x0  }
0xb1: {  	[sflag:s15] =	ssyncadd.s32 $0xFFFFCF20  }
0xb2: {  	[bflag:$0x0] =	sbarrier.arrive $0xFFFF  }
0xb3: {  	p1 =	por $0x0, $0x0  }
0xb4: {  	s1 =	rddreg [dreg:$0x6]  }
0xb5: {  	s0 =	rddreg [dreg:$0x5];
	s1 =	sadd.s32 $0x1, s1  }
0xb6: {  	p0 =	sne.s32 s1, s0  }
.Ltmp2:
0xb7: {  	_ = 	snop;
	(pc) =	sbr.rel @p0 .LBB2_1-.Ltmp2, $1  }
0xb8: {  	_ =	sdelay $0x3  }
0xb9: {  	_ =	sfence.sel $0x180000  }
0xba: {  	[bflag:$0x0] =	sbarrier.arrive $0xFFFF  }
0xbb: {  	_ =	strace $0x9000004D  }
0xbc: {  	s0 =	stileid.u32;
	[bflag:$0x2] =	sbarrier.arrive $0xFFFF  }
0xbd: {  	p0 =	sne.s32 s0, $0x0;
	s0 =	rddreg [dreg:$0x2]  }
0xbe: {  	s0 =	sadd.s32 @!p0 $0x100000, s0  }
0xbf: {  	[sflag:s0] =	ssyncadd.tile.s32 @!p0 $0x1;
	_ =	shalt  }
.Lfunc_end2:
_tile_overlayer_lowered:
.L_overlay_start_2:
0xc0: {  	(tag) =	ssettag $0x2  }
0xc1: {  	s0 =	rddreg [dreg:$0x0];
	s2 =	stileid.u32  }
0xc2: {  	s1 =	rddreg [dreg:$0x1];
	p0 =	sne.s32 s2, $0x0  }
0xc3: {  	s3 =	rddreg [dreg:$0x2];
	[bflag:$0x3] =	sbarrier.arrive $0xFFFF;
	s2 =	simm.s32 @!p0 $0x1C03  }
0xc4: {  	[timem:s3], [sflag:s2] =	dma.local @!p0 [hbm:s0], s1  }
0xc5: {  	s0 =	simm.s32 @!p0 $0x3  }
0xc6: {  	_ =	swait.ge @!p0 [sflag:s0], s1  }
0xc7: {  	s1 =	ssub.s32 @!p0 $0x0, s1;
	[sflag:s0] =	ssyncset.done @!p0 $0x0  }
0xc8: {  	[sflag:s0] =	ssyncadd.s32 @!p0 s1  }
0xc9: {  	[bflag:$0x3] =	sbarrier.arrive $0xFFFF  }
0xca: {  	_ =	shalt  }

// kernel: kernel.23.cloned.1.call-start
scs
__scs_entry_jumppad:
0x0: {  	(pc) =	sbr.rel $0x88, $3  }
0x1: {  	(tag) =	ssettag $0x0;
	lr =	simm.s32 $0x1  }
0x2: {  	[smem:$0x3F8E] =	sst lr;
	_ =	strace $0xD0000000  }
0x3: {  	_ = 	snop  }
0x4: {  	_ = 	snop  }
0x5: {  	_ = 	snop  }
0x6: {  	_ = 	snop  }
0x7: {  	_ = 	snop  }
__scs_overlays_trampoline_lowered:
0x8: {  	[smem:$0x3F9D] =	sst s0  }
0x9: {  	[smem:$0x3F9E] =	sst s1  }
0xa: {  	[smem:$0x3F9F] =	sst s2  }
0xb: {  	[smem:$0x3FA0] =	sst s3  }
0xc: {  	[smem:$0x3FA1] =	sst s4  }
0xd: {  	[smem:$0x3FA2] =	sst s5  }
0xe: {  	[smem:$0x3FA3] =	sst s6  }
0xf: {  	[smem:$0x3FA4] =	sst s7  }
0x10: {  	[smem:$0x3FA5] =	sst s8  }
0x11: {  	[smem:$0x3FA6] =	sst s9;
	s0 =	simm.s32 @!p0 $0x0  }
0x12: {  	s1 =	sld [smem:$0x3F8C];
	s0 =	simm.s32 @p0 $0x1  }
0x13: {  	[smem:$0x3FA7] =	sst s0;
	s0 =	simm.s32 @!p1 $0x0  }
0x14: {  	s2 =	sld [smem:$0x3F8B];
	s0 =	simm.s32 @p1 $0x1  }
0x15: {  	[smem:$0x3FA8] =	sst s0;
	s0 =	simm.s32 @!p2 $0x0  }
0x16: {  	s3 =	sld [smem:$0x3FDB];
	s0 =	simm.s32 @p2 $0x1  }
0x17: {  	s4 =	simm.s32 $0x1BF5;
	[smem:$0x3FAA] =	sst s0  }
0x18: {  	s0 =	sld [smem:$0x3F8D];
	_ =	swait.ge [sflag:s4], $0x0  }
0x19: {  	s7 =	sld [smem:$0x3F8E]  }
0x1a: {  	s8 =	sadd.s32 $0xFFFFE003, lr  }
0x1b: {  	s9 =	sadd.s32 $0xFFFFFEF7, lr;
	s5 =	simm.s32 $0xFFFFFFFF;
	p2 =	slt.u32 s8, $0xFFFFF086  }
0x1c: {  	p1 =	slt.u32 s9, $0xF7A;
	s5 =	simm.s32 @!p2 $0x0  }
0x1d: {  	s5 =	simm.s32 @p1 $0x1;
	p0 =	seq.s32 s7, s2  }
0x1e: {  	s7 =	smul.u32 @!p0 $0xF7A, s2;
	p2 =	seq.s32 @!p0 s5, $0x0  }
0x1f: {  	s9 =	smul.u32 $0xF7A, s1;
	s8 =	simm.s32 @!p0 $0x1BF5;
	p2 =	por !p2, p0  }
0x20: {  	[sflag:s8] =	ssyncset.s32 @!p0 $0xFFFFF086;
	s6 =	sadd.s32 @!p0 s3, s7;
	s7 =	simm.s32 @!p0 $0x108  }
0x21: {  	s3 =	sadd.s32 s3, s9;
	s6 =	sadd.s32 @!p0 $0x88, s6;
	s7 =	simm.s32 @p2 $0x1082  }
0x22: {  	[simem:s7], [sflag:s8] =	dma.local @!p0 [hbm:s6], $0xF7A  }
0x23: {  	s9 =	sor.u32 $0xD0000000, s2;
	s6 =	simm.s32 $0x108;
	_ =	swait.ge @!p0 [sflag:s8], $0x0  }
0x24: {  	s3 =	sadd.s32 $0x88, s3;
	s6 =	simm.s32 @!p1 $0x1082;
	[sflag:s4] =	ssyncset.s32 $0xFFFFF086  }
0x25: {  	[simem:s6], [sflag:s4] =	dma.local [hbm:s3], $0xF7A  }
0x26: {  	[smem:$0x3F8E] =	sst s1;
	(tag) =	ssettag s2;
	_ =	strace s9  }
0x27: {  	s1 =	sld [smem:$0x3F9E]  }
0x28: {  	s2 =	sld [smem:$0x3F9F]  }
0x29: {  	s4 =	sld [smem:$0x3FA1]  }
0x2a: {  	p0 =	seq.s32 s5, $0x0;
	s5 =	sld [smem:$0x3FA2]  }
0x2b: {  	s6 =	sld [smem:$0x3FA3]  }
0x2c: {  	s7 =	sld [smem:$0x3FA4]  }
0x2d: {  	s3 =	simm.s32 $0x108;
	s8 =	sld [smem:$0x3FA5]  }
0x2e: {  	s3 =	simm.s32 @!p0 $0x1082;
	s9 =	sld [smem:$0x3FA6]  }
0x2f: {  	lr =	sadd.s32 s0, s3;
	s0 =	sld [smem:$0x3F9D]  }
0x30: {  	s3 =	sld [smem:$0x3FA0]  }
0x31: {  	[smem:$0x3FA9] =	sst s10  }
0x32: {  	s10 =	sld [smem:$0x3FA7];
	_ =	sdelay $0x3  }
0x33: {  	p0 =	seq.s32 s10, $0x1;
	s10 =	sld [smem:$0x3FA9];
	_ =	sdelay $0x3  }
0x34: {  	[smem:$0x3FA9] =	sst s10  }
0x35: {  	s10 =	sld [smem:$0x3FA8];
	_ =	sdelay $0x3  }
0x36: {  	p1 =	seq.s32 s10, $0x1;
	s10 =	sld [smem:$0x3FA9];
	_ =	sdelay $0x3  }
0x37: {  	[smem:$0x3FA9] =	sst s10  }
0x38: {  	s10 =	sld [smem:$0x3FAA]  }
0x39: {  	_ = 	snop;
	(pc) =	sbr.ind lr, $3  }
0x3a: {  	_ = 	snop  }
0x3b: {  	_ = 	snop  }
0x3c: {  	p2 =	seq.s32 s10, $0x1;
	s10 =	sld [smem:$0x3FA9]  }
0x3d: {  	_ =	shalt  }
0x3e: {  	_ =	shalt  }
0x3f: {  	_ =	shalt  }
0x40: {  	_ =	shalt  }
0x41: {  	_ =	shalt  }
0x42: {  	_ =	shalt  }
0x43: {  	_ =	shalt  }
0x44: {  	_ =	shalt  }
0x45: {  	_ =	shalt  }
0x46: {  	_ =	shalt  }
0x47: {  	_ =	shalt  }
0x48: {  	_ =	shalt  }
0x49: {  	_ =	shalt  }
0x4a: {  	_ =	shalt  }
0x4b: {  	_ =	shalt  }
0x4c: {  	_ =	shalt  }
0x4d: {  	_ =	shalt  }
0x4e: {  	_ =	shalt  }
0x4f: {  	_ =	shalt  }
0x50: {  	_ =	shalt  }
0x51: {  	_ =	shalt  }
0x52: {  	_ =	shalt  }
0x53: {  	_ =	shalt  }
0x54: {  	_ =	shalt  }
0x55: {  	_ =	shalt  }
0x56: {  	_ =	shalt  }
0x57: {  	_ =	shalt  }
0x58: {  	_ =	shalt  }
0x59: {  	_ =	shalt  }
0x5a: {  	_ =	shalt  }
0x5b: {  	_ =	shalt  }
0x5c: {  	_ =	shalt  }
0x5d: {  	_ =	shalt  }
0x5e: {  	_ =	shalt  }
0x5f: {  	_ =	shalt  }
0x60: {  	_ =	shalt  }
0x61: {  	_ =	shalt  }
0x62: {  	_ =	shalt  }
0x63: {  	_ =	shalt  }
0x64: {  	_ =	shalt  }
0x65: {  	_ =	shalt  }
0x66: {  	_ =	shalt  }
0x67: {  	_ =	shalt  }
0x68: {  	_ =	shalt  }
0x69: {  	_ =	shalt  }
0x6a: {  	_ =	shalt  }
0x6b: {  	_ =	shalt  }
0x6c: {  	_ =	shalt  }
0x6d: {  	_ =	shalt  }
0x6e: {  	_ =	shalt  }
0x6f: {  	_ =	shalt  }
0x70: {  	_ =	shalt  }
0x71: {  	_ =	shalt  }
0x72: {  	_ =	shalt  }
0x73: {  	_ =	shalt  }
0x74: {  	_ =	shalt  }
0x75: {  	_ =	shalt  }
0x76: {  	_ =	shalt  }
0x77: {  	_ =	shalt  }
0x78: {  	_ =	shalt  }
0x79: {  	_ =	shalt  }
0x7a: {  	_ =	shalt  }
0x7b: {  	_ =	shalt  }
0x7c: {  	_ =	shalt  }
0x7d: {  	_ =	shalt  }
0x7e: {  	_ =	shalt  }
0x7f: {  	_ =	shalt  }
0x80: {  	_ =	shalt  }
0x81: {  	_ =	shalt  }
0x82: {  	_ =	shalt  }
0x83: {  	_ =	shalt  }
0x84: {  	_ =	shalt  }
0x85: {  	_ =	shalt  }
0x86: {  	_ =	shalt  }
0x87: {  	_ =	shalt  }
.Lfunc_end0:
.L_simem_size_0:
called_computation.3_lowered:
.L_overlay_start_0:
0x88: {  	s2 =	sld [smem:$0x3FD9]  }
0x89: {  	s3 =	sld [smem:$0x3FFE];
	_ =	sdelay $0x1  }
0x8a: {  	s1 =	srdreg.scid  }
0x8b: {  	s0 =	sand.u32 $0x1, s1  }
0x8c: {  	s16 =	sshll.u32 s0, $0xA;
	s2 =	sadd.s32 s3, s2  }
0x8d: {  	s2 =	sadd.s32 s2, s16  }
0x8e: {  	[smem:$0x3FB5] =	sst s2  }
0x8f: {  	_ = 	snop  }
0x90: {  	(tm) =	ssettm $0x1  }
0x91: {  	s17 =	sld [smem:$0x3FFB];
	_ =	sdelay $0x3  }
0x92: {  	_ =	strace s17  }
0x93: {  	s2 =	sld [smem:$0x3FFC];
	_ =	sdelay $0x3  }
0x94: {  	_ =	strace s2  }
0x95: {  	s2 =	sld [smem:$0x3FFD];
	_ =	sdelay $0x3  }
0x96: {  	_ =	strace s2  }
0x97: {  	_ =	strace $0x8FFFFFFF  }
0x98: {  	s18 =	sld [smem:$0x3FDB];
	_ =	sdelay $0x1  }
0x99: {  	s19 =	simm.s32 $_scs_section_size  }
0x9a: {  	s4 =	simm.s32 $_size__tile_overlayer_lowered;
	s5 =	simm.s32 $_tile_overlayer_lowered  }
0x9b: {  	s22 =	simm.s32 $0x1BFF;
	s21 =	sshll.u32 s5, $0x1;
	s2 =	sadd.s32 s19, s18  }
0x9c: {  	s6 =	simm.s32 $0x0;
	s20 =	sshll.u32 s4, $0x1;
	s4 =	sadd.s32 s21, s2  }
0x9d: {  	[timem:s6], [sflag:s22] =	dma.local [hbm:s4], s20  }
0x9e: {  	_ =	swait.ge [sflag:s22], s20  }
0x9f: {  	s3 =	ssub.s32 $0x0, s20;
	[sflag:s22] =	ssyncset.done $0x0  }
0xa0: {  	[sflag:s22] =	ssyncadd.s32 s3;
	_ =	sdelay $0x1  }
0xa1: {  	s23 =	simm.s32 $0x1B8B  }
0xa2: {  	_ =	swait.ge [sflag:s23], $0x1  }
0xa3: {  	[sflag:s23] =	ssyncset.done $0x0  }
0xa4: {  	s25 =	simm.s32 $0x1B8E;
	s24 =	sld [smem:$0x3FFE];
	[sflag:s23] =	ssyncadd.s32 $0xFFFFFFFF  }
0xa5: {  	s26 =	simm.s32 $execute0_lowered;
	[smem:$0x3FD2] =	sst s25  }
0xa6: {  	s4 =	sshll.u32 s26, $0x1;
	_ =	strace $0x8000004F;
	[dreg:$0x1] =	wrdreg $0xFFFFFFFF  }
0xa7: {  	s28 =	simm.s32 $_size_execute0_lowered;
	s2 =	sadd.s32 s2, s4;
	[dreg:$0x0] =	wrdreg $0x0  }
0xa8: {  	s4 =	sshll.u32 s28, $0x1;
	[dreg:$0x2] =	wrdreg s2  }
0xa9: {  	[dreg:$0x3] =	wrdreg s4  }
0xaa: {  	[dreg:$0x4] =	wrdreg $0xC0  }
0xab: {  	_ =	task [dreg:s6], $0x5FFFF  }
0xac: {  	[dreg:$0x1] =	wrdreg $0xFFFFFFFF  }
0xad: {  	[dreg:$0x0] =	wrdreg $0x60  }
0xae: {  	[dreg:$0x2] =	wrdreg s24  }
0xaf: {  	[dreg:$0x3] =	wrdreg $0x73A00  }
0xb0: {  	[dreg:$0x4] =	wrdreg $0x9  }
0xb1: {  	_ =	task.clear_ibuf [dreg:s6], $0x5FFFF;
	_ =	strace $0x9000004F  }
0xb2: {  	s29 =	simm.s32 $0x9;
	_ =	strace $0x80000051  }
0xb3: {  	_ =	swait.ge [sflag:s29], $0x1  }
0xb4: {  	[sflag:s29] =	ssyncadd.s32 $0xFFFFFFFF  }
0xb5: {  	_ =	strace $0x90000051  }
0xb6: {  	_ =	sfence  }
0xb7: {  	s30 =	sld [smem:$0x0];
	_ =	sdelay $0x2  }
0xb8: {  	s31 =	sshll.u32 s1, $0xD;
	s1 =	sshrl.u32 s1, $0x2  }
0xb9: {  	s3 =	sand.u32 $0x4000, s31;
	s1 =	sadd.s32 s1, s30  }
0xba: {  	s0 =	sor.u32 s3, s0;
	s1 =	sshll.u32 s1, $0x11  }
0xbb: {  	s0 =	sor.u32 s1, s0  }
0xbc: {  	s0 =	sadd.s32 $0x8F2B, s0  }
0xbd: {  	[sflag:s0] =	ssyncadd.remote.s32 $0x1  }
0xbe: {  	_ =	sfence.sel $0xFFFF  }
0xbf: {  	[dreg:$0x0] =	wrdreg $0xFFFFFFFF;
	(pc) =	sbr.abs _section_cstart, $3  }
0xc0: {  	[dreg:$0x1] =	wrdreg $0xFFFFFFFF  }
0xc1: {  	_ =	task.clear_ibuf [dreg:s6], $0x2FFFF;
	_ =	strace $0x9FFFFFFF  }
0xc2: {  	(tm) =	ssettm $0x7FFFFFFF  }
0xc3: {  	_ =	shalt  }
tec
execute0_lowered:
.L_overlay_start_1:
0x0: {  	(tag) =	ssettag $0x1  }
0x1: {  	s0 =	rddreg [dreg:$0x0]  }
0x2: {  	s2 =	rddreg [dreg:$0x1]  }
0x3: {  	s3 =	simm.s32 $0x0;
	s4 =	stileid.u32;
	s5 =	srdreg.scid  }
0x4: {  	s15 =	simm.s32 $0x3;
	s16 =	simm.s32 $0x7D0;
	s17 =	simm.s32 $0x190  }
0x5: {  	s18 =	simm.s32 $0xFA0;
	s19 =	simm.s32 $0x41A0;
	s20 =	simm.s32 $0x1  }
0x6: {  	s21 =	simm.s32 $0x2;
	s22 =	simm.s32 $0x320;
	s23 =	simm.s32 $0x960  }
0x7: {  	s24 =	simm.s32 $0x4B0;
	s28 =	simm.s32 $0xC80;
	s29 =	simm.s32 $0xE10  }
0x8: {  	[smem:$0x7FF] =	sst s3;
	s1 =	smul.u32 $0x186A, s4;
	s6 =	sadd.s32 $0x12B000, s0  }
0x9: {  	s9 =	sand.u32 $0x1, s5;
	s5 =	sadd.s32 $0x313A00, s0;
	s7 =	smul.u32 $0x61C00, s4  }
0xa: {  	s25 =	sadd.s32 $0x34A00, s0;
	s8 =	sadd.s32 $0x37C00, s0;
	s30 =	smul.u32 $0xC350, s4  }
0xb: {  	s12 =	sshll.u32 s4, $0x6;
	_ =	strace $0x80000050;
	[dreg:$0x3] =	wrdreg s6  }
0xc: {  	s10 =	ssub.s32 $0x2, s9;
	[dreg:$0x4] =	wrdreg s25;
	s13 =	smul.u32 $0x186A00, s9  }
0xd: {  	s9 =	sshll.u32 s9, $0x1;
	s25 =	simm.s32 $0xAF0;
	s11 =	sshrl.u32 s10, $0x1  }
0xe: {  	s1 =	sadd.s32 s1, s0;
	s31 =	sshrl.u32 s7, $0x2;
	s26 =	ssub.s32 s10, s11  }
0xf: {  	s14 =	sadd.s32 s31, s2;
	s10 =	sor.u32 $0x1C03, s12;
	s12 =	sadd.s32 $0x1C2A0, s1  }
0x10: {  	s13 =	sadd.s32 s30, s13;
	s1 =	simm.s32 $0x0;
	s0 =	smax.u32 s26, $0x1  }
0x11: {  	s14 =	sshrl.u32 s14, $0x3;
	s26 =	simm.s32 $0x640;
	[dreg:$0x5] =	wrdreg s0  }
.LBB2_1:
0x12: {  	[dreg:$0x6] =	wrdreg s1;
	p1 =	por $0x1, $0x1;
	s0 =	simm.s32 $0x0  }
.LBB2_2:
0x13: {  	s1 =	smul.u32 $0xC3500, s0;
	s4 =	rddreg [dreg:$0x4]  }
0x14: {  	[spmem:s14], [sflag:s10] =	dma.local [hbm:s4], $0x30E0  }
0x15: {  	_ =	swait.ge [sflag:s15], $0x30E0;
	s1 =	sadd.s32 s1, s13  }
0x16: {  	[sflag:s15] =	ssyncset.done $0x0;
	s1 =	sshrl.u32 s1, $0x3;
	s11 =	rddreg [dreg:$0x3]  }
0x17: {  	[sflag:s15] =	ssyncadd.s32 $0xFFFFCF20;
	s11 =	sadd.s32 s1, s11  }
0x18: {  	[bflag:$0x0] =	sbarrier.arrive $0xFFFF;
	s1 =	sadd.s32 $0x0, s11  }
0x19: {  	[tilespmem:s3], [sflag:$0x3] =	stream.linear.gather [hbm4b:s1+s3], $0x7D0, $0x38;
	[tilespmem:$0x1FAA0] =	vst v63  }
0x1a: {  	_ =	swait.ge [sflag:s15], $0x7D0  }
0x1b: {  	[sflag:s15] =	ssyncset.done $0x0  }
0x1c: {  	s31 =	sadd.s32 $0x0, s12;
	[sflag:s15] =	ssyncadd.s32 $0xFFFFF830  }
0x1d: {  	[tilespmem:s16], [sflag:$0x3] =	stream.linear.gather [hbm4b:s31+s3], $0x7D0, $0x38;
	[tilespmem:$0x1FAA0] =	vst v63  }
0x1e: {  	_ =	swait.ge [sflag:s15], $0x7D0  }
0x1f: {  	[sflag:s15] =	ssyncset.done $0x0  }
0x20: {  	[sflag:s15] =	ssyncadd.s32 $0xFFFFF830  }
0x21: {  	[tilespmem:s18], [sflag:$0x1] =	stream.indirect.gather [hbm4b:s5+s17], $0x20, s3, s17, $0xb8;
	[tilespmem:$0x1FAA0] =	vst v63  }
0x22: {  	_ = 	snop  }
0x23: {  	[tilespmem:s19], [sflag:$0x1] =	stream.indirect.gather [hbm4b:s5+s17], $0x20, s17, s17, $0xb8;
	[tilespmem:$0x1FAA0] =	vst v63  }
0x24: {  	_ =	swait.ge [sflag:s20], $0x3200  }
0x25: {  	[sflag:s20] =	ssyncset.done $0x0  }
0x26: {  	[sflag:s20] =	ssyncadd.s32 $0xFFFFCE00  }
0x27: {  	[spmem:s2] =	stream.indirect.scatter.add.f32 [tilespmem:s18], [sflag:$0x2], $0x20, s16, s17, $0xb8;
	[tilespmem:$0x1FAA0] =	vst v63  }
0x28: {  	_ =	swait.ge [sflag:s21], $0x3200  }
0x29: {  	[sflag:s21] =	ssyncset.done $0x0  }
0x2a: {  	[sflag:s21] =	ssyncadd.s32 $0xFFFFCE00  }
0x2b: {  	[tilespmem:s18], [sflag:$0x1] =	stream.indirect.gather [hbm4b:s5+s17], $0x20, s22, s17, $0xb8;
	[tilespmem:$0x1FAA0] =	vst v63  }
0x2c: {  	_ =	swait.ge [sflag:s20], $0x3200  }
0x2d: {  	[sflag:s20] =	ssyncset.done $0x0  }
0x2e: {  	[sflag:s20] =	ssyncadd.s32 $0xFFFFCE00  }
0x2f: {  	[spmem:s2] =	stream.indirect.scatter.add.f32 [tilespmem:s19], [sflag:$0x2], $0x20, s23, s17, $0xb8;
	[tilespmem:$0x1FAA0] =	vst v63  }
0x30: {  	_ =	swait.ge [sflag:s21], $0x3200  }
0x31: {  	[sflag:s21] =	ssyncset.done $0x0  }
0x32: {  	[sflag:s21] =	ssyncadd.s32 $0xFFFFCE00  }
0x33: {  	[tilespmem:s19], [sflag:$0x1] =	stream.indirect.gather [hbm4b:s5+s17], $0x20, s24, s17, $0xb8;
	[tilespmem:$0x1FAA0] =	vst v63  }
0x34: {  	_ =	swait.ge [sflag:s20], $0x3200  }
0x35: {  	[sflag:s20] =	ssyncset.done $0x0  }
0x36: {  	[sflag:s20] =	ssyncadd.s32 $0xFFFFCE00  }
0x37: {  	[spmem:s2] =	stream.indirect.scatter.add.f32 [tilespmem:s18], [sflag:$0x2], $0x20, s25, s17, $0xb8;
	[tilespmem:$0x1FAA0] =	vst v63  }
0x38: {  	_ =	swait.ge [sflag:s21], $0x3200  }
0x39: {  	[sflag:s21] =	ssyncset.done $0x0  }
0x3a: {  	[sflag:s21] =	ssyncadd.s32 $0xFFFFCE00  }
0x3b: {  	[tilespmem:s18], [sflag:$0x1] =	stream.indirect.gather [hbm4b:s5+s17], $0x20, s26, s17, $0xb8;
	[tilespmem:$0x1FAA0] =	vst v63  }
0x3c: {  	_ =	swait.ge [sflag:s20], $0x3200  }
0x3d: {  	[sflag:s20] =	ssyncset.done $0x0  }
0x3e: {  	[sflag:s20] =	ssyncadd.s32 $0xFFFFCE00  }
0x3f: {  	[spmem:s2] =	stream.indirect.scatter.add.f32 [tilespmem:s19], [sflag:$0x2], $0x20, s28, s17, $0xb8;
	[tilespmem:$0x1FAA0] =	vst v63  }
0x40: {  	_ =	swait.ge [sflag:s20], $0x3200  }
0x41: {  	[sflag:s20] =	ssyncset.done $0x0  }
0x42: {  	[sflag:s20] =	ssyncadd.s32 $0xFFFFCE00  }
0x43: {  	[spmem:s2] =	stream.indirect.scatter.add.f32 [tilespmem:s18], [sflag:$0x2], $0x20, s29, s17, $0xb8;
	[tilespmem:$0x1FAA0] =	vst v63  }
0x44: {  	_ =	swait.ge [sflag:s21], $0x3200  }
0x45: {  	[sflag:s21] =	ssyncset.done $0x0  }
0x46: {  	[sflag:s21] =	ssyncadd.s32 $0xFFFFCE00  }
0x47: {  	p0 =	por p1, p1;
	s30 =	simm.s32 $0x1F4;
	_ =	swait.ge [sflag:s21], $0x3200  }
0x48: {  	s1 =	sor.u32 s9, s0;
	s0 =	simm.s32 $0xFA;
	[sflag:s21] =	ssyncset.done $0x0  }
.LBB2_3:
0x49: {  	s4 =	sadd.s32 s0, s11  }
0x4a: {  	[sflag:s21] =	ssyncadd.s32 $0xFFFFCE00;
	s6 =	smov.u32 s30;
	s31 =	sadd.s32 $0xFA, s30  }
0x4b: {  	[tilespmem:s3], [sflag:$0x3] =	stream.linear.gather [hbm4b:s4+s3], $0x7D0, $0x38;
	[tilespmem:$0x1FAA0] =	vst v63  }
0x4c: {  	p1 =	sne.s32 s30, $0x1770;
	_ =	swait.ge [sflag:s15], $0x7D0  }
0x4d: {  	[sflag:s15] =	ssyncset.done $0x0  }
0x4e: {  	s4 =	sadd.s32 s0, s12;
	s0 =	smov.u32 s6;
	[sflag:s15] =	ssyncadd.s32 $0xFFFFF830  }
0x4f: {  	[tilespmem:s16], [sflag:$0x3] =	stream.linear.gather [hbm4b:s4+s3], $0x7D0, $0x38;
	[tilespmem:$0x1FAA0] =	vst v63  }
0x50: {  	_ =	swait.ge [sflag:s15], $0x7D0  }
0x51: {  	[sflag:s15] =	ssyncset.done $0x0  }
0x52: {  	[sflag:s15] =	ssyncadd.s32 $0xFFFFF830  }
0x53: {  	[tilespmem:s18], [sflag:$0x1] =	stream.indirect.gather [hbm4b:s5+s17], $0x20, s3, s17, $0xb8;
	[tilespmem:$0x1FAA0] =	vst v63  }
0x54: {  	_ = 	snop  }
0x55: {  	[tilespmem:s19], [sflag:$0x1] =	stream.indirect.gather [hbm4b:s5+s17], $0x20, s17, s17, $0xb8;
	[tilespmem:$0x1FAA0] =	vst v63  }
0x56: {  	_ =	swait.ge [sflag:s20], $0x3200  }
0x57: {  	[sflag:s20] =	ssyncset.done $0x0  }
0x58: {  	[sflag:s20] =	ssyncadd.s32 $0xFFFFCE00  }
0x59: {  	[spmem:s2] =	stream.indirect.scatter.add.f32 [tilespmem:s18], [sflag:$0x2], $0x20, s16, s17, $0xb8;
	[tilespmem:$0x1FAA0] =	vst v63  }
0x5a: {  	_ =	swait.ge [sflag:s21], $0x3200  }
0x5b: {  	[sflag:s21] =	ssyncset.done $0x0  }
0x5c: {  	[sflag:s21] =	ssyncadd.s32 $0xFFFFCE00  }
0x5d: {  	[tilespmem:s18], [sflag:$0x1] =	stream.indirect.gather [hbm4b:s5+s17], $0x20, s22, s17, $0xb8;
	[tilespmem:$0x1FAA0] =	vst v63  }
0x5e: {  	_ =	swait.ge [sflag:s20], $0x3200  }
0x5f: {  	[sflag:s20] =	ssyncset.done $0x0  }
0x60: {  	[sflag:s20] =	ssyncadd.s32 $0xFFFFCE00  }
0x61: {  	[spmem:s2] =	stream.indirect.scatter.add.f32 [tilespmem:s19], [sflag:$0x2], $0x20, s23, s17, $0xb8;
	[tilespmem:$0x1FAA0] =	vst v63  }
0x62: {  	_ =	swait.ge [sflag:s21], $0x3200  }
0x63: {  	[sflag:s21] =	ssyncset.done $0x0  }
0x64: {  	[sflag:s21] =	ssyncadd.s32 $0xFFFFCE00  }
0x65: {  	[tilespmem:s19], [sflag:$0x1] =	stream.indirect.gather [hbm4b:s5+s17], $0x20, s24, s17, $0xb8;
	[tilespmem:$0x1FAA0] =	vst v63  }
0x66: {  	_ =	swait.ge [sflag:s20], $0x3200  }
0x67: {  	[sflag:s20] =	ssyncset.done $0x0  }
0x68: {  	[sflag:s20] =	ssyncadd.s32 $0xFFFFCE00  }
0x69: {  	[spmem:s2] =	stream.indirect.scatter.add.f32 [tilespmem:s18], [sflag:$0x2], $0x20, s25, s17, $0xb8;
	[tilespmem:$0x1FAA0] =	vst v63  }
0x6a: {  	_ =	swait.ge [sflag:s21], $0x3200  }
0x6b: {  	[sflag:s21] =	ssyncset.done $0x0  }
0x6c: {  	[sflag:s21] =	ssyncadd.s32 $0xFFFFCE00  }
0x6d: {  	[tilespmem:s18], [sflag:$0x1] =	stream.indirect.gather [hbm4b:s5+s17], $0x20, s26, s17, $0xb8;
	[tilespmem:$0x1FAA0] =	vst v63  }
0x6e: {  	_ =	swait.ge [sflag:s20], $0x3200  }
0x6f: {  	[sflag:s20] =	ssyncset.done $0x0  }
0x70: {  	[sflag:s20] =	ssyncadd.s32 $0xFFFFCE00  }
0x71: {  	[spmem:s2] =	stream.indirect.scatter.add.f32 [tilespmem:s19], [sflag:$0x2], $0x20, s28, s17, $0xb8;
	[tilespmem:$0x1FAA0] =	vst v63  }
0x72: {  	_ =	swait.ge [sflag:s20], $0x3200  }
0x73: {  	[sflag:s20] =	ssyncset.done $0x0  }
0x74: {  	[sflag:s20] =	ssyncadd.s32 $0xFFFFCE00  }
0x75: {  	[spmem:s2] =	stream.indirect.scatter.add.f32 [tilespmem:s18], [sflag:$0x2], $0x20, s29, s17, $0xb8;
	[tilespmem:$0x1FAA0] =	vst v63  }
.Ltmp0:
0x76: {  	_ =	swait.ge [sflag:s21], $0x3200;
	(pc) =	sbr.rel @p1 .LBB2_3-.Ltmp0, $4  }
0x77: {  	[sflag:s21] =	ssyncset.done $0x0  }
0x78: {  	[sflag:s21] =	ssyncadd.s32 $0xFFFFCE00  }
0x79: {  	_ =	swait.ge [sflag:s21], $0x3200  }
0x7a: {  	s30 =	smov.u32 s31;
	[sflag:s21] =	ssyncset.done $0x0  }
0x7b: {  	s4 =	sadd.s32 s0, s11;
	[sflag:s21] =	ssyncadd.s32 $0xFFFFCE00  }
0x7c: {  	[tilespmem:s3], [sflag:$0x3] =	stream.linear.gather [hbm4b:s4+s3], $0x7D0, $0x38;
	[tilespmem:$0x1FAA0] =	vst v63  }
0x7d: {  	_ =	swait.ge [sflag:s15], $0x7D0  }
0x7e: {  	[sflag:s15] =	ssyncset.done $0x0  }
0x7f: {  	s6 =	sadd.s32 s0, s12;
	[sflag:s15] =	ssyncadd.s32 $0xFFFFF830  }
0x80: {  	[tilespmem:s16], [sflag:$0x3] =	stream.linear.gather [hbm4b:s6+s3], $0x7D0, $0x38;
	[tilespmem:$0x1FAA0] =	vst v63  }
0x81: {  	_ =	swait.ge [sflag:s15], $0x7D0  }
0x82: {  	[sflag:s15] =	ssyncset.done $0x0  }
0x83: {  	[sflag:s15] =	ssyncadd.s32 $0xFFFFF830  }
0x84: {  	[tilespmem:s18], [sflag:$0x1] =	stream.indirect.gather [hbm4b:s5+s17], $0x20, s3, s17, $0xb8;
	[tilespmem:$0x1FAA0] =	vst v63  }
0x85: {  	_ = 	snop  }
0x86: {  	[tilespmem:s19], [sflag:$0x1] =	stream.indirect.gather [hbm4b:s5+s17], $0x20, s17, s17, $0xb8;
	[tilespmem:$0x1FAA0] =	vst v63  }
0x87: {  	_ =	swait.ge [sflag:s20], $0x3200  }
0x88: {  	[sflag:s20] =	ssyncset.done $0x0  }
0x89: {  	[sflag:s20] =	ssyncadd.s32 $0xFFFFCE00  }
0x8a: {  	[spmem:s2] =	stream.indirect.scatter.add.f32 [tilespmem:s18], [sflag:$0x2], $0x20, s16, s17, $0xb8;
	[tilespmem:$0x1FAA0] =	vst v63  }
0x8b: {  	_ =	swait.ge [sflag:s21], $0x3200  }
0x8c: {  	[sflag:s21] =	ssyncset.done $0x0  }
0x8d: {  	[sflag:s21] =	ssyncadd.s32 $0xFFFFCE00  }
0x8e: {  	[tilespmem:s18], [sflag:$0x1] =	stream.indirect.gather [hbm4b:s5+s17], $0x20, s22, s17, $0xb8;
	[tilespmem:$0x1FAA0] =	vst v63  }
0x8f: {  	_ =	swait.ge [sflag:s20], $0x3200  }
0x90: {  	[sflag:s20] =	ssyncset.done $0x0  }
0x91: {  	[sflag:s20] =	ssyncadd.s32 $0xFFFFCE00  }
0x92: {  	[spmem:s2] =	stream.indirect.scatter.add.f32 [tilespmem:s19], [sflag:$0x2], $0x20, s23, s17, $0xb8;
	[tilespmem:$0x1FAA0] =	vst v63  }
0x93: {  	_ =	swait.ge [sflag:s21], $0x3200  }
0x94: {  	[sflag:s21] =	ssyncset.done $0x0  }
0x95: {  	[sflag:s21] =	ssyncadd.s32 $0xFFFFCE00  }
0x96: {  	[tilespmem:s19], [sflag:$0x1] =	stream.indirect.gather [hbm4b:s5+s17], $0x20, s24, s17, $0xb8;
	[tilespmem:$0x1FAA0] =	vst v63  }
0x97: {  	_ =	swait.ge [sflag:s20], $0x3200  }
0x98: {  	[sflag:s20] =	ssyncset.done $0x0  }
0x99: {  	[sflag:s20] =	ssyncadd.s32 $0xFFFFCE00  }
0x9a: {  	[spmem:s2] =	stream.indirect.scatter.add.f32 [tilespmem:s18], [sflag:$0x2], $0x20, s25, s17, $0xb8;
	[tilespmem:$0x1FAA0] =	vst v63  }
0x9b: {  	_ =	swait.ge [sflag:s21], $0x3200  }
0x9c: {  	[sflag:s21] =	ssyncset.done $0x0  }
0x9d: {  	[sflag:s21] =	ssyncadd.s32 $0xFFFFCE00  }
0x9e: {  	[tilespmem:s18], [sflag:$0x1] =	stream.indirect.gather [hbm4b:s5+s17], $0x20, s26, s17, $0xb8;
	[tilespmem:$0x1FAA0] =	vst v63  }
0x9f: {  	_ =	swait.ge [sflag:s20], $0x3200  }
0xa0: {  	[sflag:s20] =	ssyncset.done $0x0  }
0xa1: {  	[sflag:s20] =	ssyncadd.s32 $0xFFFFCE00  }
0xa2: {  	[spmem:s2] =	stream.indirect.scatter.add.f32 [tilespmem:s19], [sflag:$0x2], $0x20, s28, s17, $0xb8;
	[tilespmem:$0x1FAA0] =	vst v63  }
0xa3: {  	_ =	swait.ge [sflag:s20], $0x3200  }
0xa4: {  	[sflag:s20] =	ssyncset.done $0x0  }
0xa5: {  	[sflag:s20] =	ssyncadd.s32 $0xFFFFCE00  }
0xa6: {  	[spmem:s2] =	stream.indirect.scatter.add.f32 [tilespmem:s18], [sflag:$0x2], $0x20, s29, s17, $0xb8;
	[tilespmem:$0x1FAA0] =	vst v63  }
0xa7: {  	_ =	swait.ge [sflag:s21], $0x3200  }
0xa8: {  	[sflag:s21] =	ssyncset.done $0x0  }
0xa9: {  	s11 =	sshll.u32 s1, $0x5;
	[sflag:s21] =	ssyncadd.s32 $0xFFFFCE00  }
0xaa: {  	s0 =	sor.u32 s7, s11;
	_ =	swait.ge [sflag:s21], $0x3200  }
0xab: {  	s0 =	sshrl.u32 s0, $0x3;
	[sflag:s21] =	ssyncset.done $0x0  }
0xac: {  	s31 =	simm.s32 $0x10;
	s30 =	sadd.s32 s8, s0;
	[sflag:s21] =	ssyncadd.s32 $0xFFFFCE00  }
0xad: {  	s0 =	simm.s32 $0x1;
	s6 =	simm.s32 $0x4;
	[bflag:$0x0] =	sbarrier.arrive $0xFFFF  }
0xae: {  	[hbm:s30@s31], [sflag:s10] =	dma.strided [spmem:s14@s6], $0x30E0, s0, $0x4   }
.Ltmp1:
0xaf: {  	_ =	swait.ge [sflag:s15], $0x30E0;
	(pc) =	sbr.rel @p0 .LBB2_2-.Ltmp1, $4  }
0xb0: {  	[sflag:s15] =	ssyncset.done $0x0  }
0xb1: {  	[sflag:s15] =	ssyncadd.s32 $0xFFFFCF20  }
0xb2: {  	[bflag:$0x0] =	sbarrier.arrive $0xFFFF  }
0xb3: {  	p1 =	por $0x0, $0x0  }
0xb4: {  	s1 =	rddreg [dreg:$0x6]  }
0xb5: {  	s0 =	rddreg [dreg:$0x5];
	s1 =	sadd.s32 $0x1, s1  }
0xb6: {  	p0 =	sne.s32 s1, s0  }
.Ltmp2:
0xb7: {  	_ = 	snop;
	(pc) =	sbr.rel @p0 .LBB2_1-.Ltmp2, $1  }
0xb8: {  	_ =	sdelay $0x3  }
0xb9: {  	_ =	sfence.sel $0x180000  }
0xba: {  	[bflag:$0x0] =	sbarrier.arrive $0xFFFF  }
0xbb: {  	_ =	strace $0x90000050  }
0xbc: {  	s0 =	stileid.u32;
	[bflag:$0x2] =	sbarrier.arrive $0xFFFF  }
0xbd: {  	p0 =	sne.s32 s0, $0x0;
	s0 =	rddreg [dreg:$0x2]  }
0xbe: {  	s0 =	sadd.s32 @!p0 $0x100000, s0  }
0xbf: {  	[sflag:s0] =	ssyncadd.tile.s32 @!p0 $0x1;
	_ =	shalt  }
.Lfunc_end2:
_tile_overlayer_lowered:
.L_overlay_start_2:
0xc0: {  	(tag) =	ssettag $0x2  }
0xc1: {  	s0 =	rddreg [dreg:$0x0];
	s2 =	stileid.u32  }
0xc2: {  	s1 =	rddreg [dreg:$0x1];
	p0 =	sne.s32 s2, $0x0  }
0xc3: {  	s3 =	rddreg [dreg:$0x2];
	[bflag:$0x3] =	sbarrier.arrive $0xFFFF;
	s2 =	simm.s32 @!p0 $0x1C03  }
0xc4: {  	[timem:s3], [sflag:s2] =	dma.local @!p0 [hbm:s0], s1  }
0xc5: {  	s0 =	simm.s32 @!p0 $0x3  }
0xc6: {  	_ =	swait.ge @!p0 [sflag:s0], s1  }
0xc7: {  	s1 =	ssub.s32 @!p0 $0x0, s1;
	[sflag:s0] =	ssyncset.done @!p0 $0x0  }
0xc8: {  	[sflag:s0] =	ssyncadd.s32 @!p0 s1  }
0xc9: {  	[bflag:$0x3] =	sbarrier.arrive $0xFFFF  }
0xca: {  	_ =	shalt  }

</sc_bundles>
